<compile_context>
chip_gen: v7x
topology: tpu7x:2x2x1
jax: 0.10.2.dev20260603
libtpu: 0.0.44.dev20260713+nightly
codegen_flags: <defaults>
</compile_context>

<pallas_src>
import jax
import jax.numpy as jnp
from jax import lax
from jax.experimental import pallas as pl
from jax.experimental.pallas import tpu as pltpu
from jax.experimental.pallas import tpu_sc as plsc

_B = 16384
_K = 6
_NW = 32
_QPW = _B // _NW
_DIMS = (64.0, 128.0, 256.0, 384.0, 512.0, 768.0)


def _dims_vec(iota):
    d = jnp.zeros((16,), jnp.float32)
    for i, v in enumerate(_DIMS):
        d = jnp.where(iota == i, jnp.float32(v), d)
    return d


def _sc_body(lvl_hbm, tab_hbm, sel_hbm, sdim_hbm, lg_hbm, pr_hbm, io_hbm,
             idx_v, tab_v, ptab, stab, dtab, itab,
             sbuf, dbuf, lbuf, pbuf, iobuf, s0, s1, s2, s3):
    wid = lax.axis_index("s") * 2 + lax.axis_index("c")
    base = wid * _QPW

    h_idx = pltpu.async_copy(lvl_hbm.at[pl.ds(base, _QPW)], idx_v, s0)
    h_tab = pltpu.async_copy(tab_hbm, tab_v.at[pl.ds(0, _K * _K)], s1)
    h_idx.wait()
    h_tab.wait()

    iota = lax.iota(jnp.int32, 16)
    valid = iota < _K
    iota_c = jnp.where(valid, iota, _K - 1)
    dims = _dims_vec(iota)

    sdim_vec = jnp.zeros((16,), jnp.float32)
    itab_vec = jnp.zeros((16,), jnp.int32)
    for l in range(_K):
        lsplat = jnp.full((16,), l, jnp.int32)
        row = plsc.load_gather(tab_v, [lsplat * _K + iota_c])
        m = jnp.max(jnp.where(valid, row, jnp.float32(-3e38)))
        e = jnp.where(valid, jnp.exp(row - m), jnp.float32(0.0))
        p = e / jnp.sum(e)
        pm = jnp.max(jnp.where(valid, p, jnp.float32(-1.0)))
        first = plsc.all_reduce_ffs((p == pm) & valid)
        onehot = jnp.where(iota == first, jnp.float32(1.0), jnp.float32(0.0))
        sel = (onehot - p) + p
        sdim_l = jnp.sum(sel * dims)
        fidx = lsplat * _K + iota
        plsc.store_scatter(ptab, [fidx], p, mask=valid)
        plsc.store_scatter(stab, [fidx], sel, mask=valid)
        sdim_vec = jnp.where(iota == l, sdim_l, sdim_vec)
        itab_vec = jnp.where(iota == l, first, itab_vec)
    dtab[pl.ds(0, 16)] = sdim_vec
    itab[pl.ds(0, 16)] = itab_vec

    def q_body(c, _):
        for u in range(2):
            o = c * 32 + u * 16
            lvl = idx_v[pl.ds(o, 16)]
            dbuf[pl.ds(o, 16)] = plsc.load_gather(dtab, [lvl])
            iobuf[pl.ds(o, 16)] = plsc.load_gather(itab, [lvl])
        return 0

    lax.fori_loop(0, _QPW // 32, q_body, 0)
    hs = [pltpu.async_copy(dbuf, sdim_hbm.at[pl.ds(base, _QPW)], s3),
          pltpu.async_copy(iobuf, io_hbm.at[pl.ds(base, _QPW)], s3)]

    for k in range(_K):
        def k_body(c, _, k=k):
            for u in range(2):
                o = c * 32 + u * 16
                fidx = idx_v[pl.ds(o, 16)] * _K + k
                ko = k * _QPW + o
                lbuf[pl.ds(ko, 16)] = plsc.load_gather(tab_v, [fidx])
                pbuf[pl.ds(ko, 16)] = plsc.load_gather(ptab, [fidx])
                sbuf[pl.ds(ko, 16)] = plsc.load_gather(stab, [fidx])
            return 0

        lax.fori_loop(0, _QPW // 32, k_body, 0)
        hs.append(pltpu.async_copy(
            sbuf.at[pl.ds(k * _QPW, _QPW)],
            sel_hbm.at[k, pl.ds(base, _QPW)], s0))
        hs.append(pltpu.async_copy(
            lbuf.at[pl.ds(k * _QPW, _QPW)],
            lg_hbm.at[k, pl.ds(base, _QPW)], s1))
        hs.append(pltpu.async_copy(
            pbuf.at[pl.ds(k * _QPW, _QPW)],
            pr_hbm.at[k, pl.ds(base, _QPW)], s2))
    for h in hs:
        h.wait()


def _sc_call(bloom_levels, tab_flat):
    mesh = plsc.VectorSubcoreMesh(core_axis_name="c", subcore_axis_name="s")
    out_type = (
        jax.ShapeDtypeStruct((_K, _B), jnp.float32),
        jax.ShapeDtypeStruct((_B,), jnp.float32),
        jax.ShapeDtypeStruct((_K, _B), jnp.float32),
        jax.ShapeDtypeStruct((_K, _B), jnp.float32),
        jax.ShapeDtypeStruct((_B,), jnp.int32),
    )
    scratch = [
        pltpu.VMEM((_QPW,), jnp.int32),
        pltpu.VMEM((128,), jnp.float32),
        pltpu.VMEM((128,), jnp.float32),
        pltpu.VMEM((128,), jnp.float32),
        pltpu.VMEM((128,), jnp.float32),
        pltpu.VMEM((128,), jnp.int32),
        pltpu.VMEM((_QPW * _K,), jnp.float32),
        pltpu.VMEM((_QPW,), jnp.float32),
        pltpu.VMEM((_QPW * _K,), jnp.float32),
        pltpu.VMEM((_QPW * _K,), jnp.float32),
        pltpu.VMEM((_QPW,), jnp.int32),
        pltpu.SemaphoreType.DMA,
        pltpu.SemaphoreType.DMA,
        pltpu.SemaphoreType.DMA,
        pltpu.SemaphoreType.DMA,
    ]
    return pl.kernel(
        _sc_body, out_type=out_type, mesh=mesh, scratch_types=scratch,
        compiler_params=pltpu.CompilerParams(needs_layout_passes=False),
    )(bloom_levels, tab_flat)


def _tc_body(tab_ref, lvl_ref, avg_ref, ent_ref, td_ref):
    lg = tab_ref[...]
    lvl1 = lvl_ref[...]
    m = jnp.max(lg, axis=1, keepdims=True)
    e = jnp.exp(lg - m)
    p = e / jnp.sum(e, axis=1, keepdims=True)
    iota2d = lax.broadcasted_iota(jnp.int32, (_K, _K), 1)
    dims2d = jnp.zeros((_K, _K), jnp.float32)
    for i, v in enumerate(_DIMS):
        dims2d = jnp.where(iota2d == i, jnp.float32(v), dims2d)
    td_ref[...] = jnp.sum(p * dims2d, axis=1, keepdims=True)
    ent_l = -jnp.sum(p * jnp.log(p + 1e-10), axis=1, keepdims=True)
    pm = jnp.max(p, axis=1, keepdims=True)
    first = jnp.min(jnp.where(p == pm, iota2d, _K), axis=1, keepdims=True)
    hard = (iota2d == first).astype(jnp.float32)
    sdim_l = jnp.sum(((hard - p) + p) * dims2d, axis=1, keepdims=True)
    iota16 = lax.broadcasted_iota(jnp.int32, (1, _K), 1)
    c6 = jnp.zeros((1, _K), jnp.float32)
    for l in range(_K):
        cl = jnp.sum((lvl1 == l).astype(jnp.float32))
        c6 = jnp.where(iota16 == l, cl, c6)
    inv_b = jnp.float32(1.0 / _B)
    avg_ref[...] = jnp.dot(c6, sdim_l, preferred_element_type=jnp.float32) * inv_b
    ent_ref[...] = jnp.dot(c6, ent_l, preferred_element_type=jnp.float32) * inv_b


def _tc_call(bloom_dim_logits, lvl1d):
    return pl.pallas_call(
        _tc_body,
        out_shape=(
            jax.ShapeDtypeStruct((1, 1), jnp.float32),
            jax.ShapeDtypeStruct((1, 1), jnp.float32),
            jax.ShapeDtypeStruct((_K, 1), jnp.float32),
        ),
    )(bloom_dim_logits, lvl1d)


def kernel(bloom_levels, bloom_dim_logits):
    lvl = bloom_levels.astype(jnp.int32)
    tab = bloom_dim_logits.astype(jnp.float32)
    sel_c, sdim, lg_c, pr_c, idx = _sc_call(lvl, tab.reshape(_K * _K))
    avg11, ent11, td61 = _tc_call(tab, lvl)
    selection = jnp.transpose(sel_c)
    logits = jnp.transpose(lg_c)
    probs = jnp.transpose(pr_c)
    avg_dim = avg11.reshape(())
    entropy = ent11.reshape(())
    table_dims = td61.reshape(_K)
    return (selection, sdim, avg_dim, entropy, table_dims, logits, probs, idx)

# --- scband reference (transcript-rebuilt; emitter-appended) ---
"""Pipeline reference for scband-bloom-dim-mapping-30468497998107 (READ-ONLY COPY).

The authoritative reference and input builder live on the scoring server;
editing this copy changes nothing except your own understanding.
"""

import jax, jax.numpy as jnp
import numpy as np

NUM_BLOOMS = 6
DIMS_LIST = [64.0, 128.0, 256.0, 384.0, 512.0, 768.0]
NUM_DIMS = len(DIMS_LIST)
BATCH = 16384


def _init_logits():
    b = np.arange(NUM_BLOOMS, dtype=np.float64)[:, None]
    d = np.arange(NUM_DIMS, dtype=np.float64)[None, :]
    center = b * (NUM_DIMS - 1) / (NUM_BLOOMS - 1)
    logits = -0.5 * (d - center) ** 2
    return jnp.asarray(logits, dtype=jnp.float32)


def setup_inputs(seed: int = 0) -> dict:
    key = jax.random.key(seed)
    k1, _ = jax.random.split(key)
    bloom_levels = jax.random.randint(k1, (BATCH,), 0, NUM_BLOOMS, dtype=jnp.int64 if jax.config.jax_enable_x64 else jnp.int32)
    return {"bloom_levels": bloom_levels, "bloom_dim_logits": _init_logits()}


def reference(bloom_levels, bloom_dim_logits):
    # Eval-mode path: self.training == False -> hard = True, softmax (no gumbel noise).
    dims = jnp.asarray(DIMS_LIST, dtype=jnp.float32)
    # gather: per-query logits [B, K]
    logits = jnp.take(bloom_dim_logits, bloom_levels, axis=0)
    soft = jax.nn.softmax(logits, axis=-1)
    # hard straight-through selection
    idx = jnp.argmax(soft, axis=-1)
    hard_sel = jax.nn.one_hot(idx, logits.shape[-1], dtype=soft.dtype)
    selection = hard_sel - jax.lax.stop_gradient(soft) + soft
    selected_dim = jnp.sum(selection * dims, axis=-1)
    avg_dim = jnp.mean(selected_dim)
    probs = jax.nn.softmax(logits, axis=-1)
    entropy = jnp.mean(-jnp.sum(probs * jnp.log(probs + 1e-10), axis=-1))
    # no_grad table
    full_probs = jax.nn.softmax(jax.lax.stop_gradient(bloom_dim_logits), axis=-1)
    table_dims = jnp.sum(full_probs * dims[None, :], axis=-1)
    indices = jnp.argmax(probs, axis=-1)
    return (selection, selected_dim, avg_dim, entropy, table_dims, logits, probs, indices)

if __name__ == "__main__":
    import jax
    _d = setup_inputs()
    print(jax.jit(kernel)(*tuple(_d.values())))

</pallas_src>

<mosaic_0001>
#map = affine_map<(d0, d1) -> (0)>
#map1 = affine_map<(d0, d1) -> (0, 0)>
module attributes {stable_mosaic.version = 14 : i64} {
  func.func @_sc_body(%arg0: i32, %arg1: i32, %arg2: memref<16384xi32, #tpu.memory_space<hbm>>, %arg3: memref<36xf32, #tpu.memory_space<hbm>>, %arg4: memref<6x16384xf32, #tpu.memory_space<hbm>>, %arg5: memref<16384xf32, #tpu.memory_space<hbm>>, %arg6: memref<6x16384xf32, #tpu.memory_space<hbm>>, %arg7: memref<6x16384xf32, #tpu.memory_space<hbm>>, %arg8: memref<16384xi32, #tpu.memory_space<hbm>>, %arg9: memref<512xi32, #tpu.memory_space<vmem>>, %arg10: memref<128xf32, #tpu.memory_space<vmem>>, %arg11: memref<128xf32, #tpu.memory_space<vmem>>, %arg12: memref<128xf32, #tpu.memory_space<vmem>>, %arg13: memref<128xf32, #tpu.memory_space<vmem>>, %arg14: memref<128xi32, #tpu.memory_space<vmem>>, %arg15: memref<3072xf32, #tpu.memory_space<vmem>>, %arg16: memref<512xf32, #tpu.memory_space<vmem>>, %arg17: memref<3072xf32, #tpu.memory_space<vmem>>, %arg18: memref<3072xf32, #tpu.memory_space<vmem>>, %arg19: memref<512xi32, #tpu.memory_space<vmem>>, %arg20: memref<!tpu.dma_semaphore, #tpu.memory_space<semaphore_mem>>, %arg21: memref<!tpu.dma_semaphore, #tpu.memory_space<semaphore_mem>>, %arg22: memref<!tpu.dma_semaphore, #tpu.memory_space<semaphore_mem>>, %arg23: memref<!tpu.dma_semaphore, #tpu.memory_space<semaphore_mem>>) attributes {dimension_semantics = [#tpu.dimension_semantics<core_parallel>, #tpu.dimension_semantics<subcore_parallel>], iteration_bounds = array<i64: 2, 16>, scalar_prefetch = 0 : i64, scratch_operands = 15 : i64, tpu.core_type = #tpu.core_type<sc_vector_subcore>, window_params = [{transform_indices = #map}, {transform_indices = #map}, {transform_indices = #map1}, {transform_indices = #map}, {transform_indices = #map1}, {transform_indices = #map1}, {transform_indices = #map}]} {
    %mul3A = arith.constant 2 : i32
    %mul3A_0 = arith.muli %arg1, %mul3A : i32
    %add3A = arith.addi %mul3A_0, %arg0 : i32
    %mul3A_1 = arith.constant 512 : i32
    %mul3A_2 = arith.muli %add3A, %mul3A_1 : i32
    %dma_start3A = tpu.memref_slice %arg2[%mul3A_2] : memref<16384xi32, #tpu.memory_space<hbm>> -> memref<512xi32, #tpu.memory_space<hbm>>
    %dma_start3A_3 = tpu.memref_slice %arg2[%mul3A_2] : memref<16384xi32, #tpu.memory_space<hbm>> -> memref<512xi32, #tpu.memory_space<hbm>>
    tpu.enqueue_dma source(%dma_start3A_3 : memref<512xi32, #tpu.memory_space<hbm>>) target(%arg9 : memref<512xi32, #tpu.memory_space<vmem>>) target_semaphore(%arg20 : memref<!tpu.dma_semaphore, #tpu.memory_space<semaphore_mem>>)
    %dma_start3A_4 = arith.constant 0 : i32
    %dma_start3A_5 = tpu.memref_slice %arg10[%dma_start3A_4] : memref<128xf32, #tpu.memory_space<vmem>> -> memref<36xf32, #tpu.memory_space<vmem>>
    %dma_start3A_6 = arith.constant 0 : i32
    %dma_start3A_7 = tpu.memref_slice %arg10[%dma_start3A_6] : memref<128xf32, #tpu.memory_space<vmem>> -> memref<36xf32, #tpu.memory_space<vmem>>
    tpu.enqueue_dma source(%arg3 : memref<36xf32, #tpu.memory_space<hbm>>) target(%dma_start3A_7 : memref<36xf32, #tpu.memory_space<vmem>>) target_semaphore(%arg21 : memref<!tpu.dma_semaphore, #tpu.memory_space<semaphore_mem>>)
    %dma_wait3A = tpu.memref_slice %arg2[%mul3A_2] : memref<16384xi32, #tpu.memory_space<hbm>> -> memref<512xi32, #tpu.memory_space<hbm>>
    %dma_wait3A_8 = tpu.memref_slice %arg2[%mul3A_2] : memref<16384xi32, #tpu.memory_space<hbm>> -> memref<512xi32, #tpu.memory_space<hbm>>
    tpu.wait_dma2 semaphore(%arg20 : memref<!tpu.dma_semaphore, #tpu.memory_space<semaphore_mem>>) src(%dma_wait3A_8 : memref<512xi32, #tpu.memory_space<hbm>>) dst(%arg9 : memref<512xi32, #tpu.memory_space<vmem>>)
    %dma_wait3A_9 = arith.constant 0 : i32
    %dma_wait3A_10 = tpu.memref_slice %arg10[%dma_wait3A_9] : memref<128xf32, #tpu.memory_space<vmem>> -> memref<36xf32, #tpu.memory_space<vmem>>
    %dma_wait3A_11 = arith.constant 0 : i32
    %dma_wait3A_12 = tpu.memref_slice %arg10[%dma_wait3A_11] : memref<128xf32, #tpu.memory_space<vmem>> -> memref<36xf32, #tpu.memory_space<vmem>>
    tpu.wait_dma2 semaphore(%arg21 : memref<!tpu.dma_semaphore, #tpu.memory_space<semaphore_mem>>) src(%arg3 : memref<36xf32, #tpu.memory_space<hbm>>) dst(%dma_wait3A_12 : memref<36xf32, #tpu.memory_space<vmem>>)
    %iota3A = tpu.iota {dimensions = array<i32: 0>} : vector<16xi32>
    %lt3A = arith.constant 6 : i32
    %lt3A_13 = vector.broadcast %lt3A : i32 to vector<16xi32>
    %lt3A_14 = arith.cmpi slt, %iota3A, %lt3A_13 : vector<16xi32>
    %jit3A = arith.constant 5 : i32
    %broadcast_in_dim3A = vector.broadcast %jit3A : i32 to vector<16xi32>
    %select_n3A = arith.select %lt3A_14, %iota3A, %broadcast_in_dim3A : vector<16xi1>, vector<16xi32>
    %broadcast_in_dim3A_15 = arith.constant 0.000000e+00 : f32
    %broadcast_in_dim3A_16 = vector.broadcast %broadcast_in_dim3A_15 : f32 to vector<16xf32>
    %eq3A = arith.constant 0 : i32
    %eq3A_17 = vector.broadcast %eq3A : i32 to vector<16xi32>
    %eq3A_18 = arith.cmpi eq, %iota3A, %eq3A_17 : vector<16xi32>
    %jit3A_19 = arith.constant 6.400000e+01 : f32
    %broadcast_in_dim3A_20 = vector.broadcast %jit3A_19 : f32 to vector<16xf32>
    %select_n3A_21 = arith.select %eq3A_18, %broadcast_in_dim3A_20, %broadcast_in_dim3A_16 : vector<16xi1>, vector<16xf32>
    %eq3A_22 = arith.constant 1 : i32
    %eq3A_23 = vector.broadcast %eq3A_22 : i32 to vector<16xi32>
    %eq3A_24 = arith.cmpi eq, %iota3A, %eq3A_23 : vector<16xi32>
    %jit3A_25 = arith.constant 1.280000e+02 : f32
    %broadcast_in_dim3A_26 = vector.broadcast %jit3A_25 : f32 to vector<16xf32>
    %select_n3A_27 = arith.select %eq3A_24, %broadcast_in_dim3A_26, %select_n3A_21 : vector<16xi1>, vector<16xf32>
    %eq3A_28 = arith.constant 2 : i32
    %eq3A_29 = vector.broadcast %eq3A_28 : i32 to vector<16xi32>
    %eq3A_30 = arith.cmpi eq, %iota3A, %eq3A_29 : vector<16xi32>
    %jit3A_31 = arith.constant 2.560000e+02 : f32
    %broadcast_in_dim3A_32 = vector.broadcast %jit3A_31 : f32 to vector<16xf32>
    %select_n3A_33 = arith.select %eq3A_30, %broadcast_in_dim3A_32, %select_n3A_27 : vector<16xi1>, vector<16xf32>
    %eq3A_34 = arith.constant 3 : i32
    %eq3A_35 = vector.broadcast %eq3A_34 : i32 to vector<16xi32>
    %eq3A_36 = arith.cmpi eq, %iota3A, %eq3A_35 : vector<16xi32>
    %jit3A_37 = arith.constant 3.840000e+02 : f32
    %broadcast_in_dim3A_38 = vector.broadcast %jit3A_37 : f32 to vector<16xf32>
    %select_n3A_39 = arith.select %eq3A_36, %broadcast_in_dim3A_38, %select_n3A_33 : vector<16xi1>, vector<16xf32>
    %eq3A_40 = arith.constant 4 : i32
    %eq3A_41 = vector.broadcast %eq3A_40 : i32 to vector<16xi32>
    %eq3A_42 = arith.cmpi eq, %iota3A, %eq3A_41 : vector<16xi32>
    %jit3A_43 = arith.constant 5.120000e+02 : f32
    %broadcast_in_dim3A_44 = vector.broadcast %jit3A_43 : f32 to vector<16xf32>
    %select_n3A_45 = arith.select %eq3A_42, %broadcast_in_dim3A_44, %select_n3A_39 : vector<16xi1>, vector<16xf32>
    %eq3A_46 = arith.constant 5 : i32
    %eq3A_47 = vector.broadcast %eq3A_46 : i32 to vector<16xi32>
    %eq3A_48 = arith.cmpi eq, %iota3A, %eq3A_47 : vector<16xi32>
    %jit3A_49 = arith.constant 7.680000e+02 : f32
    %broadcast_in_dim3A_50 = vector.broadcast %jit3A_49 : f32 to vector<16xf32>
    %select_n3A_51 = arith.select %eq3A_48, %broadcast_in_dim3A_50, %select_n3A_45 : vector<16xi1>, vector<16xf32>
    %broadcast_in_dim3A_52 = arith.constant 0.000000e+00 : f32
    %broadcast_in_dim3A_53 = vector.broadcast %broadcast_in_dim3A_52 : f32 to vector<16xf32>
    %broadcast_in_dim3A_54 = arith.constant 0 : i32
    %broadcast_in_dim3A_55 = vector.broadcast %broadcast_in_dim3A_54 : i32 to vector<16xi32>
    %broadcast_in_dim3A_56 = arith.constant 0 : i32
    %broadcast_in_dim3A_57 = vector.broadcast %broadcast_in_dim3A_56 : i32 to vector<16xi32>
    %mul3A_58 = arith.constant 6 : i32
    %mul3A_59 = vector.broadcast %mul3A_58 : i32 to vector<16xi32>
    %mul3A_60 = arith.muli %broadcast_in_dim3A_57, %mul3A_59 : vector<16xi32>
    %add3A_61 = arith.addi %mul3A_60, %select_n3A : vector<16xi32>
    %gather3A = tpu.vector_load_idx %arg10[%add3A_61] : memref<128xf32, #tpu.memory_space<vmem>>[vector<16xi32>], vector<16xf32>,
    %jit3A_62 = arith.constant -3.000000e+38 : f32
    %broadcast_in_dim3A_63 = vector.broadcast %jit3A_62 : f32 to vector<16xf32>
    %select_n3A_64 = arith.select %lt3A_14, %gather3A, %broadcast_in_dim3A_63 : vector<16xi1>, vector<16xf32>
    %reduce_max3A = arith.constant true
    %reduce_max3A_65 = vector.broadcast %reduce_max3A : i1 to vector<16xi1>
    %reduce_max3A_66 = tpu.scan <max>, %select_n3A_64 masked %reduce_max3A_65 : vector<16xf32>, vector<16xi1> -> vector<16xf32>
    %reduce_max3A_67 = vector.extract %reduce_max3A_66[15] : f32 from vector<16xf32>
    %sub3A = vector.broadcast %reduce_max3A_67 : f32 to vector<16xf32>
    %sub3A_68 = arith.subf %gather3A, %sub3A : vector<16xf32>
    %exp3A = math.exp %sub3A_68 : vector<16xf32>
    %jit3A_69 = arith.constant 0.000000e+00 : f32
    %broadcast_in_dim3A_70 = vector.broadcast %jit3A_69 : f32 to vector<16xf32>
    %select_n3A_71 = arith.select %lt3A_14, %exp3A, %broadcast_in_dim3A_70 : vector<16xi1>, vector<16xf32>
    %reduce_sum3A = arith.constant true
    %reduce_sum3A_72 = vector.broadcast %reduce_sum3A : i1 to vector<16xi1>
    %reduce_sum3A_73 = tpu.scan <sum>, %select_n3A_71 masked %reduce_sum3A_72 : vector<16xf32>, vector<16xi1> -> vector<16xf32>
    %reduce_sum3A_74 = vector.extract %reduce_sum3A_73[15] : f32 from vector<16xf32>
    %div3A = vector.broadcast %reduce_sum3A_74 : f32 to vector<16xf32>
    %div3A_75 = arith.divf %select_n3A_71, %div3A : vector<16xf32>
    %jit3A_76 = arith.constant -1.000000e+00 : f32
    %broadcast_in_dim3A_77 = vector.broadcast %jit3A_76 : f32 to vector<16xf32>
    %select_n3A_78 = arith.select %lt3A_14, %div3A_75, %broadcast_in_dim3A_77 : vector<16xi1>, vector<16xf32>
    %reduce_max3A_79 = arith.constant true
    %reduce_max3A_80 = vector.broadcast %reduce_max3A_79 : i1 to vector<16xi1>
    %reduce_max3A_81 = tpu.scan <max>, %select_n3A_78 masked %reduce_max3A_80 : vector<16xf32>, vector<16xi1> -> vector<16xf32>
    %reduce_max3A_82 = vector.extract %reduce_max3A_81[15] : f32 from vector<16xf32>
    %eq3A_83 = vector.broadcast %reduce_max3A_82 : f32 to vector<16xf32>
    %eq3A_84 = arith.cmpf oeq, %div3A_75, %eq3A_83 : vector<16xf32>
    %and3A = arith.andi %eq3A_84, %lt3A_14 : vector<16xi1>
    %all_reduce_ffs3A = tpu.all_reduce %and3A {dim = 0 : i64, kind = #tpu.reduction_kind<find_first_set>} : vector<16xi1> -> vector<16xi32>
    %eq3A_85 = arith.cmpi eq, %iota3A, %all_reduce_ffs3A : vector<16xi32>
    %jit3A_86 = arith.constant 1.000000e+00 : f32
    %jit3A_87 = arith.constant 0.000000e+00 : f32
    %broadcast_in_dim3A_88 = vector.broadcast %jit3A_86 : f32 to vector<16xf32>
    %broadcast_in_dim3A_89 = vector.broadcast %jit3A_87 : f32 to vector<16xf32>
    %select_n3A_90 = arith.select %eq3A_85, %broadcast_in_dim3A_88, %broadcast_in_dim3A_89 : vector<16xi1>, vector<16xf32>
    %sub3A_91 = arith.subf %select_n3A_90, %div3A_75 : vector<16xf32>
    %add3A_92 = arith.addf %sub3A_91, %div3A_75 : vector<16xf32>
    %mul3A_93 = arith.mulf %add3A_92, %select_n3A_51 : vector<16xf32>
    %reduce_sum3A_94 = arith.constant true
    %reduce_sum3A_95 = vector.broadcast %reduce_sum3A_94 : i1 to vector<16xi1>
    %reduce_sum3A_96 = tpu.scan <sum>, %mul3A_93 masked %reduce_sum3A_95 : vector<16xf32>, vector<16xi1> -> vector<16xf32>
    %reduce_sum3A_97 = vector.extract %reduce_sum3A_96[15] : f32 from vector<16xf32>
    %mul3A_98 = arith.constant 6 : i32
    %mul3A_99 = vector.broadcast %mul3A_98 : i32 to vector<16xi32>
    %mul3A_100 = arith.muli %broadcast_in_dim3A_57, %mul3A_99 : vector<16xi32>
    %add3A_101 = arith.addi %mul3A_100, %iota3A : vector<16xi32>
    tpu.vector_store_idx %arg11[%add3A_101], %div3A_75 masked %lt3A_14 : memref<128xf32, #tpu.memory_space<vmem>>[vector<16xi32>], vector<16xf32>, vector<16xi1>
    tpu.vector_store_idx %arg12[%add3A_101], %add3A_92 masked %lt3A_14 : memref<128xf32, #tpu.memory_space<vmem>>[vector<16xi32>], vector<16xf32>, vector<16xi1>
    %eq3A_102 = arith.constant 0 : i32
    %eq3A_103 = vector.broadcast %eq3A_102 : i32 to vector<16xi32>
    %eq3A_104 = arith.cmpi eq, %iota3A, %eq3A_103 : vector<16xi32>
    %broadcast_in_dim3A_105 = vector.broadcast %reduce_sum3A_97 : f32 to vector<16xf32>
    %select_n3A_106 = arith.select %eq3A_104, %broadcast_in_dim3A_105, %broadcast_in_dim3A_53 : vector<16xi1>, vector<16xf32>
    %eq3A_107 = arith.constant 0 : i32
    %eq3A_108 = vector.broadcast %eq3A_107 : i32 to vector<16xi32>
    %eq3A_109 = arith.cmpi eq, %iota3A, %eq3A_108 : vector<16xi32>
    %select_n3A_110 = arith.select %eq3A_109, %all_reduce_ffs3A, %broadcast_in_dim3A_55 : vector<16xi1>, vector<16xi32>
    %broadcast_in_dim3A_111 = arith.constant 1 : i32
    %broadcast_in_dim3A_112 = vector.broadcast %broadcast_in_dim3A_111 : i32 to vector<16xi32>
    %mul3A_113 = arith.constant 6 : i32
    %mul3A_114 = vector.broadcast %mul3A_113 : i32 to vector<16xi32>
    %mul3A_115 = arith.muli %broadcast_in_dim3A_112, %mul3A_114 : vector<16xi32>
    %add3A_116 = arith.addi %mul3A_115, %select_n3A : vector<16xi32>
    %gather3A_117 = tpu.vector_load_idx %arg10[%add3A_116] : memref<128xf32, #tpu.memory_space<vmem>>[vector<16xi32>], vector<16xf32>,
    %jit3A_118 = arith.constant -3.000000e+38 : f32
    %broadcast_in_dim3A_119 = vector.broadcast %jit3A_118 : f32 to vector<16xf32>
    %select_n3A_120 = arith.select %lt3A_14, %gather3A_117, %broadcast_in_dim3A_119 : vector<16xi1>, vector<16xf32>
    %reduce_max3A_121 = arith.constant true
    %reduce_max3A_122 = vector.broadcast %reduce_max3A_121 : i1 to vector<16xi1>
    %reduce_max3A_123 = tpu.scan <max>, %select_n3A_120 masked %reduce_max3A_122 : vector<16xf32>, vector<16xi1> -> vector<16xf32>
    %reduce_max3A_124 = vector.extract %reduce_max3A_123[15] : f32 from vector<16xf32>
    %sub3A_125 = vector.broadcast %reduce_max3A_124 : f32 to vector<16xf32>
    %sub3A_126 = arith.subf %gather3A_117, %sub3A_125 : vector<16xf32>
    %exp3A_127 = math.exp %sub3A_126 : vector<16xf32>
    %jit3A_128 = arith.constant 0.000000e+00 : f32
    %broadcast_in_dim3A_129 = vector.broadcast %jit3A_128 : f32 to vector<16xf32>
    %select_n3A_130 = arith.select %lt3A_14, %exp3A_127, %broadcast_in_dim3A_129 : vector<16xi1>, vector<16xf32>
    %reduce_sum3A_131 = arith.constant true
    %reduce_sum3A_132 = vector.broadcast %reduce_sum3A_131 : i1 to vector<16xi1>
    %reduce_sum3A_133 = tpu.scan <sum>, %select_n3A_130 masked %reduce_sum3A_132 : vector<16xf32>, vector<16xi1> -> vector<16xf32>
    %reduce_sum3A_134 = vector.extract %reduce_sum3A_133[15] : f32 from vector<16xf32>
    %div3A_135 = vector.broadcast %reduce_sum3A_134 : f32 to vector<16xf32>
    %div3A_136 = arith.divf %select_n3A_130, %div3A_135 : vector<16xf32>
    %jit3A_137 = arith.constant -1.000000e+00 : f32
    %broadcast_in_dim3A_138 = vector.broadcast %jit3A_137 : f32 to vector<16xf32>
    %select_n3A_139 = arith.select %lt3A_14, %div3A_136, %broadcast_in_dim3A_138 : vector<16xi1>, vector<16xf32>
    %reduce_max3A_140 = arith.constant true
    %reduce_max3A_141 = vector.broadcast %reduce_max3A_140 : i1 to vector<16xi1>
    %reduce_max3A_142 = tpu.scan <max>, %select_n3A_139 masked %reduce_max3A_141 : vector<16xf32>, vector<16xi1> -> vector<16xf32>
    %reduce_max3A_143 = vector.extract %reduce_max3A_142[15] : f32 from vector<16xf32>
    %eq3A_144 = vector.broadcast %reduce_max3A_143 : f32 to vector<16xf32>
    %eq3A_145 = arith.cmpf oeq, %div3A_136, %eq3A_144 : vector<16xf32>
    %and3A_146 = arith.andi %eq3A_145, %lt3A_14 : vector<16xi1>
    %all_reduce_ffs3A_147 = tpu.all_reduce %and3A_146 {dim = 0 : i64, kind = #tpu.reduction_kind<find_first_set>} : vector<16xi1> -> vector<16xi32>
    %eq3A_148 = arith.cmpi eq, %iota3A, %all_reduce_ffs3A_147 : vector<16xi32>
    %jit3A_149 = arith.constant 1.000000e+00 : f32
    %jit3A_150 = arith.constant 0.000000e+00 : f32
    %broadcast_in_dim3A_151 = vector.broadcast %jit3A_149 : f32 to vector<16xf32>
    %broadcast_in_dim3A_152 = vector.broadcast %jit3A_150 : f32 to vector<16xf32>
    %select_n3A_153 = arith.select %eq3A_148, %broadcast_in_dim3A_151, %broadcast_in_dim3A_152 : vector<16xi1>, vector<16xf32>
    %sub3A_154 = arith.subf %select_n3A_153, %div3A_136 : vector<16xf32>
    %add3A_155 = arith.addf %sub3A_154, %div3A_136 : vector<16xf32>
    %mul3A_156 = arith.mulf %add3A_155, %select_n3A_51 : vector<16xf32>
    %reduce_sum3A_157 = arith.constant true
    %reduce_sum3A_158 = vector.broadcast %reduce_sum3A_157 : i1 to vector<16xi1>
    %reduce_sum3A_159 = tpu.scan <sum>, %mul3A_156 masked %reduce_sum3A_158 : vector<16xf32>, vector<16xi1> -> vector<16xf32>
    %reduce_sum3A_160 = vector.extract %reduce_sum3A_159[15] : f32 from vector<16xf32>
    %mul3A_161 = arith.constant 6 : i32
    %mul3A_162 = vector.broadcast %mul3A_161 : i32 to vector<16xi32>
    %mul3A_163 = arith.muli %broadcast_in_dim3A_112, %mul3A_162 : vector<16xi32>
    %add3A_164 = arith.addi %mul3A_163, %iota3A : vector<16xi32>
    tpu.vector_store_idx %arg11[%add3A_164], %div3A_136 masked %lt3A_14 : memref<128xf32, #tpu.memory_space<vmem>>[vector<16xi32>], vector<16xf32>, vector<16xi1>
    tpu.vector_store_idx %arg12[%add3A_164], %add3A_155 masked %lt3A_14 : memref<128xf32, #tpu.memory_space<vmem>>[vector<16xi32>], vector<16xf32>, vector<16xi1>
    %eq3A_165 = arith.constant 1 : i32
    %eq3A_166 = vector.broadcast %eq3A_165 : i32 to vector<16xi32>
    %eq3A_167 = arith.cmpi eq, %iota3A, %eq3A_166 : vector<16xi32>
    %broadcast_in_dim3A_168 = vector.broadcast %reduce_sum3A_160 : f32 to vector<16xf32>
    %select_n3A_169 = arith.select %eq3A_167, %broadcast_in_dim3A_168, %select_n3A_106 : vector<16xi1>, vector<16xf32>
    %eq3A_170 = arith.constant 1 : i32
    %eq3A_171 = vector.broadcast %eq3A_170 : i32 to vector<16xi32>
    %eq3A_172 = arith.cmpi eq, %iota3A, %eq3A_171 : vector<16xi32>
    %select_n3A_173 = arith.select %eq3A_172, %all_reduce_ffs3A_147, %select_n3A_110 : vector<16xi1>, vector<16xi32>
    %broadcast_in_dim3A_174 = arith.constant 2 : i32
    %broadcast_in_dim3A_175 = vector.broadcast %broadcast_in_dim3A_174 : i32 to vector<16xi32>
    %mul3A_176 = arith.constant 6 : i32
    %mul3A_177 = vector.broadcast %mul3A_176 : i32 to vector<16xi32>
    %mul3A_178 = arith.muli %broadcast_in_dim3A_175, %mul3A_177 : vector<16xi32>
    %add3A_179 = arith.addi %mul3A_178, %select_n3A : vector<16xi32>
    %gather3A_180 = tpu.vector_load_idx %arg10[%add3A_179] : memref<128xf32, #tpu.memory_space<vmem>>[vector<16xi32>], vector<16xf32>,
    %jit3A_181 = arith.constant -3.000000e+38 : f32
    %broadcast_in_dim3A_182 = vector.broadcast %jit3A_181 : f32 to vector<16xf32>
    %select_n3A_183 = arith.select %lt3A_14, %gather3A_180, %broadcast_in_dim3A_182 : vector<16xi1>, vector<16xf32>
    %reduce_max3A_184 = arith.constant true
    %reduce_max3A_185 = vector.broadcast %reduce_max3A_184 : i1 to vector<16xi1>
    %reduce_max3A_186 = tpu.scan <max>, %select_n3A_183 masked %reduce_max3A_185 : vector<16xf32>, vector<16xi1> -> vector<16xf32>
    %reduce_max3A_187 = vector.extract %reduce_max3A_186[15] : f32 from vector<16xf32>
    %sub3A_188 = vector.broadcast %reduce_max3A_187 : f32 to vector<16xf32>
    %sub3A_189 = arith.subf %gather3A_180, %sub3A_188 : vector<16xf32>
    %exp3A_190 = math.exp %sub3A_189 : vector<16xf32>
    %jit3A_191 = arith.constant 0.000000e+00 : f32
    %broadcast_in_dim3A_192 = vector.broadcast %jit3A_191 : f32 to vector<16xf32>
    %select_n3A_193 = arith.select %lt3A_14, %exp3A_190, %broadcast_in_dim3A_192 : vector<16xi1>, vector<16xf32>
    %reduce_sum3A_194 = arith.constant true
    %reduce_sum3A_195 = vector.broadcast %reduce_sum3A_194 : i1 to vector<16xi1>
    %reduce_sum3A_196 = tpu.scan <sum>, %select_n3A_193 masked %reduce_sum3A_195 : vector<16xf32>, vector<16xi1> -> vector<16xf32>
    %reduce_sum3A_197 = vector.extract %reduce_sum3A_196[15] : f32 from vector<16xf32>
    %div3A_198 = vector.broadcast %reduce_sum3A_197 : f32 to vector<16xf32>
    %div3A_199 = arith.divf %select_n3A_193, %div3A_198 : vector<16xf32>
    %jit3A_200 = arith.constant -1.000000e+00 : f32
    %broadcast_in_dim3A_201 = vector.broadcast %jit3A_200 : f32 to vector<16xf32>
    %select_n3A_202 = arith.select %lt3A_14, %div3A_199, %broadcast_in_dim3A_201 : vector<16xi1>, vector<16xf32>
    %reduce_max3A_203 = arith.constant true
    %reduce_max3A_204 = vector.broadcast %reduce_max3A_203 : i1 to vector<16xi1>
    %reduce_max3A_205 = tpu.scan <max>, %select_n3A_202 masked %reduce_max3A_204 : vector<16xf32>, vector<16xi1> -> vector<16xf32>
    %reduce_max3A_206 = vector.extract %reduce_max3A_205[15] : f32 from vector<16xf32>
    %eq3A_207 = vector.broadcast %reduce_max3A_206 : f32 to vector<16xf32>
    %eq3A_208 = arith.cmpf oeq, %div3A_199, %eq3A_207 : vector<16xf32>
    %and3A_209 = arith.andi %eq3A_208, %lt3A_14 : vector<16xi1>
    %all_reduce_ffs3A_210 = tpu.all_reduce %and3A_209 {dim = 0 : i64, kind = #tpu.reduction_kind<find_first_set>} : vector<16xi1> -> vector<16xi32>
    %eq3A_211 = arith.cmpi eq, %iota3A, %all_reduce_ffs3A_210 : vector<16xi32>
    %jit3A_212 = arith.constant 1.000000e+00 : f32
    %jit3A_213 = arith.constant 0.000000e+00 : f32
    %broadcast_in_dim3A_214 = vector.broadcast %jit3A_212 : f32 to vector<16xf32>
    %broadcast_in_dim3A_215 = vector.broadcast %jit3A_213 : f32 to vector<16xf32>
    %select_n3A_216 = arith.select %eq3A_211, %broadcast_in_dim3A_214, %broadcast_in_dim3A_215 : vector<16xi1>, vector<16xf32>
    %sub3A_217 = arith.subf %select_n3A_216, %div3A_199 : vector<16xf32>
    %add3A_218 = arith.addf %sub3A_217, %div3A_199 : vector<16xf32>
    %mul3A_219 = arith.mulf %add3A_218, %select_n3A_51 : vector<16xf32>
    %reduce_sum3A_220 = arith.constant true
    %reduce_sum3A_221 = vector.broadcast %reduce_sum3A_220 : i1 to vector<16xi1>
    %reduce_sum3A_222 = tpu.scan <sum>, %mul3A_219 masked %reduce_sum3A_221 : vector<16xf32>, vector<16xi1> -> vector<16xf32>
    %reduce_sum3A_223 = vector.extract %reduce_sum3A_222[15] : f32 from vector<16xf32>
    %mul3A_224 = arith.constant 6 : i32
    %mul3A_225 = vector.broadcast %mul3A_224 : i32 to vector<16xi32>
    %mul3A_226 = arith.muli %broadcast_in_dim3A_175, %mul3A_225 : vector<16xi32>
    %add3A_227 = arith.addi %mul3A_226, %iota3A : vector<16xi32>
    tpu.vector_store_idx %arg11[%add3A_227], %div3A_199 masked %lt3A_14 : memref<128xf32, #tpu.memory_space<vmem>>[vector<16xi32>], vector<16xf32>, vector<16xi1>
    tpu.vector_store_idx %arg12[%add3A_227], %add3A_218 masked %lt3A_14 : memref<128xf32, #tpu.memory_space<vmem>>[vector<16xi32>], vector<16xf32>, vector<16xi1>
    %eq3A_228 = arith.constant 2 : i32
    %eq3A_229 = vector.broadcast %eq3A_228 : i32 to vector<16xi32>
    %eq3A_230 = arith.cmpi eq, %iota3A, %eq3A_229 : vector<16xi32>
    %broadcast_in_dim3A_231 = vector.broadcast %reduce_sum3A_223 : f32 to vector<16xf32>
    %select_n3A_232 = arith.select %eq3A_230, %broadcast_in_dim3A_231, %select_n3A_169 : vector<16xi1>, vector<16xf32>
    %eq3A_233 = arith.constant 2 : i32
    %eq3A_234 = vector.broadcast %eq3A_233 : i32 to vector<16xi32>
    %eq3A_235 = arith.cmpi eq, %iota3A, %eq3A_234 : vector<16xi32>
    %select_n3A_236 = arith.select %eq3A_235, %all_reduce_ffs3A_210, %select_n3A_173 : vector<16xi1>, vector<16xi32>
    %broadcast_in_dim3A_237 = arith.constant 3 : i32
    %broadcast_in_dim3A_238 = vector.broadcast %broadcast_in_dim3A_237 : i32 to vector<16xi32>
    %mul3A_239 = arith.constant 6 : i32
    %mul3A_240 = vector.broadcast %mul3A_239 : i32 to vector<16xi32>
    %mul3A_241 = arith.muli %broadcast_in_dim3A_238, %mul3A_240 : vector<16xi32>
    %add3A_242 = arith.addi %mul3A_241, %select_n3A : vector<16xi32>
    %gather3A_243 = tpu.vector_load_idx %arg10[%add3A_242] : memref<128xf32, #tpu.memory_space<vmem>>[vector<16xi32>], vector<16xf32>,
    %jit3A_244 = arith.constant -3.000000e+38 : f32
    %broadcast_in_dim3A_245 = vector.broadcast %jit3A_244 : f32 to vector<16xf32>
    %select_n3A_246 = arith.select %lt3A_14, %gather3A_243, %broadcast_in_dim3A_245 : vector<16xi1>, vector<16xf32>
    %reduce_max3A_247 = arith.constant true
    %reduce_max3A_248 = vector.broadcast %reduce_max3A_247 : i1 to vector<16xi1>
    %reduce_max3A_249 = tpu.scan <max>, %select_n3A_246 masked %reduce_max3A_248 : vector<16xf32>, vector<16xi1> -> vector<16xf32>
    %reduce_max3A_250 = vector.extract %reduce_max3A_249[15] : f32 from vector<16xf32>
    %sub3A_251 = vector.broadcast %reduce_max3A_250 : f32 to vector<16xf32>
    %sub3A_252 = arith.subf %gather3A_243, %sub3A_251 : vector<16xf32>
    %exp3A_253 = math.exp %sub3A_252 : vector<16xf32>
    %jit3A_254 = arith.constant 0.000000e+00 : f32
    %broadcast_in_dim3A_255 = vector.broadcast %jit3A_254 : f32 to vector<16xf32>
    %select_n3A_256 = arith.select %lt3A_14, %exp3A_253, %broadcast_in_dim3A_255 : vector<16xi1>, vector<16xf32>
    %reduce_sum3A_257 = arith.constant true
    %reduce_sum3A_258 = vector.broadcast %reduce_sum3A_257 : i1 to vector<16xi1>
    %reduce_sum3A_259 = tpu.scan <sum>, %select_n3A_256 masked %reduce_sum3A_258 : vector<16xf32>, vector<16xi1> -> vector<16xf32>
    %reduce_sum3A_260 = vector.extract %reduce_sum3A_259[15] : f32 from vector<16xf32>
    %div3A_261 = vector.broadcast %reduce_sum3A_260 : f32 to vector<16xf32>
    %div3A_262 = arith.divf %select_n3A_256, %div3A_261 : vector<16xf32>
    %jit3A_263 = arith.constant -1.000000e+00 : f32
    %broadcast_in_dim3A_264 = vector.broadcast %jit3A_263 : f32 to vector<16xf32>
    %select_n3A_265 = arith.select %lt3A_14, %div3A_262, %broadcast_in_dim3A_264 : vector<16xi1>, vector<16xf32>
    %reduce_max3A_266 = arith.constant true
    %reduce_max3A_267 = vector.broadcast %reduce_max3A_266 : i1 to vector<16xi1>
    %reduce_max3A_268 = tpu.scan <max>, %select_n3A_265 masked %reduce_max3A_267 : vector<16xf32>, vector<16xi1> -> vector<16xf32>
    %reduce_max3A_269 = vector.extract %reduce_max3A_268[15] : f32 from vector<16xf32>
    %eq3A_270 = vector.broadcast %reduce_max3A_269 : f32 to vector<16xf32>
    %eq3A_271 = arith.cmpf oeq, %div3A_262, %eq3A_270 : vector<16xf32>
    %and3A_272 = arith.andi %eq3A_271, %lt3A_14 : vector<16xi1>
    %all_reduce_ffs3A_273 = tpu.all_reduce %and3A_272 {dim = 0 : i64, kind = #tpu.reduction_kind<find_first_set>} : vector<16xi1> -> vector<16xi32>
    %eq3A_274 = arith.cmpi eq, %iota3A, %all_reduce_ffs3A_273 : vector<16xi32>
    %jit3A_275 = arith.constant 1.000000e+00 : f32
    %jit3A_276 = arith.constant 0.000000e+00 : f32
    %broadcast_in_dim3A_277 = vector.broadcast %jit3A_275 : f32 to vector<16xf32>
    %broadcast_in_dim3A_278 = vector.broadcast %jit3A_276 : f32 to vector<16xf32>
    %select_n3A_279 = arith.select %eq3A_274, %broadcast_in_dim3A_277, %broadcast_in_dim3A_278 : vector<16xi1>, vector<16xf32>
    %sub3A_280 = arith.subf %select_n3A_279, %div3A_262 : vector<16xf32>
    %add3A_281 = arith.addf %sub3A_280, %div3A_262 : vector<16xf32>
    %mul3A_282 = arith.mulf %add3A_281, %select_n3A_51 : vector<16xf32>
    %reduce_sum3A_283 = arith.constant true
    %reduce_sum3A_284 = vector.broadcast %reduce_sum3A_283 : i1 to vector<16xi1>
    %reduce_sum3A_285 = tpu.scan <sum>, %mul3A_282 masked %reduce_sum3A_284 : vector<16xf32>, vector<16xi1> -> vector<16xf32>
    %reduce_sum3A_286 = vector.extract %reduce_sum3A_285[15] : f32 from vector<16xf32>
    %mul3A_287 = arith.constant 6 : i32
    %mul3A_288 = vector.broadcast %mul3A_287 : i32 to vector<16xi32>
    %mul3A_289 = arith.muli %broadcast_in_dim3A_238, %mul3A_288 : vector<16xi32>
    %add3A_290 = arith.addi %mul3A_289, %iota3A : vector<16xi32>
    tpu.vector_store_idx %arg11[%add3A_290], %div3A_262 masked %lt3A_14 : memref<128xf32, #tpu.memory_space<vmem>>[vector<16xi32>], vector<16xf32>, vector<16xi1>
    tpu.vector_store_idx %arg12[%add3A_290], %add3A_281 masked %lt3A_14 : memref<128xf32, #tpu.memory_space<vmem>>[vector<16xi32>], vector<16xf32>, vector<16xi1>
    %eq3A_291 = arith.constant 3 : i32
    %eq3A_292 = vector.broadcast %eq3A_291 : i32 to vector<16xi32>
    %eq3A_293 = arith.cmpi eq, %iota3A, %eq3A_292 : vector<16xi32>
    %broadcast_in_dim3A_294 = vector.broadcast %reduce_sum3A_286 : f32 to vector<16xf32>
    %select_n3A_295 = arith.select %eq3A_293, %broadcast_in_dim3A_294, %select_n3A_232 : vector<16xi1>, vector<16xf32>
    %eq3A_296 = arith.constant 3 : i32
    %eq3A_297 = vector.broadcast %eq3A_296 : i32 to vector<16xi32>
    %eq3A_298 = arith.cmpi eq, %iota3A, %eq3A_297 : vector<16xi32>
    %select_n3A_299 = arith.select %eq3A_298, %all_reduce_ffs3A_273, %select_n3A_236 : vector<16xi1>, vector<16xi32>
    %broadcast_in_dim3A_300 = arith.constant 4 : i32
    %broadcast_in_dim3A_301 = vector.broadcast %broadcast_in_dim3A_300 : i32 to vector<16xi32>
    %mul3A_302 = arith.constant 6 : i32
    %mul3A_303 = vector.broadcast %mul3A_302 : i32 to vector<16xi32>
    %mul3A_304 = arith.muli %broadcast_in_dim3A_301, %mul3A_303 : vector<16xi32>
    %add3A_305 = arith.addi %mul3A_304, %select_n3A : vector<16xi32>
    %gather3A_306 = tpu.vector_load_idx %arg10[%add3A_305] : memref<128xf32, #tpu.memory_space<vmem>>[vector<16xi32>], vector<16xf32>,
    %jit3A_307 = arith.constant -3.000000e+38 : f32
    %broadcast_in_dim3A_308 = vector.broadcast %jit3A_307 : f32 to vector<16xf32>
    %select_n3A_309 = arith.select %lt3A_14, %gather3A_306, %broadcast_in_dim3A_308 : vector<16xi1>, vector<16xf32>
    %reduce_max3A_310 = arith.constant true
    %reduce_max3A_311 = vector.broadcast %reduce_max3A_310 : i1 to vector<16xi1>
    %reduce_max3A_312 = tpu.scan <max>, %select_n3A_309 masked %reduce_max3A_311 : vector<16xf32>, vector<16xi1> -> vector<16xf32>
    %reduce_max3A_313 = vector.extract %reduce_max3A_312[15] : f32 from vector<16xf32>
    %sub3A_314 = vector.broadcast %reduce_max3A_313 : f32 to vector<16xf32>
    %sub3A_315 = arith.subf %gather3A_306, %sub3A_314 : vector<16xf32>
    %exp3A_316 = math.exp %sub3A_315 : vector<16xf32>
    %jit3A_317 = arith.constant 0.000000e+00 : f32
    %broadcast_in_dim3A_318 = vector.broadcast %jit3A_317 : f32 to vector<16xf32>
    %select_n3A_319 = arith.select %lt3A_14, %exp3A_316, %broadcast_in_dim3A_318 : vector<16xi1>, vector<16xf32>
    %reduce_sum3A_320 = arith.constant true
    %reduce_sum3A_321 = vector.broadcast %reduce_sum3A_320 : i1 to vector<16xi1>
    %reduce_sum3A_322 = tpu.scan <sum>, %select_n3A_319 masked %reduce_sum3A_321 : vector<16xf32>, vector<16xi1> -> vector<16xf32>
    %reduce_sum3A_323 = vector.extract %reduce_sum3A_322[15] : f32 from vector<16xf32>
    %div3A_324 = vector.broadcast %reduce_sum3A_323 : f32 to vector<16xf32>
    %div3A_325 = arith.divf %select_n3A_319, %div3A_324 : vector<16xf32>
    %jit3A_326 = arith.constant -1.000000e+00 : f32
    %broadcast_in_dim3A_327 = vector.broadcast %jit3A_326 : f32 to vector<16xf32>
    %select_n3A_328 = arith.select %lt3A_14, %div3A_325, %broadcast_in_dim3A_327 : vector<16xi1>, vector<16xf32>
    %reduce_max3A_329 = arith.constant true
    %reduce_max3A_330 = vector.broadcast %reduce_max3A_329 : i1 to vector<16xi1>
    %reduce_max3A_331 = tpu.scan <max>, %select_n3A_328 masked %reduce_max3A_330 : vector<16xf32>, vector<16xi1> -> vector<16xf32>
    %reduce_max3A_332 = vector.extract %reduce_max3A_331[15] : f32 from vector<16xf32>
    %eq3A_333 = vector.broadcast %reduce_max3A_332 : f32 to vector<16xf32>
    %eq3A_334 = arith.cmpf oeq, %div3A_325, %eq3A_333 : vector<16xf32>
    %and3A_335 = arith.andi %eq3A_334, %lt3A_14 : vector<16xi1>
    %all_reduce_ffs3A_336 = tpu.all_reduce %and3A_335 {dim = 0 : i64, kind = #tpu.reduction_kind<find_first_set>} : vector<16xi1> -> vector<16xi32>
    %eq3A_337 = arith.cmpi eq, %iota3A, %all_reduce_ffs3A_336 : vector<16xi32>
    %jit3A_338 = arith.constant 1.000000e+00 : f32
    %jit3A_339 = arith.constant 0.000000e+00 : f32
    %broadcast_in_dim3A_340 = vector.broadcast %jit3A_338 : f32 to vector<16xf32>
    %broadcast_in_dim3A_341 = vector.broadcast %jit3A_339 : f32 to vector<16xf32>
    %select_n3A_342 = arith.select %eq3A_337, %broadcast_in_dim3A_340, %broadcast_in_dim3A_341 : vector<16xi1>, vector<16xf32>
    %sub3A_343 = arith.subf %select_n3A_342, %div3A_325 : vector<16xf32>
    %add3A_344 = arith.addf %sub3A_343, %div3A_325 : vector<16xf32>
    %mul3A_345 = arith.mulf %add3A_344, %select_n3A_51 : vector<16xf32>
    %reduce_sum3A_346 = arith.constant true
    %reduce_sum3A_347 = vector.broadcast %reduce_sum3A_346 : i1 to vector<16xi1>
    %reduce_sum3A_348 = tpu.scan <sum>, %mul3A_345 masked %reduce_sum3A_347 : vector<16xf32>, vector<16xi1> -> vector<16xf32>
    %reduce_sum3A_349 = vector.extract %reduce_sum3A_348[15] : f32 from vector<16xf32>
    %mul3A_350 = arith.constant 6 : i32
    %mul3A_351 = vector.broadcast %mul3A_350 : i32 to vector<16xi32>
    %mul3A_352 = arith.muli %broadcast_in_dim3A_301, %mul3A_351 : vector<16xi32>
    %add3A_353 = arith.addi %mul3A_352, %iota3A : vector<16xi32>
    tpu.vector_store_idx %arg11[%add3A_353], %div3A_325 masked %lt3A_14 : memref<128xf32, #tpu.memory_space<vmem>>[vector<16xi32>], vector<16xf32>, vector<16xi1>
    tpu.vector_store_idx %arg12[%add3A_353], %add3A_344 masked %lt3A_14 : memref<128xf32, #tpu.memory_space<vmem>>[vector<16xi32>], vector<16xf32>, vector<16xi1>
    %eq3A_354 = arith.constant 4 : i32
    %eq3A_355 = vector.broadcast %eq3A_354 : i32 to vector<16xi32>
    %eq3A_356 = arith.cmpi eq, %iota3A, %eq3A_355 : vector<16xi32>
    %broadcast_in_dim3A_357 = vector.broadcast %reduce_sum3A_349 : f32 to vector<16xf32>
    %select_n3A_358 = arith.select %eq3A_356, %broadcast_in_dim3A_357, %select_n3A_295 : vector<16xi1>, vector<16xf32>
    %eq3A_359 = arith.constant 4 : i32
    %eq3A_360 = vector.broadcast %eq3A_359 : i32 to vector<16xi32>
    %eq3A_361 = arith.cmpi eq, %iota3A, %eq3A_360 : vector<16xi32>
    %select_n3A_362 = arith.select %eq3A_361, %all_reduce_ffs3A_336, %select_n3A_299 : vector<16xi1>, vector<16xi32>
    %broadcast_in_dim3A_363 = arith.constant 5 : i32
    %broadcast_in_dim3A_364 = vector.broadcast %broadcast_in_dim3A_363 : i32 to vector<16xi32>
    %mul3A_365 = arith.constant 6 : i32
    %mul3A_366 = vector.broadcast %mul3A_365 : i32 to vector<16xi32>
    %mul3A_367 = arith.muli %broadcast_in_dim3A_364, %mul3A_366 : vector<16xi32>
    %add3A_368 = arith.addi %mul3A_367, %select_n3A : vector<16xi32>
    %gather3A_369 = tpu.vector_load_idx %arg10[%add3A_368] : memref<128xf32, #tpu.memory_space<vmem>>[vector<16xi32>], vector<16xf32>,
    %jit3A_370 = arith.constant -3.000000e+38 : f32
    %broadcast_in_dim3A_371 = vector.broadcast %jit3A_370 : f32 to vector<16xf32>
    %select_n3A_372 = arith.select %lt3A_14, %gather3A_369, %broadcast_in_dim3A_371 : vector<16xi1>, vector<16xf32>
    %reduce_max3A_373 = arith.constant true
    %reduce_max3A_374 = vector.broadcast %reduce_max3A_373 : i1 to vector<16xi1>
    %reduce_max3A_375 = tpu.scan <max>, %select_n3A_372 masked %reduce_max3A_374 : vector<16xf32>, vector<16xi1> -> vector<16xf32>
    %reduce_max3A_376 = vector.extract %reduce_max3A_375[15] : f32 from vector<16xf32>
    %sub3A_377 = vector.broadcast %reduce_max3A_376 : f32 to vector<16xf32>
    %sub3A_378 = arith.subf %gather3A_369, %sub3A_377 : vector<16xf32>
    %exp3A_379 = math.exp %sub3A_378 : vector<16xf32>
    %jit3A_380 = arith.constant 0.000000e+00 : f32
    %broadcast_in_dim3A_381 = vector.broadcast %jit3A_380 : f32 to vector<16xf32>
    %select_n3A_382 = arith.select %lt3A_14, %exp3A_379, %broadcast_in_dim3A_381 : vector<16xi1>, vector<16xf32>
    %reduce_sum3A_383 = arith.constant true
    %reduce_sum3A_384 = vector.broadcast %reduce_sum3A_383 : i1 to vector<16xi1>
    %reduce_sum3A_385 = tpu.scan <sum>, %select_n3A_382 masked %reduce_sum3A_384 : vector<16xf32>, vector<16xi1> -> vector<16xf32>
    %reduce_sum3A_386 = vector.extract %reduce_sum3A_385[15] : f32 from vector<16xf32>
    %div3A_387 = vector.broadcast %reduce_sum3A_386 : f32 to vector<16xf32>
    %div3A_388 = arith.divf %select_n3A_382, %div3A_387 : vector<16xf32>
    %jit3A_389 = arith.constant -1.000000e+00 : f32
    %broadcast_in_dim3A_390 = vector.broadcast %jit3A_389 : f32 to vector<16xf32>
    %select_n3A_391 = arith.select %lt3A_14, %div3A_388, %broadcast_in_dim3A_390 : vector<16xi1>, vector<16xf32>
    %reduce_max3A_392 = arith.constant true
    %reduce_max3A_393 = vector.broadcast %reduce_max3A_392 : i1 to vector<16xi1>
    %reduce_max3A_394 = tpu.scan <max>, %select_n3A_391 masked %reduce_max3A_393 : vector<16xf32>, vector<16xi1> -> vector<16xf32>
    %reduce_max3A_395 = vector.extract %reduce_max3A_394[15] : f32 from vector<16xf32>
    %eq3A_396 = vector.broadcast %reduce_max3A_395 : f32 to vector<16xf32>
    %eq3A_397 = arith.cmpf oeq, %div3A_388, %eq3A_396 : vector<16xf32>
    %and3A_398 = arith.andi %eq3A_397, %lt3A_14 : vector<16xi1>
    %all_reduce_ffs3A_399 = tpu.all_reduce %and3A_398 {dim = 0 : i64, kind = #tpu.reduction_kind<find_first_set>} : vector<16xi1> -> vector<16xi32>
    %eq3A_400 = arith.cmpi eq, %iota3A, %all_reduce_ffs3A_399 : vector<16xi32>
    %jit3A_401 = arith.constant 1.000000e+00 : f32
    %jit3A_402 = arith.constant 0.000000e+00 : f32
    %broadcast_in_dim3A_403 = vector.broadcast %jit3A_401 : f32 to vector<16xf32>
    %broadcast_in_dim3A_404 = vector.broadcast %jit3A_402 : f32 to vector<16xf32>
    %select_n3A_405 = arith.select %eq3A_400, %broadcast_in_dim3A_403, %broadcast_in_dim3A_404 : vector<16xi1>, vector<16xf32>
    %sub3A_406 = arith.subf %select_n3A_405, %div3A_388 : vector<16xf32>
    %add3A_407 = arith.addf %sub3A_406, %div3A_388 : vector<16xf32>
    %mul3A_408 = arith.mulf %add3A_407, %select_n3A_51 : vector<16xf32>
    %reduce_sum3A_409 = arith.constant true
    %reduce_sum3A_410 = vector.broadcast %reduce_sum3A_409 : i1 to vector<16xi1>
    %reduce_sum3A_411 = tpu.scan <sum>, %mul3A_408 masked %reduce_sum3A_410 : vector<16xf32>, vector<16xi1> -> vector<16xf32>
    %reduce_sum3A_412 = vector.extract %reduce_sum3A_411[15] : f32 from vector<16xf32>
    %mul3A_413 = arith.constant 6 : i32
    %mul3A_414 = vector.broadcast %mul3A_413 : i32 to vector<16xi32>
    %mul3A_415 = arith.muli %broadcast_in_dim3A_364, %mul3A_414 : vector<16xi32>
    %add3A_416 = arith.addi %mul3A_415, %iota3A : vector<16xi32>
    tpu.vector_store_idx %arg11[%add3A_416], %div3A_388 masked %lt3A_14 : memref<128xf32, #tpu.memory_space<vmem>>[vector<16xi32>], vector<16xf32>, vector<16xi1>
    tpu.vector_store_idx %arg12[%add3A_416], %add3A_407 masked %lt3A_14 : memref<128xf32, #tpu.memory_space<vmem>>[vector<16xi32>], vector<16xf32>, vector<16xi1>
    %eq3A_417 = arith.constant 5 : i32
    %eq3A_418 = vector.broadcast %eq3A_417 : i32 to vector<16xi32>
    %eq3A_419 = arith.cmpi eq, %iota3A, %eq3A_418 : vector<16xi32>
    %broadcast_in_dim3A_420 = vector.broadcast %reduce_sum3A_412 : f32 to vector<16xf32>
    %select_n3A_421 = arith.select %eq3A_419, %broadcast_in_dim3A_420, %select_n3A_358 : vector<16xi1>, vector<16xf32>
    %eq3A_422 = arith.constant 5 : i32
    %eq3A_423 = vector.broadcast %eq3A_422 : i32 to vector<16xi32>
    %eq3A_424 = arith.cmpi eq, %iota3A, %eq3A_423 : vector<16xi32>
    %select_n3A_425 = arith.select %eq3A_424, %all_reduce_ffs3A_399, %select_n3A_362 : vector<16xi1>, vector<16xi32>
    %swap3A = arith.constant 0 : index
    %swap3A_426 = tpu.vector_load %arg13[%swap3A] {strides = array<i32>} : memref<128xf32, #tpu.memory_space<vmem>>, vector<16xf32>,
    tpu.vector_store %arg13[%swap3A], %select_n3A_421 {strides = array<i32>} : memref<128xf32, #tpu.memory_space<vmem>>, vector<16xf32>,
    %swap3A_427 = arith.constant 0 : index
    %swap3A_428 = tpu.vector_load %arg14[%swap3A_427] {strides = array<i32>} : memref<128xi32, #tpu.memory_space<vmem>>, vector<16xi32>,
    tpu.vector_store %arg14[%swap3A_427], %select_n3A_425 {strides = array<i32>} : memref<128xi32, #tpu.memory_space<vmem>>, vector<16xi32>,
    %scan3A = arith.constant 0 : i32
    %scan3A_429 = arith.constant 0 : i32
    %scan3A_430 = arith.constant 16 : i32
    %scan3A_431 = arith.addi %scan3A_429, %scan3A_430 : i32
    %scan3A_432 = arith.constant 1 : i32
    %scan3A_433 = scf.for %scan3A_809 = %scan3A_429 to %scan3A_431 step %scan3A_432 iter_args(%scan3A_810 = %scan3A) -> (i32)  : i32 {
      %mul3A_811 = arith.constant 32 : i32
      %mul3A_812 = arith.muli %scan3A_809, %mul3A_811 : i32
      %add3A_813 = arith.constant 0 : i32
      %add3A_814 = arith.addi %mul3A_812, %add3A_813 : i32
      %get3A = arith.index_cast %add3A_814 : i32 to index
      %get3A_815 = tpu.vector_load %arg9[%get3A] {strides = array<i32>} : memref<512xi32, #tpu.memory_space<vmem>>, vector<16xi32>,
      %gather3A_816 = tpu.vector_load_idx %arg13[%get3A_815] : memref<128xf32, #tpu.memory_space<vmem>>[vector<16xi32>], vector<16xf32>,
      %swap3A_817 = arith.index_cast %add3A_814 : i32 to index
      %swap3A_818 = tpu.vector_load %arg16[%swap3A_817] {strides = array<i32>} : memref<512xf32, #tpu.memory_space<vmem>>, vector<16xf32>,
      tpu.vector_store %arg16[%swap3A_817], %gather3A_816 {strides = array<i32>} : memref<512xf32, #tpu.memory_space<vmem>>, vector<16xf32>,
      %gather3A_819 = tpu.vector_load_idx %arg14[%get3A_815] : memref<128xi32, #tpu.memory_space<vmem>>[vector<16xi32>], vector<16xi32>,
      %swap3A_820 = arith.index_cast %add3A_814 : i32 to index
      %swap3A_821 = tpu.vector_load %arg19[%swap3A_820] {strides = array<i32>} : memref<512xi32, #tpu.memory_space<vmem>>, vector<16xi32>,
      tpu.vector_store %arg19[%swap3A_820], %gather3A_819 {strides = array<i32>} : memref<512xi32, #tpu.memory_space<vmem>>, vector<16xi32>,
      %mul3A_822 = arith.constant 32 : i32
      %mul3A_823 = arith.muli %scan3A_809, %mul3A_822 : i32
      %add3A_824 = arith.constant 16 : i32
      %add3A_825 = arith.addi %mul3A_823, %add3A_824 : i32
      %get3A_826 = arith.index_cast %add3A_825 : i32 to index
      %get3A_827 = tpu.vector_load %arg9[%get3A_826] {strides = array<i32>} : memref<512xi32, #tpu.memory_space<vmem>>, vector<16xi32>,
      %gather3A_828 = tpu.vector_load_idx %arg13[%get3A_827] : memref<128xf32, #tpu.memory_space<vmem>>[vector<16xi32>], vector<16xf32>,
      %swap3A_829 = arith.index_cast %add3A_825 : i32 to index
      %swap3A_830 = tpu.vector_load %arg16[%swap3A_829] {strides = array<i32>} : memref<512xf32, #tpu.memory_space<vmem>>, vector<16xf32>,
      tpu.vector_store %arg16[%swap3A_829], %gather3A_828 {strides = array<i32>} : memref<512xf32, #tpu.memory_space<vmem>>, vector<16xf32>,
      %gather3A_831 = tpu.vector_load_idx %arg14[%get3A_827] : memref<128xi32, #tpu.memory_space<vmem>>[vector<16xi32>], vector<16xi32>,
      %swap3A_832 = arith.index_cast %add3A_825 : i32 to index
      %swap3A_833 = tpu.vector_load %arg19[%swap3A_832] {strides = array<i32>} : memref<512xi32, #tpu.memory_space<vmem>>, vector<16xi32>,
      tpu.vector_store %arg19[%swap3A_832], %gather3A_831 {strides = array<i32>} : memref<512xi32, #tpu.memory_space<vmem>>, vector<16xi32>,
      %scan3A_834 = arith.constant 0 : i32
      scf.yield %scan3A_834 : i32
    }
    %scan3A_434 = arith.constant 16 : i32
    %dma_start3A_435 = tpu.memref_slice %arg5[%mul3A_2] : memref<16384xf32, #tpu.memory_space<hbm>> -> memref<512xf32, #tpu.memory_space<hbm>>
    %dma_start3A_436 = tpu.memref_slice %arg5[%mul3A_2] : memref<16384xf32, #tpu.memory_space<hbm>> -> memref<512xf32, #tpu.memory_space<hbm>>
    tpu.enqueue_dma source(%arg16 : memref<512xf32, #tpu.memory_space<vmem>>) target(%dma_start3A_436 : memref<512xf32, #tpu.memory_space<hbm>>) target_semaphore(%arg23 : memref<!tpu.dma_semaphore, #tpu.memory_space<semaphore_mem>>)
    %dma_start3A_437 = tpu.memref_slice %arg8[%mul3A_2] : memref<16384xi32, #tpu.memory_space<hbm>> -> memref<512xi32, #tpu.memory_space<hbm>>
    %dma_start3A_438 = tpu.memref_slice %arg8[%mul3A_2] : memref<16384xi32, #tpu.memory_space<hbm>> -> memref<512xi32, #tpu.memory_space<hbm>>
    tpu.enqueue_dma source(%arg19 : memref<512xi32, #tpu.memory_space<vmem>>) target(%dma_start3A_438 : memref<512xi32, #tpu.memory_space<hbm>>) target_semaphore(%arg23 : memref<!tpu.dma_semaphore, #tpu.memory_space<semaphore_mem>>)
    %scan3A_439 = arith.constant 0 : i32
    %scan3A_440 = arith.constant 0 : i32
    %scan3A_441 = arith.constant 16 : i32
    %scan3A_442 = arith.addi %scan3A_440, %scan3A_441 : i32
    %scan3A_443 = arith.constant 1 : i32
    %scan3A_444 = scf.for %scan3A_809 = %scan3A_440 to %scan3A_442 step %scan3A_443 iter_args(%scan3A_810 = %scan3A_439) -> (i32)  : i32 {
      %mul3A_811 = arith.constant 32 : i32
      %mul3A_812 = arith.muli %scan3A_809, %mul3A_811 : i32
      %add3A_813 = arith.constant 0 : i32
      %add3A_814 = arith.addi %mul3A_812, %add3A_813 : i32
      %get3A = arith.index_cast %add3A_814 : i32 to index
      %get3A_815 = tpu.vector_load %arg9[%get3A] {strides = array<i32>} : memref<512xi32, #tpu.memory_space<vmem>>, vector<16xi32>,
      %mul3A_816 = arith.constant 6 : i32
      %mul3A_817 = vector.broadcast %mul3A_816 : i32 to vector<16xi32>
      %mul3A_818 = arith.muli %get3A_815, %mul3A_817 : vector<16xi32>
      %add3A_819 = arith.constant 0 : i32
      %add3A_820 = vector.broadcast %add3A_819 : i32 to vector<16xi32>
      %add3A_821 = arith.addi %mul3A_818, %add3A_820 : vector<16xi32>
      %add3A_822 = arith.constant 0 : i32
      %add3A_823 = arith.addi %add3A_822, %add3A_814 : i32
      %gather3A_824 = tpu.vector_load_idx %arg10[%add3A_821] : memref<128xf32, #tpu.memory_space<vmem>>[vector<16xi32>], vector<16xf32>,
      %swap3A_825 = arith.index_cast %add3A_823 : i32 to index
      %swap3A_826 = tpu.vector_load %arg17[%swap3A_825] {strides = array<i32>} : memref<3072xf32, #tpu.memory_space<vmem>>, vector<16xf32>,
      tpu.vector_store %arg17[%swap3A_825], %gather3A_824 {strides = array<i32>} : memref<3072xf32, #tpu.memory_space<vmem>>, vector<16xf32>,
      %gather3A_827 = tpu.vector_load_idx %arg11[%add3A_821] : memref<128xf32, #tpu.memory_space<vmem>>[vector<16xi32>], vector<16xf32>,
      %swap3A_828 = arith.index_cast %add3A_823 : i32 to index
      %swap3A_829 = tpu.vector_load %arg18[%swap3A_828] {strides = array<i32>} : memref<3072xf32, #tpu.memory_space<vmem>>, vector<16xf32>,
      tpu.vector_store %arg18[%swap3A_828], %gather3A_827 {strides = array<i32>} : memref<3072xf32, #tpu.memory_space<vmem>>, vector<16xf32>,
      %gather3A_830 = tpu.vector_load_idx %arg12[%add3A_821] : memref<128xf32, #tpu.memory_space<vmem>>[vector<16xi32>], vector<16xf32>,
      %swap3A_831 = arith.index_cast %add3A_823 : i32 to index
      %swap3A_832 = tpu.vector_load %arg15[%swap3A_831] {strides = array<i32>} : memref<3072xf32, #tpu.memory_space<vmem>>, vector<16xf32>,
      tpu.vector_store %arg15[%swap3A_831], %gather3A_830 {strides = array<i32>} : memref<3072xf32, #tpu.memory_space<vmem>>, vector<16xf32>,
      %mul3A_833 = arith.constant 32 : i32
      %mul3A_834 = arith.muli %scan3A_809, %mul3A_833 : i32
      %add3A_835 = arith.constant 16 : i32
      %add3A_836 = arith.addi %mul3A_834, %add3A_835 : i32
      %get3A_837 = arith.index_cast %add3A_836 : i32 to index
      %get3A_838 = tpu.vector_load %arg9[%get3A_837] {strides = array<i32>} : memref<512xi32, #tpu.memory_space<vmem>>, vector<16xi32>,
      %mul3A_839 = arith.constant 6 : i32
      %mul3A_840 = vector.broadcast %mul3A_839 : i32 to vector<16xi32>
      %mul3A_841 = arith.muli %get3A_838, %mul3A_840 : vector<16xi32>
      %add3A_842 = arith.constant 0 : i32
      %add3A_843 = vector.broadcast %add3A_842 : i32 to vector<16xi32>
      %add3A_844 = arith.addi %mul3A_841, %add3A_843 : vector<16xi32>
      %add3A_845 = arith.constant 0 : i32
      %add3A_846 = arith.addi %add3A_845, %add3A_836 : i32
      %gather3A_847 = tpu.vector_load_idx %arg10[%add3A_844] : memref<128xf32, #tpu.memory_space<vmem>>[vector<16xi32>], vector<16xf32>,
      %swap3A_848 = arith.index_cast %add3A_846 : i32 to index
      %swap3A_849 = tpu.vector_load %arg17[%swap3A_848] {strides = array<i32>} : memref<3072xf32, #tpu.memory_space<vmem>>, vector<16xf32>,
      tpu.vector_store %arg17[%swap3A_848], %gather3A_847 {strides = array<i32>} : memref<3072xf32, #tpu.memory_space<vmem>>, vector<16xf32>,
      %gather3A_850 = tpu.vector_load_idx %arg11[%add3A_844] : memref<128xf32, #tpu.memory_space<vmem>>[vector<16xi32>], vector<16xf32>,
      %swap3A_851 = arith.index_cast %add3A_846 : i32 to index
      %swap3A_852 = tpu.vector_load %arg18[%swap3A_851] {strides = array<i32>} : memref<3072xf32, #tpu.memory_space<vmem>>, vector<16xf32>,
      tpu.vector_store %arg18[%swap3A_851], %gather3A_850 {strides = array<i32>} : memref<3072xf32, #tpu.memory_space<vmem>>, vector<16xf32>,
      %gather3A_853 = tpu.vector_load_idx %arg12[%add3A_844] : memref<128xf32, #tpu.memory_space<vmem>>[vector<16xi32>], vector<16xf32>,
      %swap3A_854 = arith.index_cast %add3A_846 : i32 to index
      %swap3A_855 = tpu.vector_load %arg15[%swap3A_854] {strides = array<i32>} : memref<3072xf32, #tpu.memory_space<vmem>>, vector<16xf32>,
      tpu.vector_store %arg15[%swap3A_854], %gather3A_853 {strides = array<i32>} : memref<3072xf32, #tpu.memory_space<vmem>>, vector<16xf32>,
      %scan3A_856 = arith.constant 0 : i32
      scf.yield %scan3A_856 : i32
    }
    %scan3A_445 = arith.constant 16 : i32
    %dma_start3A_446 = arith.constant 0 : i32
    %dma_start3A_447 = arith.constant 0 : i32
    %dma_start3A_448 = tpu.memref_slice %arg15[%dma_start3A_447] : memref<3072xf32, #tpu.memory_space<vmem>> -> memref<512xf32, #tpu.memory_space<vmem>>
    %dma_start3A_449 = tpu.memref_slice %arg4[%dma_start3A_446, %mul3A_2] : memref<6x16384xf32, #tpu.memory_space<hbm>> -> memref<1x512xf32, #tpu.memory_space<hbm>>
    %dma_start3A_450 = tpu.memref_squeeze %dma_start3A_449 : memref<1x512xf32, #tpu.memory_space<hbm>> -> memref<512xf32, #tpu.memory_space<hbm>>
    %dma_start3A_451 = tpu.memref_slice %arg4[%dma_start3A_446, %mul3A_2] : memref<6x16384xf32, #tpu.memory_space<hbm>> -> memref<1x512xf32, #tpu.memory_space<hbm>>
    %dma_start3A_452 = tpu.memref_squeeze %dma_start3A_451 : memref<1x512xf32, #tpu.memory_space<hbm>> -> memref<512xf32, #tpu.memory_space<hbm>>
    %dma_start3A_453 = arith.constant 0 : i32
    %dma_start3A_454 = tpu.memref_slice %arg15[%dma_start3A_453] : memref<3072xf32, #tpu.memory_space<vmem>> -> memref<512xf32, #tpu.memory_space<vmem>>
    tpu.enqueue_dma source(%dma_start3A_454 : memref<512xf32, #tpu.memory_space<vmem>>) target(%dma_start3A_452 : memref<512xf32, #tpu.memory_space<hbm>>) target_semaphore(%arg20 : memref<!tpu.dma_semaphore, #tpu.memory_space<semaphore_mem>>)
    %dma_start3A_455 = arith.constant 0 : i32
    %dma_start3A_456 = arith.constant 0 : i32
    %dma_start3A_457 = tpu.memref_slice %arg17[%dma_start3A_456] : memref<3072xf32, #tpu.memory_space<vmem>> -> memref<512xf32, #tpu.memory_space<vmem>>
    %dma_start3A_458 = tpu.memref_slice %arg6[%dma_start3A_455, %mul3A_2] : memref<6x16384xf32, #tpu.memory_space<hbm>> -> memref<1x512xf32, #tpu.memory_space<hbm>>
    %dma_start3A_459 = tpu.memref_squeeze %dma_start3A_458 : memref<1x512xf32, #tpu.memory_space<hbm>> -> memref<512xf32, #tpu.memory_space<hbm>>
    %dma_start3A_460 = tpu.memref_slice %arg6[%dma_start3A_455, %mul3A_2] : memref<6x16384xf32, #tpu.memory_space<hbm>> -> memref<1x512xf32, #tpu.memory_space<hbm>>
    %dma_start3A_461 = tpu.memref_squeeze %dma_start3A_460 : memref<1x512xf32, #tpu.memory_space<hbm>> -> memref<512xf32, #tpu.memory_space<hbm>>
    %dma_start3A_462 = arith.constant 0 : i32
    %dma_start3A_463 = tpu.memref_slice %arg17[%dma_start3A_462] : memref<3072xf32, #tpu.memory_space<vmem>> -> memref<512xf32, #tpu.memory_space<vmem>>
    tpu.enqueue_dma source(%dma_start3A_463 : memref<512xf32, #tpu.memory_space<vmem>>) target(%dma_start3A_461 : memref<512xf32, #tpu.memory_space<hbm>>) target_semaphore(%arg21 : memref<!tpu.dma_semaphore, #tpu.memory_space<semaphore_mem>>)
    %dma_start3A_464 = arith.constant 0 : i32
    %dma_start3A_465 = arith.constant 0 : i32
    %dma_start3A_466 = tpu.memref_slice %arg18[%dma_start3A_465] : memref<3072xf32, #tpu.memory_space<vmem>> -> memref<512xf32, #tpu.memory_space<vmem>>
    %dma_start3A_467 = tpu.memref_slice %arg7[%dma_start3A_464, %mul3A_2] : memref<6x16384xf32, #tpu.memory_space<hbm>> -> memref<1x512xf32, #tpu.memory_space<hbm>>
    %dma_start3A_468 = tpu.memref_squeeze %dma_start3A_467 : memref<1x512xf32, #tpu.memory_space<hbm>> -> memref<512xf32, #tpu.memory_space<hbm>>
    %dma_start3A_469 = tpu.memref_slice %arg7[%dma_start3A_464, %mul3A_2] : memref<6x16384xf32, #tpu.memory_space<hbm>> -> memref<1x512xf32, #tpu.memory_space<hbm>>
    %dma_start3A_470 = tpu.memref_squeeze %dma_start3A_469 : memref<1x512xf32, #tpu.memory_space<hbm>> -> memref<512xf32, #tpu.memory_space<hbm>>
    %dma_start3A_471 = arith.constant 0 : i32
    %dma_start3A_472 = tpu.memref_slice %arg18[%dma_start3A_471] : memref<3072xf32, #tpu.memory_space<vmem>> -> memref<512xf32, #tpu.memory_space<vmem>>
    tpu.enqueue_dma source(%dma_start3A_472 : memref<512xf32, #tpu.memory_space<vmem>>) target(%dma_start3A_470 : memref<512xf32, #tpu.memory_space<hbm>>) target_semaphore(%arg22 : memref<!tpu.dma_semaphore, #tpu.memory_space<semaphore_mem>>)
    %scan3A_473 = arith.constant 0 : i32
    %scan3A_474 = arith.constant 0 : i32
    %scan3A_475 = arith.constant 16 : i32
    %scan3A_476 = arith.addi %scan3A_474, %scan3A_475 : i32
    %scan3A_477 = arith.constant 1 : i32
    %scan3A_478 = scf.for %scan3A_809 = %scan3A_474 to %scan3A_476 step %scan3A_477 iter_args(%scan3A_810 = %scan3A_473) -> (i32)  : i32 {
      %mul3A_811 = arith.constant 32 : i32
      %mul3A_812 = arith.muli %scan3A_809, %mul3A_811 : i32
      %add3A_813 = arith.constant 0 : i32
      %add3A_814 = arith.addi %mul3A_812, %add3A_813 : i32
      %get3A = arith.index_cast %add3A_814 : i32 to index
      %get3A_815 = tpu.vector_load %arg9[%get3A] {strides = array<i32>} : memref<512xi32, #tpu.memory_space<vmem>>, vector<16xi32>,
      %mul3A_816 = arith.constant 6 : i32
      %mul3A_817 = vector.broadcast %mul3A_816 : i32 to vector<16xi32>
      %mul3A_818 = arith.muli %get3A_815, %mul3A_817 : vector<16xi32>
      %add3A_819 = arith.constant 1 : i32
      %add3A_820 = vector.broadcast %add3A_819 : i32 to vector<16xi32>
      %add3A_821 = arith.addi %mul3A_818, %add3A_820 : vector<16xi32>
      %add3A_822 = arith.constant 512 : i32
      %add3A_823 = arith.addi %add3A_822, %add3A_814 : i32
      %gather3A_824 = tpu.vector_load_idx %arg10[%add3A_821] : memref<128xf32, #tpu.memory_space<vmem>>[vector<16xi32>], vector<16xf32>,
      %swap3A_825 = arith.index_cast %add3A_823 : i32 to index
      %swap3A_826 = tpu.vector_load %arg17[%swap3A_825] {strides = array<i32>} : memref<3072xf32, #tpu.memory_space<vmem>>, vector<16xf32>,
      tpu.vector_store %arg17[%swap3A_825], %gather3A_824 {strides = array<i32>} : memref<3072xf32, #tpu.memory_space<vmem>>, vector<16xf32>,
      %gather3A_827 = tpu.vector_load_idx %arg11[%add3A_821] : memref<128xf32, #tpu.memory_space<vmem>>[vector<16xi32>], vector<16xf32>,
      %swap3A_828 = arith.index_cast %add3A_823 : i32 to index
      %swap3A_829 = tpu.vector_load %arg18[%swap3A_828] {strides = array<i32>} : memref<3072xf32, #tpu.memory_space<vmem>>, vector<16xf32>,
      tpu.vector_store %arg18[%swap3A_828], %gather3A_827 {strides = array<i32>} : memref<3072xf32, #tpu.memory_space<vmem>>, vector<16xf32>,
      %gather3A_830 = tpu.vector_load_idx %arg12[%add3A_821] : memref<128xf32, #tpu.memory_space<vmem>>[vector<16xi32>], vector<16xf32>,
      %swap3A_831 = arith.index_cast %add3A_823 : i32 to index
      %swap3A_832 = tpu.vector_load %arg15[%swap3A_831] {strides = array<i32>} : memref<3072xf32, #tpu.memory_space<vmem>>, vector<16xf32>,
      tpu.vector_store %arg15[%swap3A_831], %gather3A_830 {strides = array<i32>} : memref<3072xf32, #tpu.memory_space<vmem>>, vector<16xf32>,
      %mul3A_833 = arith.constant 32 : i32
      %mul3A_834 = arith.muli %scan3A_809, %mul3A_833 : i32
      %add3A_835 = arith.constant 16 : i32
      %add3A_836 = arith.addi %mul3A_834, %add3A_835 : i32
      %get3A_837 = arith.index_cast %add3A_836 : i32 to index
      %get3A_838 = tpu.vector_load %arg9[%get3A_837] {strides = array<i32>} : memref<512xi32, #tpu.memory_space<vmem>>, vector<16xi32>,
      %mul3A_839 = arith.constant 6 : i32
      %mul3A_840 = vector.broadcast %mul3A_839 : i32 to vector<16xi32>
      %mul3A_841 = arith.muli %get3A_838, %mul3A_840 : vector<16xi32>
      %add3A_842 = arith.constant 1 : i32
      %add3A_843 = vector.broadcast %add3A_842 : i32 to vector<16xi32>
      %add3A_844 = arith.addi %mul3A_841, %add3A_843 : vector<16xi32>
      %add3A_845 = arith.constant 512 : i32
      %add3A_846 = arith.addi %add3A_845, %add3A_836 : i32
      %gather3A_847 = tpu.vector_load_idx %arg10[%add3A_844] : memref<128xf32, #tpu.memory_space<vmem>>[vector<16xi32>], vector<16xf32>,
      %swap3A_848 = arith.index_cast %add3A_846 : i32 to index
      %swap3A_849 = tpu.vector_load %arg17[%swap3A_848] {strides = array<i32>} : memref<3072xf32, #tpu.memory_space<vmem>>, vector<16xf32>,
      tpu.vector_store %arg17[%swap3A_848], %gather3A_847 {strides = array<i32>} : memref<3072xf32, #tpu.memory_space<vmem>>, vector<16xf32>,
      %gather3A_850 = tpu.vector_load_idx %arg11[%add3A_844] : memref<128xf32, #tpu.memory_space<vmem>>[vector<16xi32>], vector<16xf32>,
      %swap3A_851 = arith.index_cast %add3A_846 : i32 to index
      %swap3A_852 = tpu.vector_load %arg18[%swap3A_851] {strides = array<i32>} : memref<3072xf32, #tpu.memory_space<vmem>>, vector<16xf32>,
      tpu.vector_store %arg18[%swap3A_851], %gather3A_850 {strides = array<i32>} : memref<3072xf32, #tpu.memory_space<vmem>>, vector<16xf32>,
      %gather3A_853 = tpu.vector_load_idx %arg12[%add3A_844] : memref<128xf32, #tpu.memory_space<vmem>>[vector<16xi32>], vector<16xf32>,
      %swap3A_854 = arith.index_cast %add3A_846 : i32 to index
      %swap3A_855 = tpu.vector_load %arg15[%swap3A_854] {strides = array<i32>} : memref<3072xf32, #tpu.memory_space<vmem>>, vector<16xf32>,
      tpu.vector_store %arg15[%swap3A_854], %gather3A_853 {strides = array<i32>} : memref<3072xf32, #tpu.memory_space<vmem>>, vector<16xf32>,
      %scan3A_856 = arith.constant 0 : i32
      scf.yield %scan3A_856 : i32
    }
    %scan3A_479 = arith.constant 16 : i32
    %dma_start3A_480 = arith.constant 1 : i32
    %dma_start3A_481 = arith.constant 512 : i32
    %dma_start3A_482 = tpu.memref_slice %arg15[%dma_start3A_481] : memref<3072xf32, #tpu.memory_space<vmem>> -> memref<512xf32, #tpu.memory_space<vmem>>
    %dma_start3A_483 = tpu.memref_slice %arg4[%dma_start3A_480, %mul3A_2] : memref<6x16384xf32, #tpu.memory_space<hbm>> -> memref<1x512xf32, #tpu.memory_space<hbm>>
    %dma_start3A_484 = tpu.memref_squeeze %dma_start3A_483 : memref<1x512xf32, #tpu.memory_space<hbm>> -> memref<512xf32, #tpu.memory_space<hbm>>
    %dma_start3A_485 = tpu.memref_slice %arg4[%dma_start3A_480, %mul3A_2] : memref<6x16384xf32, #tpu.memory_space<hbm>> -> memref<1x512xf32, #tpu.memory_space<hbm>>
    %dma_start3A_486 = tpu.memref_squeeze %dma_start3A_485 : memref<1x512xf32, #tpu.memory_space<hbm>> -> memref<512xf32, #tpu.memory_space<hbm>>
    %dma_start3A_487 = arith.constant 512 : i32
    %dma_start3A_488 = tpu.memref_slice %arg15[%dma_start3A_487] : memref<3072xf32, #tpu.memory_space<vmem>> -> memref<512xf32, #tpu.memory_space<vmem>>
    tpu.enqueue_dma source(%dma_start3A_488 : memref<512xf32, #tpu.memory_space<vmem>>) target(%dma_start3A_486 : memref<512xf32, #tpu.memory_space<hbm>>) target_semaphore(%arg20 : memref<!tpu.dma_semaphore, #tpu.memory_space<semaphore_mem>>)
    %dma_start3A_489 = arith.constant 1 : i32
    %dma_start3A_490 = arith.constant 512 : i32
    %dma_start3A_491 = tpu.memref_slice %arg17[%dma_start3A_490] : memref<3072xf32, #tpu.memory_space<vmem>> -> memref<512xf32, #tpu.memory_space<vmem>>
    %dma_start3A_492 = tpu.memref_slice %arg6[%dma_start3A_489, %mul3A_2] : memref<6x16384xf32, #tpu.memory_space<hbm>> -> memref<1x512xf32, #tpu.memory_space<hbm>>
    %dma_start3A_493 = tpu.memref_squeeze %dma_start3A_492 : memref<1x512xf32, #tpu.memory_space<hbm>> -> memref<512xf32, #tpu.memory_space<hbm>>
    %dma_start3A_494 = tpu.memref_slice %arg6[%dma_start3A_489, %mul3A_2] : memref<6x16384xf32, #tpu.memory_space<hbm>> -> memref<1x512xf32, #tpu.memory_space<hbm>>
    %dma_start3A_495 = tpu.memref_squeeze %dma_start3A_494 : memref<1x512xf32, #tpu.memory_space<hbm>> -> memref<512xf32, #tpu.memory_space<hbm>>
    %dma_start3A_496 = arith.constant 512 : i32
    %dma_start3A_497 = tpu.memref_slice %arg17[%dma_start3A_496] : memref<3072xf32, #tpu.memory_space<vmem>> -> memref<512xf32, #tpu.memory_space<vmem>>
    tpu.enqueue_dma source(%dma_start3A_497 : memref<512xf32, #tpu.memory_space<vmem>>) target(%dma_start3A_495 : memref<512xf32, #tpu.memory_space<hbm>>) target_semaphore(%arg21 : memref<!tpu.dma_semaphore, #tpu.memory_space<semaphore_mem>>)
    %dma_start3A_498 = arith.constant 1 : i32
    %dma_start3A_499 = arith.constant 512 : i32
    %dma_start3A_500 = tpu.memref_slice %arg18[%dma_start3A_499] : memref<3072xf32, #tpu.memory_space<vmem>> -> memref<512xf32, #tpu.memory_space<vmem>>
    %dma_start3A_501 = tpu.memref_slice %arg7[%dma_start3A_498, %mul3A_2] : memref<6x16384xf32, #tpu.memory_space<hbm>> -> memref<1x512xf32, #tpu.memory_space<hbm>>
    %dma_start3A_502 = tpu.memref_squeeze %dma_start3A_501 : memref<1x512xf32, #tpu.memory_space<hbm>> -> memref<512xf32, #tpu.memory_space<hbm>>
    %dma_start3A_503 = tpu.memref_slice %arg7[%dma_start3A_498, %mul3A_2] : memref<6x16384xf32, #tpu.memory_space<hbm>> -> memref<1x512xf32, #tpu.memory_space<hbm>>
    %dma_start3A_504 = tpu.memref_squeeze %dma_start3A_503 : memref<1x512xf32, #tpu.memory_space<hbm>> -> memref<512xf32, #tpu.memory_space<hbm>>
    %dma_start3A_505 = arith.constant 512 : i32
    %dma_start3A_506 = tpu.memref_slice %arg18[%dma_start3A_505] : memref<3072xf32, #tpu.memory_space<vmem>> -> memref<512xf32, #tpu.memory_space<vmem>>
    tpu.enqueue_dma source(%dma_start3A_506 : memref<512xf32, #tpu.memory_space<vmem>>) target(%dma_start3A_504 : memref<512xf32, #tpu.memory_space<hbm>>) target_semaphore(%arg22 : memref<!tpu.dma_semaphore, #tpu.memory_space<semaphore_mem>>)
    %scan3A_507 = arith.constant 0 : i32
    %scan3A_508 = arith.constant 0 : i32
    %scan3A_509 = arith.constant 16 : i32
    %scan3A_510 = arith.addi %scan3A_508, %scan3A_509 : i32
    %scan3A_511 = arith.constant 1 : i32
    %scan3A_512 = scf.for %scan3A_809 = %scan3A_508 to %scan3A_510 step %scan3A_511 iter_args(%scan3A_810 = %scan3A_507) -> (i32)  : i32 {
      %mul3A_811 = arith.constant 32 : i32
      %mul3A_812 = arith.muli %scan3A_809, %mul3A_811 : i32
      %add3A_813 = arith.constant 0 : i32
      %add3A_814 = arith.addi %mul3A_812, %add3A_813 : i32
      %get3A = arith.index_cast %add3A_814 : i32 to index
      %get3A_815 = tpu.vector_load %arg9[%get3A] {strides = array<i32>} : memref<512xi32, #tpu.memory_space<vmem>>, vector<16xi32>,
      %mul3A_816 = arith.constant 6 : i32
      %mul3A_817 = vector.broadcast %mul3A_816 : i32 to vector<16xi32>
      %mul3A_818 = arith.muli %get3A_815, %mul3A_817 : vector<16xi32>
      %add3A_819 = arith.constant 2 : i32
      %add3A_820 = vector.broadcast %add3A_819 : i32 to vector<16xi32>
      %add3A_821 = arith.addi %mul3A_818, %add3A_820 : vector<16xi32>
      %add3A_822 = arith.constant 1024 : i32
      %add3A_823 = arith.addi %add3A_822, %add3A_814 : i32
      %gather3A_824 = tpu.vector_load_idx %arg10[%add3A_821] : memref<128xf32, #tpu.memory_space<vmem>>[vector<16xi32>], vector<16xf32>,
      %swap3A_825 = arith.index_cast %add3A_823 : i32 to index
      %swap3A_826 = tpu.vector_load %arg17[%swap3A_825] {strides = array<i32>} : memref<3072xf32, #tpu.memory_space<vmem>>, vector<16xf32>,
      tpu.vector_store %arg17[%swap3A_825], %gather3A_824 {strides = array<i32>} : memref<3072xf32, #tpu.memory_space<vmem>>, vector<16xf32>,
      %gather3A_827 = tpu.vector_load_idx %arg11[%add3A_821] : memref<128xf32, #tpu.memory_space<vmem>>[vector<16xi32>], vector<16xf32>,
      %swap3A_828 = arith.index_cast %add3A_823 : i32 to index
      %swap3A_829 = tpu.vector_load %arg18[%swap3A_828] {strides = array<i32>} : memref<3072xf32, #tpu.memory_space<vmem>>, vector<16xf32>,
      tpu.vector_store %arg18[%swap3A_828], %gather3A_827 {strides = array<i32>} : memref<3072xf32, #tpu.memory_space<vmem>>, vector<16xf32>,
      %gather3A_830 = tpu.vector_load_idx %arg12[%add3A_821] : memref<128xf32, #tpu.memory_space<vmem>>[vector<16xi32>], vector<16xf32>,
      %swap3A_831 = arith.index_cast %add3A_823 : i32 to index
      %swap3A_832 = tpu.vector_load %arg15[%swap3A_831] {strides = array<i32>} : memref<3072xf32, #tpu.memory_space<vmem>>, vector<16xf32>,
      tpu.vector_store %arg15[%swap3A_831], %gather3A_830 {strides = array<i32>} : memref<3072xf32, #tpu.memory_space<vmem>>, vector<16xf32>,
      %mul3A_833 = arith.constant 32 : i32
      %mul3A_834 = arith.muli %scan3A_809, %mul3A_833 : i32
      %add3A_835 = arith.constant 16 : i32
      %add3A_836 = arith.addi %mul3A_834, %add3A_835 : i32
      %get3A_837 = arith.index_cast %add3A_836 : i32 to index
      %get3A_838 = tpu.vector_load %arg9[%get3A_837] {strides = array<i32>} : memref<512xi32, #tpu.memory_space<vmem>>, vector<16xi32>,
      %mul3A_839 = arith.constant 6 : i32
      %mul3A_840 = vector.broadcast %mul3A_839 : i32 to vector<16xi32>
      %mul3A_841 = arith.muli %get3A_838, %mul3A_840 : vector<16xi32>
      %add3A_842 = arith.constant 2 : i32
      %add3A_843 = vector.broadcast %add3A_842 : i32 to vector<16xi32>
      %add3A_844 = arith.addi %mul3A_841, %add3A_843 : vector<16xi32>
      %add3A_845 = arith.constant 1024 : i32
      %add3A_846 = arith.addi %add3A_845, %add3A_836 : i32
      %gather3A_847 = tpu.vector_load_idx %arg10[%add3A_844] : memref<128xf32, #tpu.memory_space<vmem>>[vector<16xi32>], vector<16xf32>,
      %swap3A_848 = arith.index_cast %add3A_846 : i32 to index
      %swap3A_849 = tpu.vector_load %arg17[%swap3A_848] {strides = array<i32>} : memref<3072xf32, #tpu.memory_space<vmem>>, vector<16xf32>,
      tpu.vector_store %arg17[%swap3A_848], %gather3A_847 {strides = array<i32>} : memref<3072xf32, #tpu.memory_space<vmem>>, vector<16xf32>,
      %gather3A_850 = tpu.vector_load_idx %arg11[%add3A_844] : memref<128xf32, #tpu.memory_space<vmem>>[vector<16xi32>], vector<16xf32>,
      %swap3A_851 = arith.index_cast %add3A_846 : i32 to index
      %swap3A_852 = tpu.vector_load %arg18[%swap3A_851] {strides = array<i32>} : memref<3072xf32, #tpu.memory_space<vmem>>, vector<16xf32>,
      tpu.vector_store %arg18[%swap3A_851], %gather3A_850 {strides = array<i32>} : memref<3072xf32, #tpu.memory_space<vmem>>, vector<16xf32>,
      %gather3A_853 = tpu.vector_load_idx %arg12[%add3A_844] : memref<128xf32, #tpu.memory_space<vmem>>[vector<16xi32>], vector<16xf32>,
      %swap3A_854 = arith.index_cast %add3A_846 : i32 to index
      %swap3A_855 = tpu.vector_load %arg15[%swap3A_854] {strides = array<i32>} : memref<3072xf32, #tpu.memory_space<vmem>>, vector<16xf32>,
      tpu.vector_store %arg15[%swap3A_854], %gather3A_853 {strides = array<i32>} : memref<3072xf32, #tpu.memory_space<vmem>>, vector<16xf32>,
      %scan3A_856 = arith.constant 0 : i32
      scf.yield %scan3A_856 : i32
    }
    %scan3A_513 = arith.constant 16 : i32
    %dma_start3A_514 = arith.constant 2 : i32
    %dma_start3A_515 = arith.constant 1024 : i32
    %dma_start3A_516 = tpu.memref_slice %arg15[%dma_start3A_515] : memref<3072xf32, #tpu.memory_space<vmem>> -> memref<512xf32, #tpu.memory_space<vmem>>
    %dma_start3A_517 = tpu.memref_slice %arg4[%dma_start3A_514, %mul3A_2] : memref<6x16384xf32, #tpu.memory_space<hbm>> -> memref<1x512xf32, #tpu.memory_space<hbm>>
    %dma_start3A_518 = tpu.memref_squeeze %dma_start3A_517 : memref<1x512xf32, #tpu.memory_space<hbm>> -> memref<512xf32, #tpu.memory_space<hbm>>
    %dma_start3A_519 = tpu.memref_slice %arg4[%dma_start3A_514, %mul3A_2] : memref<6x16384xf32, #tpu.memory_space<hbm>> -> memref<1x512xf32, #tpu.memory_space<hbm>>
    %dma_start3A_520 = tpu.memref_squeeze %dma_start3A_519 : memref<1x512xf32, #tpu.memory_space<hbm>> -> memref<512xf32, #tpu.memory_space<hbm>>
    %dma_start3A_521 = arith.constant 1024 : i32
    %dma_start3A_522 = tpu.memref_slice %arg15[%dma_start3A_521] : memref<3072xf32, #tpu.memory_space<vmem>> -> memref<512xf32, #tpu.memory_space<vmem>>
    tpu.enqueue_dma source(%dma_start3A_522 : memref<512xf32, #tpu.memory_space<vmem>>) target(%dma_start3A_520 : memref<512xf32, #tpu.memory_space<hbm>>) target_semaphore(%arg20 : memref<!tpu.dma_semaphore, #tpu.memory_space<semaphore_mem>>)
    %dma_start3A_523 = arith.constant 2 : i32
    %dma_start3A_524 = arith.constant 1024 : i32
    %dma_start3A_525 = tpu.memref_slice %arg17[%dma_start3A_524] : memref<3072xf32, #tpu.memory_space<vmem>> -> memref<512xf32, #tpu.memory_space<vmem>>
    %dma_start3A_526 = tpu.memref_slice %arg6[%dma_start3A_523, %mul3A_2] : memref<6x16384xf32, #tpu.memory_space<hbm>> -> memref<1x512xf32, #tpu.memory_space<hbm>>
    %dma_start3A_527 = tpu.memref_squeeze %dma_start3A_526 : memref<1x512xf32, #tpu.memory_space<hbm>> -> memref<512xf32, #tpu.memory_space<hbm>>
    %dma_start3A_528 = tpu.memref_slice %arg6[%dma_start3A_523, %mul3A_2] : memref<6x16384xf32, #tpu.memory_space<hbm>> -> memref<1x512xf32, #tpu.memory_space<hbm>>
    %dma_start3A_529 = tpu.memref_squeeze %dma_start3A_528 : memref<1x512xf32, #tpu.memory_space<hbm>> -> memref<512xf32, #tpu.memory_space<hbm>>
    %dma_start3A_530 = arith.constant 1024 : i32
    %dma_start3A_531 = tpu.memref_slice %arg17[%dma_start3A_530] : memref<3072xf32, #tpu.memory_space<vmem>> -> memref<512xf32, #tpu.memory_space<vmem>>
    tpu.enqueue_dma source(%dma_start3A_531 : memref<512xf32, #tpu.memory_space<vmem>>) target(%dma_start3A_529 : memref<512xf32, #tpu.memory_space<hbm>>) target_semaphore(%arg21 : memref<!tpu.dma_semaphore, #tpu.memory_space<semaphore_mem>>)
    %dma_start3A_532 = arith.constant 2 : i32
    %dma_start3A_533 = arith.constant 1024 : i32
    %dma_start3A_534 = tpu.memref_slice %arg18[%dma_start3A_533] : memref<3072xf32, #tpu.memory_space<vmem>> -> memref<512xf32, #tpu.memory_space<vmem>>
    %dma_start3A_535 = tpu.memref_slice %arg7[%dma_start3A_532, %mul3A_2] : memref<6x16384xf32, #tpu.memory_space<hbm>> -> memref<1x512xf32, #tpu.memory_space<hbm>>
    %dma_start3A_536 = tpu.memref_squeeze %dma_start3A_535 : memref<1x512xf32, #tpu.memory_space<hbm>> -> memref<512xf32, #tpu.memory_space<hbm>>
    %dma_start3A_537 = tpu.memref_slice %arg7[%dma_start3A_532, %mul3A_2] : memref<6x16384xf32, #tpu.memory_space<hbm>> -> memref<1x512xf32, #tpu.memory_space<hbm>>
    %dma_start3A_538 = tpu.memref_squeeze %dma_start3A_537 : memref<1x512xf32, #tpu.memory_space<hbm>> -> memref<512xf32, #tpu.memory_space<hbm>>
    %dma_start3A_539 = arith.constant 1024 : i32
    %dma_start3A_540 = tpu.memref_slice %arg18[%dma_start3A_539] : memref<3072xf32, #tpu.memory_space<vmem>> -> memref<512xf32, #tpu.memory_space<vmem>>
    tpu.enqueue_dma source(%dma_start3A_540 : memref<512xf32, #tpu.memory_space<vmem>>) target(%dma_start3A_538 : memref<512xf32, #tpu.memory_space<hbm>>) target_semaphore(%arg22 : memref<!tpu.dma_semaphore, #tpu.memory_space<semaphore_mem>>)
    %scan3A_541 = arith.constant 0 : i32
    %scan3A_542 = arith.constant 0 : i32
    %scan3A_543 = arith.constant 16 : i32
    %scan3A_544 = arith.addi %scan3A_542, %scan3A_543 : i32
    %scan3A_545 = arith.constant 1 : i32
    %scan3A_546 = scf.for %scan3A_809 = %scan3A_542 to %scan3A_544 step %scan3A_545 iter_args(%scan3A_810 = %scan3A_541) -> (i32)  : i32 {
      %mul3A_811 = arith.constant 32 : i32
      %mul3A_812 = arith.muli %scan3A_809, %mul3A_811 : i32
      %add3A_813 = arith.constant 0 : i32
      %add3A_814 = arith.addi %mul3A_812, %add3A_813 : i32
      %get3A = arith.index_cast %add3A_814 : i32 to index
      %get3A_815 = tpu.vector_load %arg9[%get3A] {strides = array<i32>} : memref<512xi32, #tpu.memory_space<vmem>>, vector<16xi32>,
      %mul3A_816 = arith.constant 6 : i32
      %mul3A_817 = vector.broadcast %mul3A_816 : i32 to vector<16xi32>
      %mul3A_818 = arith.muli %get3A_815, %mul3A_817 : vector<16xi32>
      %add3A_819 = arith.constant 3 : i32
      %add3A_820 = vector.broadcast %add3A_819 : i32 to vector<16xi32>
      %add3A_821 = arith.addi %mul3A_818, %add3A_820 : vector<16xi32>
      %add3A_822 = arith.constant 1536 : i32
      %add3A_823 = arith.addi %add3A_822, %add3A_814 : i32
      %gather3A_824 = tpu.vector_load_idx %arg10[%add3A_821] : memref<128xf32, #tpu.memory_space<vmem>>[vector<16xi32>], vector<16xf32>,
      %swap3A_825 = arith.index_cast %add3A_823 : i32 to index
      %swap3A_826 = tpu.vector_load %arg17[%swap3A_825] {strides = array<i32>} : memref<3072xf32, #tpu.memory_space<vmem>>, vector<16xf32>,
      tpu.vector_store %arg17[%swap3A_825], %gather3A_824 {strides = array<i32>} : memref<3072xf32, #tpu.memory_space<vmem>>, vector<16xf32>,
      %gather3A_827 = tpu.vector_load_idx %arg11[%add3A_821] : memref<128xf32, #tpu.memory_space<vmem>>[vector<16xi32>], vector<16xf32>,
      %swap3A_828 = arith.index_cast %add3A_823 : i32 to index
      %swap3A_829 = tpu.vector_load %arg18[%swap3A_828] {strides = array<i32>} : memref<3072xf32, #tpu.memory_space<vmem>>, vector<16xf32>,
      tpu.vector_store %arg18[%swap3A_828], %gather3A_827 {strides = array<i32>} : memref<3072xf32, #tpu.memory_space<vmem>>, vector<16xf32>,
      %gather3A_830 = tpu.vector_load_idx %arg12[%add3A_821] : memref<128xf32, #tpu.memory_space<vmem>>[vector<16xi32>], vector<16xf32>,
      %swap3A_831 = arith.index_cast %add3A_823 : i32 to index
      %swap3A_832 = tpu.vector_load %arg15[%swap3A_831] {strides = array<i32>} : memref<3072xf32, #tpu.memory_space<vmem>>, vector<16xf32>,
      tpu.vector_store %arg15[%swap3A_831], %gather3A_830 {strides = array<i32>} : memref<3072xf32, #tpu.memory_space<vmem>>, vector<16xf32>,
      %mul3A_833 = arith.constant 32 : i32
      %mul3A_834 = arith.muli %scan3A_809, %mul3A_833 : i32
      %add3A_835 = arith.constant 16 : i32
      %add3A_836 = arith.addi %mul3A_834, %add3A_835 : i32
      %get3A_837 = arith.index_cast %add3A_836 : i32 to index
      %get3A_838 = tpu.vector_load %arg9[%get3A_837] {strides = array<i32>} : memref<512xi32, #tpu.memory_space<vmem>>, vector<16xi32>,
      %mul3A_839 = arith.constant 6 : i32
      %mul3A_840 = vector.broadcast %mul3A_839 : i32 to vector<16xi32>
      %mul3A_841 = arith.muli %get3A_838, %mul3A_840 : vector<16xi32>
      %add3A_842 = arith.constant 3 : i32
      %add3A_843 = vector.broadcast %add3A_842 : i32 to vector<16xi32>
      %add3A_844 = arith.addi %mul3A_841, %add3A_843 : vector<16xi32>
      %add3A_845 = arith.constant 1536 : i32
      %add3A_846 = arith.addi %add3A_845, %add3A_836 : i32
      %gather3A_847 = tpu.vector_load_idx %arg10[%add3A_844] : memref<128xf32, #tpu.memory_space<vmem>>[vector<16xi32>], vector<16xf32>,
      %swap3A_848 = arith.index_cast %add3A_846 : i32 to index
      %swap3A_849 = tpu.vector_load %arg17[%swap3A_848] {strides = array<i32>} : memref<3072xf32, #tpu.memory_space<vmem>>, vector<16xf32>,
      tpu.vector_store %arg17[%swap3A_848], %gather3A_847 {strides = array<i32>} : memref<3072xf32, #tpu.memory_space<vmem>>, vector<16xf32>,
      %gather3A_850 = tpu.vector_load_idx %arg11[%add3A_844] : memref<128xf32, #tpu.memory_space<vmem>>[vector<16xi32>], vector<16xf32>,
      %swap3A_851 = arith.index_cast %add3A_846 : i32 to index
      %swap3A_852 = tpu.vector_load %arg18[%swap3A_851] {strides = array<i32>} : memref<3072xf32, #tpu.memory_space<vmem>>, vector<16xf32>,
      tpu.vector_store %arg18[%swap3A_851], %gather3A_850 {strides = array<i32>} : memref<3072xf32, #tpu.memory_space<vmem>>, vector<16xf32>,
      %gather3A_853 = tpu.vector_load_idx %arg12[%add3A_844] : memref<128xf32, #tpu.memory_space<vmem>>[vector<16xi32>], vector<16xf32>,
      %swap3A_854 = arith.index_cast %add3A_846 : i32 to index
      %swap3A_855 = tpu.vector_load %arg15[%swap3A_854] {strides = array<i32>} : memref<3072xf32, #tpu.memory_space<vmem>>, vector<16xf32>,
      tpu.vector_store %arg15[%swap3A_854], %gather3A_853 {strides = array<i32>} : memref<3072xf32, #tpu.memory_space<vmem>>, vector<16xf32>,
      %scan3A_856 = arith.constant 0 : i32
      scf.yield %scan3A_856 : i32
    }
    %scan3A_547 = arith.constant 16 : i32
    %dma_start3A_548 = arith.constant 3 : i32
    %dma_start3A_549 = arith.constant 1536 : i32
    %dma_start3A_550 = tpu.memref_slice %arg15[%dma_start3A_549] : memref<3072xf32, #tpu.memory_space<vmem>> -> memref<512xf32, #tpu.memory_space<vmem>>
    %dma_start3A_551 = tpu.memref_slice %arg4[%dma_start3A_548, %mul3A_2] : memref<6x16384xf32, #tpu.memory_space<hbm>> -> memref<1x512xf32, #tpu.memory_space<hbm>>
    %dma_start3A_552 = tpu.memref_squeeze %dma_start3A_551 : memref<1x512xf32, #tpu.memory_space<hbm>> -> memref<512xf32, #tpu.memory_space<hbm>>
    %dma_start3A_553 = tpu.memref_slice %arg4[%dma_start3A_548, %mul3A_2] : memref<6x16384xf32, #tpu.memory_space<hbm>> -> memref<1x512xf32, #tpu.memory_space<hbm>>
    %dma_start3A_554 = tpu.memref_squeeze %dma_start3A_553 : memref<1x512xf32, #tpu.memory_space<hbm>> -> memref<512xf32, #tpu.memory_space<hbm>>
    %dma_start3A_555 = arith.constant 1536 : i32
    %dma_start3A_556 = tpu.memref_slice %arg15[%dma_start3A_555] : memref<3072xf32, #tpu.memory_space<vmem>> -> memref<512xf32, #tpu.memory_space<vmem>>
    tpu.enqueue_dma source(%dma_start3A_556 : memref<512xf32, #tpu.memory_space<vmem>>) target(%dma_start3A_554 : memref<512xf32, #tpu.memory_space<hbm>>) target_semaphore(%arg20 : memref<!tpu.dma_semaphore, #tpu.memory_space<semaphore_mem>>)
    %dma_start3A_557 = arith.constant 3 : i32
    %dma_start3A_558 = arith.constant 1536 : i32
    %dma_start3A_559 = tpu.memref_slice %arg17[%dma_start3A_558] : memref<3072xf32, #tpu.memory_space<vmem>> -> memref<512xf32, #tpu.memory_space<vmem>>
    %dma_start3A_560 = tpu.memref_slice %arg6[%dma_start3A_557, %mul3A_2] : memref<6x16384xf32, #tpu.memory_space<hbm>> -> memref<1x512xf32, #tpu.memory_space<hbm>>
    %dma_start3A_561 = tpu.memref_squeeze %dma_start3A_560 : memref<1x512xf32, #tpu.memory_space<hbm>> -> memref<512xf32, #tpu.memory_space<hbm>>
    %dma_start3A_562 = tpu.memref_slice %arg6[%dma_start3A_557, %mul3A_2] : memref<6x16384xf32, #tpu.memory_space<hbm>> -> memref<1x512xf32, #tpu.memory_space<hbm>>
    %dma_start3A_563 = tpu.memref_squeeze %dma_start3A_562 : memref<1x512xf32, #tpu.memory_space<hbm>> -> memref<512xf32, #tpu.memory_space<hbm>>
    %dma_start3A_564 = arith.constant 1536 : i32
    %dma_start3A_565 = tpu.memref_slice %arg17[%dma_start3A_564] : memref<3072xf32, #tpu.memory_space<vmem>> -> memref<512xf32, #tpu.memory_space<vmem>>
    tpu.enqueue_dma source(%dma_start3A_565 : memref<512xf32, #tpu.memory_space<vmem>>) target(%dma_start3A_563 : memref<512xf32, #tpu.memory_space<hbm>>) target_semaphore(%arg21 : memref<!tpu.dma_semaphore, #tpu.memory_space<semaphore_mem>>)
    %dma_start3A_566 = arith.constant 3 : i32
    %dma_start3A_567 = arith.constant 1536 : i32
    %dma_start3A_568 = tpu.memref_slice %arg18[%dma_start3A_567] : memref<3072xf32, #tpu.memory_space<vmem>> -> memref<512xf32, #tpu.memory_space<vmem>>
    %dma_start3A_569 = tpu.memref_slice %arg7[%dma_start3A_566, %mul3A_2] : memref<6x16384xf32, #tpu.memory_space<hbm>> -> memref<1x512xf32, #tpu.memory_space<hbm>>
    %dma_start3A_570 = tpu.memref_squeeze %dma_start3A_569 : memref<1x512xf32, #tpu.memory_space<hbm>> -> memref<512xf32, #tpu.memory_space<hbm>>
    %dma_start3A_571 = tpu.memref_slice %arg7[%dma_start3A_566, %mul3A_2] : memref<6x16384xf32, #tpu.memory_space<hbm>> -> memref<1x512xf32, #tpu.memory_space<hbm>>
    %dma_start3A_572 = tpu.memref_squeeze %dma_start3A_571 : memref<1x512xf32, #tpu.memory_space<hbm>> -> memref<512xf32, #tpu.memory_space<hbm>>
    %dma_start3A_573 = arith.constant 1536 : i32
    %dma_start3A_574 = tpu.memref_slice %arg18[%dma_start3A_573] : memref<3072xf32, #tpu.memory_space<vmem>> -> memref<512xf32, #tpu.memory_space<vmem>>
    tpu.enqueue_dma source(%dma_start3A_574 : memref<512xf32, #tpu.memory_space<vmem>>) target(%dma_start3A_572 : memref<512xf32, #tpu.memory_space<hbm>>) target_semaphore(%arg22 : memref<!tpu.dma_semaphore, #tpu.memory_space<semaphore_mem>>)
    %scan3A_575 = arith.constant 0 : i32
    %scan3A_576 = arith.constant 0 : i32
    %scan3A_577 = arith.constant 16 : i32
    %scan3A_578 = arith.addi %scan3A_576, %scan3A_577 : i32
    %scan3A_579 = arith.constant 1 : i32
    %scan3A_580 = scf.for %scan3A_809 = %scan3A_576 to %scan3A_578 step %scan3A_579 iter_args(%scan3A_810 = %scan3A_575) -> (i32)  : i32 {
      %mul3A_811 = arith.constant 32 : i32
      %mul3A_812 = arith.muli %scan3A_809, %mul3A_811 : i32
      %add3A_813 = arith.constant 0 : i32
      %add3A_814 = arith.addi %mul3A_812, %add3A_813 : i32
      %get3A = arith.index_cast %add3A_814 : i32 to index
      %get3A_815 = tpu.vector_load %arg9[%get3A] {strides = array<i32>} : memref<512xi32, #tpu.memory_space<vmem>>, vector<16xi32>,
      %mul3A_816 = arith.constant 6 : i32
      %mul3A_817 = vector.broadcast %mul3A_816 : i32 to vector<16xi32>
      %mul3A_818 = arith.muli %get3A_815, %mul3A_817 : vector<16xi32>
      %add3A_819 = arith.constant 4 : i32
      %add3A_820 = vector.broadcast %add3A_819 : i32 to vector<16xi32>
      %add3A_821 = arith.addi %mul3A_818, %add3A_820 : vector<16xi32>
      %add3A_822 = arith.constant 2048 : i32
      %add3A_823 = arith.addi %add3A_822, %add3A_814 : i32
      %gather3A_824 = tpu.vector_load_idx %arg10[%add3A_821] : memref<128xf32, #tpu.memory_space<vmem>>[vector<16xi32>], vector<16xf32>,
      %swap3A_825 = arith.index_cast %add3A_823 : i32 to index
      %swap3A_826 = tpu.vector_load %arg17[%swap3A_825] {strides = array<i32>} : memref<3072xf32, #tpu.memory_space<vmem>>, vector<16xf32>,
      tpu.vector_store %arg17[%swap3A_825], %gather3A_824 {strides = array<i32>} : memref<3072xf32, #tpu.memory_space<vmem>>, vector<16xf32>,
      %gather3A_827 = tpu.vector_load_idx %arg11[%add3A_821] : memref<128xf32, #tpu.memory_space<vmem>>[vector<16xi32>], vector<16xf32>,
      %swap3A_828 = arith.index_cast %add3A_823 : i32 to index
      %swap3A_829 = tpu.vector_load %arg18[%swap3A_828] {strides = array<i32>} : memref<3072xf32, #tpu.memory_space<vmem>>, vector<16xf32>,
      tpu.vector_store %arg18[%swap3A_828], %gather3A_827 {strides = array<i32>} : memref<3072xf32, #tpu.memory_space<vmem>>, vector<16xf32>,
      %gather3A_830 = tpu.vector_load_idx %arg12[%add3A_821] : memref<128xf32, #tpu.memory_space<vmem>>[vector<16xi32>], vector<16xf32>,
      %swap3A_831 = arith.index_cast %add3A_823 : i32 to index
      %swap3A_832 = tpu.vector_load %arg15[%swap3A_831] {strides = array<i32>} : memref<3072xf32, #tpu.memory_space<vmem>>, vector<16xf32>,
      tpu.vector_store %arg15[%swap3A_831], %gather3A_830 {strides = array<i32>} : memref<3072xf32, #tpu.memory_space<vmem>>, vector<16xf32>,
      %mul3A_833 = arith.constant 32 : i32
      %mul3A_834 = arith.muli %scan3A_809, %mul3A_833 : i32
      %add3A_835 = arith.constant 16 : i32
      %add3A_836 = arith.addi %mul3A_834, %add3A_835 : i32
      %get3A_837 = arith.index_cast %add3A_836 : i32 to index
      %get3A_838 = tpu.vector_load %arg9[%get3A_837] {strides = array<i32>} : memref<512xi32, #tpu.memory_space<vmem>>, vector<16xi32>,
      %mul3A_839 = arith.constant 6 : i32
      %mul3A_840 = vector.broadcast %mul3A_839 : i32 to vector<16xi32>
      %mul3A_841 = arith.muli %get3A_838, %mul3A_840 : vector<16xi32>
      %add3A_842 = arith.constant 4 : i32
      %add3A_843 = vector.broadcast %add3A_842 : i32 to vector<16xi32>
      %add3A_844 = arith.addi %mul3A_841, %add3A_843 : vector<16xi32>
      %add3A_845 = arith.constant 2048 : i32
      %add3A_846 = arith.addi %add3A_845, %add3A_836 : i32
      %gather3A_847 = tpu.vector_load_idx %arg10[%add3A_844] : memref<128xf32, #tpu.memory_space<vmem>>[vector<16xi32>], vector<16xf32>,
      %swap3A_848 = arith.index_cast %add3A_846 : i32 to index
      %swap3A_849 = tpu.vector_load %arg17[%swap3A_848] {strides = array<i32>} : memref<3072xf32, #tpu.memory_space<vmem>>, vector<16xf32>,
      tpu.vector_store %arg17[%swap3A_848], %gather3A_847 {strides = array<i32>} : memref<3072xf32, #tpu.memory_space<vmem>>, vector<16xf32>,
      %gather3A_850 = tpu.vector_load_idx %arg11[%add3A_844] : memref<128xf32, #tpu.memory_space<vmem>>[vector<16xi32>], vector<16xf32>,
      %swap3A_851 = arith.index_cast %add3A_846 : i32 to index
      %swap3A_852 = tpu.vector_load %arg18[%swap3A_851] {strides = array<i32>} : memref<3072xf32, #tpu.memory_space<vmem>>, vector<16xf32>,
      tpu.vector_store %arg18[%swap3A_851], %gather3A_850 {strides = array<i32>} : memref<3072xf32, #tpu.memory_space<vmem>>, vector<16xf32>,
      %gather3A_853 = tpu.vector_load_idx %arg12[%add3A_844] : memref<128xf32, #tpu.memory_space<vmem>>[vector<16xi32>], vector<16xf32>,
      %swap3A_854 = arith.index_cast %add3A_846 : i32 to index
      %swap3A_855 = tpu.vector_load %arg15[%swap3A_854] {strides = array<i32>} : memref<3072xf32, #tpu.memory_space<vmem>>, vector<16xf32>,
      tpu.vector_store %arg15[%swap3A_854], %gather3A_853 {strides = array<i32>} : memref<3072xf32, #tpu.memory_space<vmem>>, vector<16xf32>,
      %scan3A_856 = arith.constant 0 : i32
      scf.yield %scan3A_856 : i32
    }
    %scan3A_581 = arith.constant 16 : i32
    %dma_start3A_582 = arith.constant 4 : i32
    %dma_start3A_583 = arith.constant 2048 : i32
    %dma_start3A_584 = tpu.memref_slice %arg15[%dma_start3A_583] : memref<3072xf32, #tpu.memory_space<vmem>> -> memref<512xf32, #tpu.memory_space<vmem>>
    %dma_start3A_585 = tpu.memref_slice %arg4[%dma_start3A_582, %mul3A_2] : memref<6x16384xf32, #tpu.memory_space<hbm>> -> memref<1x512xf32, #tpu.memory_space<hbm>>
    %dma_start3A_586 = tpu.memref_squeeze %dma_start3A_585 : memref<1x512xf32, #tpu.memory_space<hbm>> -> memref<512xf32, #tpu.memory_space<hbm>>
    %dma_start3A_587 = tpu.memref_slice %arg4[%dma_start3A_582, %mul3A_2] : memref<6x16384xf32, #tpu.memory_space<hbm>> -> memref<1x512xf32, #tpu.memory_space<hbm>>
    %dma_start3A_588 = tpu.memref_squeeze %dma_start3A_587 : memref<1x512xf32, #tpu.memory_space<hbm>> -> memref<512xf32, #tpu.memory_space<hbm>>
    %dma_start3A_589 = arith.constant 2048 : i32
    %dma_start3A_590 = tpu.memref_slice %arg15[%dma_start3A_589] : memref<3072xf32, #tpu.memory_space<vmem>> -> memref<512xf32, #tpu.memory_space<vmem>>
    tpu.enqueue_dma source(%dma_start3A_590 : memref<512xf32, #tpu.memory_space<vmem>>) target(%dma_start3A_588 : memref<512xf32, #tpu.memory_space<hbm>>) target_semaphore(%arg20 : memref<!tpu.dma_semaphore, #tpu.memory_space<semaphore_mem>>)
    %dma_start3A_591 = arith.constant 4 : i32
    %dma_start3A_592 = arith.constant 2048 : i32
    %dma_start3A_593 = tpu.memref_slice %arg17[%dma_start3A_592] : memref<3072xf32, #tpu.memory_space<vmem>> -> memref<512xf32, #tpu.memory_space<vmem>>
    %dma_start3A_594 = tpu.memref_slice %arg6[%dma_start3A_591, %mul3A_2] : memref<6x16384xf32, #tpu.memory_space<hbm>> -> memref<1x512xf32, #tpu.memory_space<hbm>>
    %dma_start3A_595 = tpu.memref_squeeze %dma_start3A_594 : memref<1x512xf32, #tpu.memory_space<hbm>> -> memref<512xf32, #tpu.memory_space<hbm>>
    %dma_start3A_596 = tpu.memref_slice %arg6[%dma_start3A_591, %mul3A_2] : memref<6x16384xf32, #tpu.memory_space<hbm>> -> memref<1x512xf32, #tpu.memory_space<hbm>>
    %dma_start3A_597 = tpu.memref_squeeze %dma_start3A_596 : memref<1x512xf32, #tpu.memory_space<hbm>> -> memref<512xf32, #tpu.memory_space<hbm>>
    %dma_start3A_598 = arith.constant 2048 : i32
    %dma_start3A_599 = tpu.memref_slice %arg17[%dma_start3A_598] : memref<3072xf32, #tpu.memory_space<vmem>> -> memref<512xf32, #tpu.memory_space<vmem>>
    tpu.enqueue_dma source(%dma_start3A_599 : memref<512xf32, #tpu.memory_space<vmem>>) target(%dma_start3A_597 : memref<512xf32, #tpu.memory_space<hbm>>) target_semaphore(%arg21 : memref<!tpu.dma_semaphore, #tpu.memory_space<semaphore_mem>>)
    %dma_start3A_600 = arith.constant 4 : i32
    %dma_start3A_601 = arith.constant 2048 : i32
    %dma_start3A_602 = tpu.memref_slice %arg18[%dma_start3A_601] : memref<3072xf32, #tpu.memory_space<vmem>> -> memref<512xf32, #tpu.memory_space<vmem>>
    %dma_start3A_603 = tpu.memref_slice %arg7[%dma_start3A_600, %mul3A_2] : memref<6x16384xf32, #tpu.memory_space<hbm>> -> memref<1x512xf32, #tpu.memory_space<hbm>>
    %dma_start3A_604 = tpu.memref_squeeze %dma_start3A_603 : memref<1x512xf32, #tpu.memory_space<hbm>> -> memref<512xf32, #tpu.memory_space<hbm>>
    %dma_start3A_605 = tpu.memref_slice %arg7[%dma_start3A_600, %mul3A_2] : memref<6x16384xf32, #tpu.memory_space<hbm>> -> memref<1x512xf32, #tpu.memory_space<hbm>>
    %dma_start3A_606 = tpu.memref_squeeze %dma_start3A_605 : memref<1x512xf32, #tpu.memory_space<hbm>> -> memref<512xf32, #tpu.memory_space<hbm>>
    %dma_start3A_607 = arith.constant 2048 : i32
    %dma_start3A_608 = tpu.memref_slice %arg18[%dma_start3A_607] : memref<3072xf32, #tpu.memory_space<vmem>> -> memref<512xf32, #tpu.memory_space<vmem>>
    tpu.enqueue_dma source(%dma_start3A_608 : memref<512xf32, #tpu.memory_space<vmem>>) target(%dma_start3A_606 : memref<512xf32, #tpu.memory_space<hbm>>) target_semaphore(%arg22 : memref<!tpu.dma_semaphore, #tpu.memory_space<semaphore_mem>>)
    %scan3A_609 = arith.constant 0 : i32
    %scan3A_610 = arith.constant 0 : i32
    %scan3A_611 = arith.constant 16 : i32
    %scan3A_612 = arith.addi %scan3A_610, %scan3A_611 : i32
    %scan3A_613 = arith.constant 1 : i32
    %scan3A_614 = scf.for %scan3A_809 = %scan3A_610 to %scan3A_612 step %scan3A_613 iter_args(%scan3A_810 = %scan3A_609) -> (i32)  : i32 {
      %mul3A_811 = arith.constant 32 : i32
      %mul3A_812 = arith.muli %scan3A_809, %mul3A_811 : i32
      %add3A_813 = arith.constant 0 : i32
      %add3A_814 = arith.addi %mul3A_812, %add3A_813 : i32
      %get3A = arith.index_cast %add3A_814 : i32 to index
      %get3A_815 = tpu.vector_load %arg9[%get3A] {strides = array<i32>} : memref<512xi32, #tpu.memory_space<vmem>>, vector<16xi32>,
      %mul3A_816 = arith.constant 6 : i32
      %mul3A_817 = vector.broadcast %mul3A_816 : i32 to vector<16xi32>
      %mul3A_818 = arith.muli %get3A_815, %mul3A_817 : vector<16xi32>
      %add3A_819 = arith.constant 5 : i32
      %add3A_820 = vector.broadcast %add3A_819 : i32 to vector<16xi32>
      %add3A_821 = arith.addi %mul3A_818, %add3A_820 : vector<16xi32>
      %add3A_822 = arith.constant 2560 : i32
      %add3A_823 = arith.addi %add3A_822, %add3A_814 : i32
      %gather3A_824 = tpu.vector_load_idx %arg10[%add3A_821] : memref<128xf32, #tpu.memory_space<vmem>>[vector<16xi32>], vector<16xf32>,
      %swap3A_825 = arith.index_cast %add3A_823 : i32 to index
      %swap3A_826 = tpu.vector_load %arg17[%swap3A_825] {strides = array<i32>} : memref<3072xf32, #tpu.memory_space<vmem>>, vector<16xf32>,
      tpu.vector_store %arg17[%swap3A_825], %gather3A_824 {strides = array<i32>} : memref<3072xf32, #tpu.memory_space<vmem>>, vector<16xf32>,
      %gather3A_827 = tpu.vector_load_idx %arg11[%add3A_821] : memref<128xf32, #tpu.memory_space<vmem>>[vector<16xi32>], vector<16xf32>,
      %swap3A_828 = arith.index_cast %add3A_823 : i32 to index
      %swap3A_829 = tpu.vector_load %arg18[%swap3A_828] {strides = array<i32>} : memref<3072xf32, #tpu.memory_space<vmem>>, vector<16xf32>,
      tpu.vector_store %arg18[%swap3A_828], %gather3A_827 {strides = array<i32>} : memref<3072xf32, #tpu.memory_space<vmem>>, vector<16xf32>,
      %gather3A_830 = tpu.vector_load_idx %arg12[%add3A_821] : memref<128xf32, #tpu.memory_space<vmem>>[vector<16xi32>], vector<16xf32>,
      %swap3A_831 = arith.index_cast %add3A_823 : i32 to index
      %swap3A_832 = tpu.vector_load %arg15[%swap3A_831] {strides = array<i32>} : memref<3072xf32, #tpu.memory_space<vmem>>, vector<16xf32>,
      tpu.vector_store %arg15[%swap3A_831], %gather3A_830 {strides = array<i32>} : memref<3072xf32, #tpu.memory_space<vmem>>, vector<16xf32>,
      %mul3A_833 = arith.constant 32 : i32
      %mul3A_834 = arith.muli %scan3A_809, %mul3A_833 : i32
      %add3A_835 = arith.constant 16 : i32
      %add3A_836 = arith.addi %mul3A_834, %add3A_835 : i32
      %get3A_837 = arith.index_cast %add3A_836 : i32 to index
      %get3A_838 = tpu.vector_load %arg9[%get3A_837] {strides = array<i32>} : memref<512xi32, #tpu.memory_space<vmem>>, vector<16xi32>,
      %mul3A_839 = arith.constant 6 : i32
      %mul3A_840 = vector.broadcast %mul3A_839 : i32 to vector<16xi32>
      %mul3A_841 = arith.muli %get3A_838, %mul3A_840 : vector<16xi32>
      %add3A_842 = arith.constant 5 : i32
      %add3A_843 = vector.broadcast %add3A_842 : i32 to vector<16xi32>
      %add3A_844 = arith.addi %mul3A_841, %add3A_843 : vector<16xi32>
      %add3A_845 = arith.constant 2560 : i32
      %add3A_846 = arith.addi %add3A_845, %add3A_836 : i32
      %gather3A_847 = tpu.vector_load_idx %arg10[%add3A_844] : memref<128xf32, #tpu.memory_space<vmem>>[vector<16xi32>], vector<16xf32>,
      %swap3A_848 = arith.index_cast %add3A_846 : i32 to index
      %swap3A_849 = tpu.vector_load %arg17[%swap3A_848] {strides = array<i32>} : memref<3072xf32, #tpu.memory_space<vmem>>, vector<16xf32>,
      tpu.vector_store %arg17[%swap3A_848], %gather3A_847 {strides = array<i32>} : memref<3072xf32, #tpu.memory_space<vmem>>, vector<16xf32>,
      %gather3A_850 = tpu.vector_load_idx %arg11[%add3A_844] : memref<128xf32, #tpu.memory_space<vmem>>[vector<16xi32>], vector<16xf32>,
      %swap3A_851 = arith.index_cast %add3A_846 : i32 to index
      %swap3A_852 = tpu.vector_load %arg18[%swap3A_851] {strides = array<i32>} : memref<3072xf32, #tpu.memory_space<vmem>>, vector<16xf32>,
      tpu.vector_store %arg18[%swap3A_851], %gather3A_850 {strides = array<i32>} : memref<3072xf32, #tpu.memory_space<vmem>>, vector<16xf32>,
      %gather3A_853 = tpu.vector_load_idx %arg12[%add3A_844] : memref<128xf32, #tpu.memory_space<vmem>>[vector<16xi32>], vector<16xf32>,
      %swap3A_854 = arith.index_cast %add3A_846 : i32 to index
      %swap3A_855 = tpu.vector_load %arg15[%swap3A_854] {strides = array<i32>} : memref<3072xf32, #tpu.memory_space<vmem>>, vector<16xf32>,
      tpu.vector_store %arg15[%swap3A_854], %gather3A_853 {strides = array<i32>} : memref<3072xf32, #tpu.memory_space<vmem>>, vector<16xf32>,
      %scan3A_856 = arith.constant 0 : i32
      scf.yield %scan3A_856 : i32
    }
    %scan3A_615 = arith.constant 16 : i32
    %dma_start3A_616 = arith.constant 5 : i32
    %dma_start3A_617 = arith.constant 2560 : i32
    %dma_start3A_618 = tpu.memref_slice %arg15[%dma_start3A_617] : memref<3072xf32, #tpu.memory_space<vmem>> -> memref<512xf32, #tpu.memory_space<vmem>>
    %dma_start3A_619 = tpu.memref_slice %arg4[%dma_start3A_616, %mul3A_2] : memref<6x16384xf32, #tpu.memory_space<hbm>> -> memref<1x512xf32, #tpu.memory_space<hbm>>
    %dma_start3A_620 = tpu.memref_squeeze %dma_start3A_619 : memref<1x512xf32, #tpu.memory_space<hbm>> -> memref<512xf32, #tpu.memory_space<hbm>>
    %dma_start3A_621 = tpu.memref_slice %arg4[%dma_start3A_616, %mul3A_2] : memref<6x16384xf32, #tpu.memory_space<hbm>> -> memref<1x512xf32, #tpu.memory_space<hbm>>
    %dma_start3A_622 = tpu.memref_squeeze %dma_start3A_621 : memref<1x512xf32, #tpu.memory_space<hbm>> -> memref<512xf32, #tpu.memory_space<hbm>>
    %dma_start3A_623 = arith.constant 2560 : i32
    %dma_start3A_624 = tpu.memref_slice %arg15[%dma_start3A_623] : memref<3072xf32, #tpu.memory_space<vmem>> -> memref<512xf32, #tpu.memory_space<vmem>>
    tpu.enqueue_dma source(%dma_start3A_624 : memref<512xf32, #tpu.memory_space<vmem>>) target(%dma_start3A_622 : memref<512xf32, #tpu.memory_space<hbm>>) target_semaphore(%arg20 : memref<!tpu.dma_semaphore, #tpu.memory_space<semaphore_mem>>)
    %dma_start3A_625 = arith.constant 5 : i32
    %dma_start3A_626 = arith.constant 2560 : i32
    %dma_start3A_627 = tpu.memref_slice %arg17[%dma_start3A_626] : memref<3072xf32, #tpu.memory_space<vmem>> -> memref<512xf32, #tpu.memory_space<vmem>>
    %dma_start3A_628 = tpu.memref_slice %arg6[%dma_start3A_625, %mul3A_2] : memref<6x16384xf32, #tpu.memory_space<hbm>> -> memref<1x512xf32, #tpu.memory_space<hbm>>
    %dma_start3A_629 = tpu.memref_squeeze %dma_start3A_628 : memref<1x512xf32, #tpu.memory_space<hbm>> -> memref<512xf32, #tpu.memory_space<hbm>>
    %dma_start3A_630 = tpu.memref_slice %arg6[%dma_start3A_625, %mul3A_2] : memref<6x16384xf32, #tpu.memory_space<hbm>> -> memref<1x512xf32, #tpu.memory_space<hbm>>
    %dma_start3A_631 = tpu.memref_squeeze %dma_start3A_630 : memref<1x512xf32, #tpu.memory_space<hbm>> -> memref<512xf32, #tpu.memory_space<hbm>>
    %dma_start3A_632 = arith.constant 2560 : i32
    %dma_start3A_633 = tpu.memref_slice %arg17[%dma_start3A_632] : memref<3072xf32, #tpu.memory_space<vmem>> -> memref<512xf32, #tpu.memory_space<vmem>>
    tpu.enqueue_dma source(%dma_start3A_633 : memref<512xf32, #tpu.memory_space<vmem>>) target(%dma_start3A_631 : memref<512xf32, #tpu.memory_space<hbm>>) target_semaphore(%arg21 : memref<!tpu.dma_semaphore, #tpu.memory_space<semaphore_mem>>)
    %dma_start3A_634 = arith.constant 5 : i32
    %dma_start3A_635 = arith.constant 2560 : i32
    %dma_start3A_636 = tpu.memref_slice %arg18[%dma_start3A_635] : memref<3072xf32, #tpu.memory_space<vmem>> -> memref<512xf32, #tpu.memory_space<vmem>>
    %dma_start3A_637 = tpu.memref_slice %arg7[%dma_start3A_634, %mul3A_2] : memref<6x16384xf32, #tpu.memory_space<hbm>> -> memref<1x512xf32, #tpu.memory_space<hbm>>
    %dma_start3A_638 = tpu.memref_squeeze %dma_start3A_637 : memref<1x512xf32, #tpu.memory_space<hbm>> -> memref<512xf32, #tpu.memory_space<hbm>>
    %dma_start3A_639 = tpu.memref_slice %arg7[%dma_start3A_634, %mul3A_2] : memref<6x16384xf32, #tpu.memory_space<hbm>> -> memref<1x512xf32, #tpu.memory_space<hbm>>
    %dma_start3A_640 = tpu.memref_squeeze %dma_start3A_639 : memref<1x512xf32, #tpu.memory_space<hbm>> -> memref<512xf32, #tpu.memory_space<hbm>>
    %dma_start3A_641 = arith.constant 2560 : i32
    %dma_start3A_642 = tpu.memref_slice %arg18[%dma_start3A_641] : memref<3072xf32, #tpu.memory_space<vmem>> -> memref<512xf32, #tpu.memory_space<vmem>>
    tpu.enqueue_dma source(%dma_start3A_642 : memref<512xf32, #tpu.memory_space<vmem>>) target(%dma_start3A_640 : memref<512xf32, #tpu.memory_space<hbm>>) target_semaphore(%arg22 : memref<!tpu.dma_semaphore, #tpu.memory_space<semaphore_mem>>)
    %dma_wait3A_643 = tpu.memref_slice %arg5[%mul3A_2] : memref<16384xf32, #tpu.memory_space<hbm>> -> memref<512xf32, #tpu.memory_space<hbm>>
    %dma_wait3A_644 = tpu.memref_slice %arg5[%mul3A_2] : memref<16384xf32, #tpu.memory_space<hbm>> -> memref<512xf32, #tpu.memory_space<hbm>>
    tpu.wait_dma2 semaphore(%arg23 : memref<!tpu.dma_semaphore, #tpu.memory_space<semaphore_mem>>) src(%arg16 : memref<512xf32, #tpu.memory_space<vmem>>) dst(%dma_wait3A_644 : memref<512xf32, #tpu.memory_space<hbm>>)
    %dma_wait3A_645 = tpu.memref_slice %arg8[%mul3A_2] : memref<16384xi32, #tpu.memory_space<hbm>> -> memref<512xi32, #tpu.memory_space<hbm>>
    %dma_wait3A_646 = tpu.memref_slice %arg8[%mul3A_2] : memref<16384xi32, #tpu.memory_space<hbm>> -> memref<512xi32, #tpu.memory_space<hbm>>
    tpu.wait_dma2 semaphore(%arg23 : memref<!tpu.dma_semaphore, #tpu.memory_space<semaphore_mem>>) src(%arg19 : memref<512xi32, #tpu.memory_space<vmem>>) dst(%dma_wait3A_646 : memref<512xi32, #tpu.memory_space<hbm>>)
    %dma_wait3A_647 = arith.constant 0 : i32
    %dma_wait3A_648 = arith.constant 0 : i32
    %dma_wait3A_649 = tpu.memref_slice %arg15[%dma_wait3A_648] : memref<3072xf32, #tpu.memory_space<vmem>> -> memref<512xf32, #tpu.memory_space<vmem>>
    %dma_wait3A_650 = tpu.memref_slice %arg4[%dma_wait3A_647, %mul3A_2] : memref<6x16384xf32, #tpu.memory_space<hbm>> -> memref<1x512xf32, #tpu.memory_space<hbm>>
    %dma_wait3A_651 = tpu.memref_squeeze %dma_wait3A_650 : memref<1x512xf32, #tpu.memory_space<hbm>> -> memref<512xf32, #tpu.memory_space<hbm>>
    %dma_wait3A_652 = tpu.memref_slice %arg4[%dma_wait3A_647, %mul3A_2] : memref<6x16384xf32, #tpu.memory_space<hbm>> -> memref<1x512xf32, #tpu.memory_space<hbm>>
    %dma_wait3A_653 = tpu.memref_squeeze %dma_wait3A_652 : memref<1x512xf32, #tpu.memory_space<hbm>> -> memref<512xf32, #tpu.memory_space<hbm>>
    %dma_wait3A_654 = arith.constant 0 : i32
    %dma_wait3A_655 = tpu.memref_slice %arg15[%dma_wait3A_654] : memref<3072xf32, #tpu.memory_space<vmem>> -> memref<512xf32, #tpu.memory_space<vmem>>
    tpu.wait_dma2 semaphore(%arg20 : memref<!tpu.dma_semaphore, #tpu.memory_space<semaphore_mem>>) src(%dma_wait3A_655 : memref<512xf32, #tpu.memory_space<vmem>>) dst(%dma_wait3A_653 : memref<512xf32, #tpu.memory_space<hbm>>)
    %dma_wait3A_656 = arith.constant 0 : i32
    %dma_wait3A_657 = arith.constant 0 : i32
    %dma_wait3A_658 = tpu.memref_slice %arg17[%dma_wait3A_657] : memref<3072xf32, #tpu.memory_space<vmem>> -> memref<512xf32, #tpu.memory_space<vmem>>
    %dma_wait3A_659 = tpu.memref_slice %arg6[%dma_wait3A_656, %mul3A_2] : memref<6x16384xf32, #tpu.memory_space<hbm>> -> memref<1x512xf32, #tpu.memory_space<hbm>>
    %dma_wait3A_660 = tpu.memref_squeeze %dma_wait3A_659 : memref<1x512xf32, #tpu.memory_space<hbm>> -> memref<512xf32, #tpu.memory_space<hbm>>
    %dma_wait3A_661 = tpu.memref_slice %arg6[%dma_wait3A_656, %mul3A_2] : memref<6x16384xf32, #tpu.memory_space<hbm>> -> memref<1x512xf32, #tpu.memory_space<hbm>>
    %dma_wait3A_662 = tpu.memref_squeeze %dma_wait3A_661 : memref<1x512xf32, #tpu.memory_space<hbm>> -> memref<512xf32, #tpu.memory_space<hbm>>
    %dma_wait3A_663 = arith.constant 0 : i32
    %dma_wait3A_664 = tpu.memref_slice %arg17[%dma_wait3A_663] : memref<3072xf32, #tpu.memory_space<vmem>> -> memref<512xf32, #tpu.memory_space<vmem>>
    tpu.wait_dma2 semaphore(%arg21 : memref<!tpu.dma_semaphore, #tpu.memory_space<semaphore_mem>>) src(%dma_wait3A_664 : memref<512xf32, #tpu.memory_space<vmem>>) dst(%dma_wait3A_662 : memref<512xf32, #tpu.memory_space<hbm>>)
    %dma_wait3A_665 = arith.constant 0 : i32
    %dma_wait3A_666 = arith.constant 0 : i32
    %dma_wait3A_667 = tpu.memref_slice %arg18[%dma_wait3A_666] : memref<3072xf32, #tpu.memory_space<vmem>> -> memref<512xf32, #tpu.memory_space<vmem>>
    %dma_wait3A_668 = tpu.memref_slice %arg7[%dma_wait3A_665, %mul3A_2] : memref<6x16384xf32, #tpu.memory_space<hbm>> -> memref<1x512xf32, #tpu.memory_space<hbm>>
    %dma_wait3A_669 = tpu.memref_squeeze %dma_wait3A_668 : memref<1x512xf32, #tpu.memory_space<hbm>> -> memref<512xf32, #tpu.memory_space<hbm>>
    %dma_wait3A_670 = tpu.memref_slice %arg7[%dma_wait3A_665, %mul3A_2] : memref<6x16384xf32, #tpu.memory_space<hbm>> -> memref<1x512xf32, #tpu.memory_space<hbm>>
    %dma_wait3A_671 = tpu.memref_squeeze %dma_wait3A_670 : memref<1x512xf32, #tpu.memory_space<hbm>> -> memref<512xf32, #tpu.memory_space<hbm>>
    %dma_wait3A_672 = arith.constant 0 : i32
    %dma_wait3A_673 = tpu.memref_slice %arg18[%dma_wait3A_672] : memref<3072xf32, #tpu.memory_space<vmem>> -> memref<512xf32, #tpu.memory_space<vmem>>
    tpu.wait_dma2 semaphore(%arg22 : memref<!tpu.dma_semaphore, #tpu.memory_space<semaphore_mem>>) src(%dma_wait3A_673 : memref<512xf32, #tpu.memory_space<vmem>>) dst(%dma_wait3A_671 : memref<512xf32, #tpu.memory_space<hbm>>)
    %dma_wait3A_674 = arith.constant 1 : i32
    %dma_wait3A_675 = arith.constant 512 : i32
    %dma_wait3A_676 = tpu.memref_slice %arg15[%dma_wait3A_675] : memref<3072xf32, #tpu.memory_space<vmem>> -> memref<512xf32, #tpu.memory_space<vmem>>
    %dma_wait3A_677 = tpu.memref_slice %arg4[%dma_wait3A_674, %mul3A_2] : memref<6x16384xf32, #tpu.memory_space<hbm>> -> memref<1x512xf32, #tpu.memory_space<hbm>>
    %dma_wait3A_678 = tpu.memref_squeeze %dma_wait3A_677 : memref<1x512xf32, #tpu.memory_space<hbm>> -> memref<512xf32, #tpu.memory_space<hbm>>
    %dma_wait3A_679 = tpu.memref_slice %arg4[%dma_wait3A_674, %mul3A_2] : memref<6x16384xf32, #tpu.memory_space<hbm>> -> memref<1x512xf32, #tpu.memory_space<hbm>>
    %dma_wait3A_680 = tpu.memref_squeeze %dma_wait3A_679 : memref<1x512xf32, #tpu.memory_space<hbm>> -> memref<512xf32, #tpu.memory_space<hbm>>
    %dma_wait3A_681 = arith.constant 512 : i32
    %dma_wait3A_682 = tpu.memref_slice %arg15[%dma_wait3A_681] : memref<3072xf32, #tpu.memory_space<vmem>> -> memref<512xf32, #tpu.memory_space<vmem>>
    tpu.wait_dma2 semaphore(%arg20 : memref<!tpu.dma_semaphore, #tpu.memory_space<semaphore_mem>>) src(%dma_wait3A_682 : memref<512xf32, #tpu.memory_space<vmem>>) dst(%dma_wait3A_680 : memref<512xf32, #tpu.memory_space<hbm>>)
    %dma_wait3A_683 = arith.constant 1 : i32
    %dma_wait3A_684 = arith.constant 512 : i32
    %dma_wait3A_685 = tpu.memref_slice %arg17[%dma_wait3A_684] : memref<3072xf32, #tpu.memory_space<vmem>> -> memref<512xf32, #tpu.memory_space<vmem>>
    %dma_wait3A_686 = tpu.memref_slice %arg6[%dma_wait3A_683, %mul3A_2] : memref<6x16384xf32, #tpu.memory_space<hbm>> -> memref<1x512xf32, #tpu.memory_space<hbm>>
    %dma_wait3A_687 = tpu.memref_squeeze %dma_wait3A_686 : memref<1x512xf32, #tpu.memory_space<hbm>> -> memref<512xf32, #tpu.memory_space<hbm>>
    %dma_wait3A_688 = tpu.memref_slice %arg6[%dma_wait3A_683, %mul3A_2] : memref<6x16384xf32, #tpu.memory_space<hbm>> -> memref<1x512xf32, #tpu.memory_space<hbm>>
    %dma_wait3A_689 = tpu.memref_squeeze %dma_wait3A_688 : memref<1x512xf32, #tpu.memory_space<hbm>> -> memref<512xf32, #tpu.memory_space<hbm>>
    %dma_wait3A_690 = arith.constant 512 : i32
    %dma_wait3A_691 = tpu.memref_slice %arg17[%dma_wait3A_690] : memref<3072xf32, #tpu.memory_space<vmem>> -> memref<512xf32, #tpu.memory_space<vmem>>
    tpu.wait_dma2 semaphore(%arg21 : memref<!tpu.dma_semaphore, #tpu.memory_space<semaphore_mem>>) src(%dma_wait3A_691 : memref<512xf32, #tpu.memory_space<vmem>>) dst(%dma_wait3A_689 : memref<512xf32, #tpu.memory_space<hbm>>)
    %dma_wait3A_692 = arith.constant 1 : i32
    %dma_wait3A_693 = arith.constant 512 : i32
    %dma_wait3A_694 = tpu.memref_slice %arg18[%dma_wait3A_693] : memref<3072xf32, #tpu.memory_space<vmem>> -> memref<512xf32, #tpu.memory_space<vmem>>
    %dma_wait3A_695 = tpu.memref_slice %arg7[%dma_wait3A_692, %mul3A_2] : memref<6x16384xf32, #tpu.memory_space<hbm>> -> memref<1x512xf32, #tpu.memory_space<hbm>>
    %dma_wait3A_696 = tpu.memref_squeeze %dma_wait3A_695 : memref<1x512xf32, #tpu.memory_space<hbm>> -> memref<512xf32, #tpu.memory_space<hbm>>
    %dma_wait3A_697 = tpu.memref_slice %arg7[%dma_wait3A_692, %mul3A_2] : memref<6x16384xf32, #tpu.memory_space<hbm>> -> memref<1x512xf32, #tpu.memory_space<hbm>>
    %dma_wait3A_698 = tpu.memref_squeeze %dma_wait3A_697 : memref<1x512xf32, #tpu.memory_space<hbm>> -> memref<512xf32, #tpu.memory_space<hbm>>
    %dma_wait3A_699 = arith.constant 512 : i32
    %dma_wait3A_700 = tpu.memref_slice %arg18[%dma_wait3A_699] : memref<3072xf32, #tpu.memory_space<vmem>> -> memref<512xf32, #tpu.memory_space<vmem>>
    tpu.wait_dma2 semaphore(%arg22 : memref<!tpu.dma_semaphore, #tpu.memory_space<semaphore_mem>>) src(%dma_wait3A_700 : memref<512xf32, #tpu.memory_space<vmem>>) dst(%dma_wait3A_698 : memref<512xf32, #tpu.memory_space<hbm>>)
    %dma_wait3A_701 = arith.constant 2 : i32
    %dma_wait3A_702 = arith.constant 1024 : i32
    %dma_wait3A_703 = tpu.memref_slice %arg15[%dma_wait3A_702] : memref<3072xf32, #tpu.memory_space<vmem>> -> memref<512xf32, #tpu.memory_space<vmem>>
    %dma_wait3A_704 = tpu.memref_slice %arg4[%dma_wait3A_701, %mul3A_2] : memref<6x16384xf32, #tpu.memory_space<hbm>> -> memref<1x512xf32, #tpu.memory_space<hbm>>
    %dma_wait3A_705 = tpu.memref_squeeze %dma_wait3A_704 : memref<1x512xf32, #tpu.memory_space<hbm>> -> memref<512xf32, #tpu.memory_space<hbm>>
    %dma_wait3A_706 = tpu.memref_slice %arg4[%dma_wait3A_701, %mul3A_2] : memref<6x16384xf32, #tpu.memory_space<hbm>> -> memref<1x512xf32, #tpu.memory_space<hbm>>
    %dma_wait3A_707 = tpu.memref_squeeze %dma_wait3A_706 : memref<1x512xf32, #tpu.memory_space<hbm>> -> memref<512xf32, #tpu.memory_space<hbm>>
    %dma_wait3A_708 = arith.constant 1024 : i32
    %dma_wait3A_709 = tpu.memref_slice %arg15[%dma_wait3A_708] : memref<3072xf32, #tpu.memory_space<vmem>> -> memref<512xf32, #tpu.memory_space<vmem>>
    tpu.wait_dma2 semaphore(%arg20 : memref<!tpu.dma_semaphore, #tpu.memory_space<semaphore_mem>>) src(%dma_wait3A_709 : memref<512xf32, #tpu.memory_space<vmem>>) dst(%dma_wait3A_707 : memref<512xf32, #tpu.memory_space<hbm>>)
    %dma_wait3A_710 = arith.constant 2 : i32
    %dma_wait3A_711 = arith.constant 1024 : i32
    %dma_wait3A_712 = tpu.memref_slice %arg17[%dma_wait3A_711] : memref<3072xf32, #tpu.memory_space<vmem>> -> memref<512xf32, #tpu.memory_space<vmem>>
    %dma_wait3A_713 = tpu.memref_slice %arg6[%dma_wait3A_710, %mul3A_2] : memref<6x16384xf32, #tpu.memory_space<hbm>> -> memref<1x512xf32, #tpu.memory_space<hbm>>
    %dma_wait3A_714 = tpu.memref_squeeze %dma_wait3A_713 : memref<1x512xf32, #tpu.memory_space<hbm>> -> memref<512xf32, #tpu.memory_space<hbm>>
    %dma_wait3A_715 = tpu.memref_slice %arg6[%dma_wait3A_710, %mul3A_2] : memref<6x16384xf32, #tpu.memory_space<hbm>> -> memref<1x512xf32, #tpu.memory_space<hbm>>
    %dma_wait3A_716 = tpu.memref_squeeze %dma_wait3A_715 : memref<1x512xf32, #tpu.memory_space<hbm>> -> memref<512xf32, #tpu.memory_space<hbm>>
    %dma_wait3A_717 = arith.constant 1024 : i32
    %dma_wait3A_718 = tpu.memref_slice %arg17[%dma_wait3A_717] : memref<3072xf32, #tpu.memory_space<vmem>> -> memref<512xf32, #tpu.memory_space<vmem>>
    tpu.wait_dma2 semaphore(%arg21 : memref<!tpu.dma_semaphore, #tpu.memory_space<semaphore_mem>>) src(%dma_wait3A_718 : memref<512xf32, #tpu.memory_space<vmem>>) dst(%dma_wait3A_716 : memref<512xf32, #tpu.memory_space<hbm>>)
    %dma_wait3A_719 = arith.constant 2 : i32
    %dma_wait3A_720 = arith.constant 1024 : i32
    %dma_wait3A_721 = tpu.memref_slice %arg18[%dma_wait3A_720] : memref<3072xf32, #tpu.memory_space<vmem>> -> memref<512xf32, #tpu.memory_space<vmem>>
    %dma_wait3A_722 = tpu.memref_slice %arg7[%dma_wait3A_719, %mul3A_2] : memref<6x16384xf32, #tpu.memory_space<hbm>> -> memref<1x512xf32, #tpu.memory_space<hbm>>
    %dma_wait3A_723 = tpu.memref_squeeze %dma_wait3A_722 : memref<1x512xf32, #tpu.memory_space<hbm>> -> memref<512xf32, #tpu.memory_space<hbm>>
    %dma_wait3A_724 = tpu.memref_slice %arg7[%dma_wait3A_719, %mul3A_2] : memref<6x16384xf32, #tpu.memory_space<hbm>> -> memref<1x512xf32, #tpu.memory_space<hbm>>
    %dma_wait3A_725 = tpu.memref_squeeze %dma_wait3A_724 : memref<1x512xf32, #tpu.memory_space<hbm>> -> memref<512xf32, #tpu.memory_space<hbm>>
    %dma_wait3A_726 = arith.constant 1024 : i32
    %dma_wait3A_727 = tpu.memref_slice %arg18[%dma_wait3A_726] : memref<3072xf32, #tpu.memory_space<vmem>> -> memref<512xf32, #tpu.memory_space<vmem>>
    tpu.wait_dma2 semaphore(%arg22 : memref<!tpu.dma_semaphore, #tpu.memory_space<semaphore_mem>>) src(%dma_wait3A_727 : memref<512xf32, #tpu.memory_space<vmem>>) dst(%dma_wait3A_725 : memref<512xf32, #tpu.memory_space<hbm>>)
    %dma_wait3A_728 = arith.constant 3 : i32
    %dma_wait3A_729 = arith.constant 1536 : i32
    %dma_wait3A_730 = tpu.memref_slice %arg15[%dma_wait3A_729] : memref<3072xf32, #tpu.memory_space<vmem>> -> memref<512xf32, #tpu.memory_space<vmem>>
    %dma_wait3A_731 = tpu.memref_slice %arg4[%dma_wait3A_728, %mul3A_2] : memref<6x16384xf32, #tpu.memory_space<hbm>> -> memref<1x512xf32, #tpu.memory_space<hbm>>
    %dma_wait3A_732 = tpu.memref_squeeze %dma_wait3A_731 : memref<1x512xf32, #tpu.memory_space<hbm>> -> memref<512xf32, #tpu.memory_space<hbm>>
    %dma_wait3A_733 = tpu.memref_slice %arg4[%dma_wait3A_728, %mul3A_2] : memref<6x16384xf32, #tpu.memory_space<hbm>> -> memref<1x512xf32, #tpu.memory_space<hbm>>
    %dma_wait3A_734 = tpu.memref_squeeze %dma_wait3A_733 : memref<1x512xf32, #tpu.memory_space<hbm>> -> memref<512xf32, #tpu.memory_space<hbm>>
    %dma_wait3A_735 = arith.constant 1536 : i32
    %dma_wait3A_736 = tpu.memref_slice %arg15[%dma_wait3A_735] : memref<3072xf32, #tpu.memory_space<vmem>> -> memref<512xf32, #tpu.memory_space<vmem>>
    tpu.wait_dma2 semaphore(%arg20 : memref<!tpu.dma_semaphore, #tpu.memory_space<semaphore_mem>>) src(%dma_wait3A_736 : memref<512xf32, #tpu.memory_space<vmem>>) dst(%dma_wait3A_734 : memref<512xf32, #tpu.memory_space<hbm>>)
    %dma_wait3A_737 = arith.constant 3 : i32
    %dma_wait3A_738 = arith.constant 1536 : i32
    %dma_wait3A_739 = tpu.memref_slice %arg17[%dma_wait3A_738] : memref<3072xf32, #tpu.memory_space<vmem>> -> memref<512xf32, #tpu.memory_space<vmem>>
    %dma_wait3A_740 = tpu.memref_slice %arg6[%dma_wait3A_737, %mul3A_2] : memref<6x16384xf32, #tpu.memory_space<hbm>> -> memref<1x512xf32, #tpu.memory_space<hbm>>
    %dma_wait3A_741 = tpu.memref_squeeze %dma_wait3A_740 : memref<1x512xf32, #tpu.memory_space<hbm>> -> memref<512xf32, #tpu.memory_space<hbm>>
    %dma_wait3A_742 = tpu.memref_slice %arg6[%dma_wait3A_737, %mul3A_2] : memref<6x16384xf32, #tpu.memory_space<hbm>> -> memref<1x512xf32, #tpu.memory_space<hbm>>
    %dma_wait3A_743 = tpu.memref_squeeze %dma_wait3A_742 : memref<1x512xf32, #tpu.memory_space<hbm>> -> memref<512xf32, #tpu.memory_space<hbm>>
    %dma_wait3A_744 = arith.constant 1536 : i32
    %dma_wait3A_745 = tpu.memref_slice %arg17[%dma_wait3A_744] : memref<3072xf32, #tpu.memory_space<vmem>> -> memref<512xf32, #tpu.memory_space<vmem>>
    tpu.wait_dma2 semaphore(%arg21 : memref<!tpu.dma_semaphore, #tpu.memory_space<semaphore_mem>>) src(%dma_wait3A_745 : memref<512xf32, #tpu.memory_space<vmem>>) dst(%dma_wait3A_743 : memref<512xf32, #tpu.memory_space<hbm>>)
    %dma_wait3A_746 = arith.constant 3 : i32
    %dma_wait3A_747 = arith.constant 1536 : i32
    %dma_wait3A_748 = tpu.memref_slice %arg18[%dma_wait3A_747] : memref<3072xf32, #tpu.memory_space<vmem>> -> memref<512xf32, #tpu.memory_space<vmem>>
    %dma_wait3A_749 = tpu.memref_slice %arg7[%dma_wait3A_746, %mul3A_2] : memref<6x16384xf32, #tpu.memory_space<hbm>> -> memref<1x512xf32, #tpu.memory_space<hbm>>
    %dma_wait3A_750 = tpu.memref_squeeze %dma_wait3A_749 : memref<1x512xf32, #tpu.memory_space<hbm>> -> memref<512xf32, #tpu.memory_space<hbm>>
    %dma_wait3A_751 = tpu.memref_slice %arg7[%dma_wait3A_746, %mul3A_2] : memref<6x16384xf32, #tpu.memory_space<hbm>> -> memref<1x512xf32, #tpu.memory_space<hbm>>
    %dma_wait3A_752 = tpu.memref_squeeze %dma_wait3A_751 : memref<1x512xf32, #tpu.memory_space<hbm>> -> memref<512xf32, #tpu.memory_space<hbm>>
    %dma_wait3A_753 = arith.constant 1536 : i32
    %dma_wait3A_754 = tpu.memref_slice %arg18[%dma_wait3A_753] : memref<3072xf32, #tpu.memory_space<vmem>> -> memref<512xf32, #tpu.memory_space<vmem>>
    tpu.wait_dma2 semaphore(%arg22 : memref<!tpu.dma_semaphore, #tpu.memory_space<semaphore_mem>>) src(%dma_wait3A_754 : memref<512xf32, #tpu.memory_space<vmem>>) dst(%dma_wait3A_752 : memref<512xf32, #tpu.memory_space<hbm>>)
    %dma_wait3A_755 = arith.constant 4 : i32
    %dma_wait3A_756 = arith.constant 2048 : i32
    %dma_wait3A_757 = tpu.memref_slice %arg15[%dma_wait3A_756] : memref<3072xf32, #tpu.memory_space<vmem>> -> memref<512xf32, #tpu.memory_space<vmem>>
    %dma_wait3A_758 = tpu.memref_slice %arg4[%dma_wait3A_755, %mul3A_2] : memref<6x16384xf32, #tpu.memory_space<hbm>> -> memref<1x512xf32, #tpu.memory_space<hbm>>
    %dma_wait3A_759 = tpu.memref_squeeze %dma_wait3A_758 : memref<1x512xf32, #tpu.memory_space<hbm>> -> memref<512xf32, #tpu.memory_space<hbm>>
    %dma_wait3A_760 = tpu.memref_slice %arg4[%dma_wait3A_755, %mul3A_2] : memref<6x16384xf32, #tpu.memory_space<hbm>> -> memref<1x512xf32, #tpu.memory_space<hbm>>
    %dma_wait3A_761 = tpu.memref_squeeze %dma_wait3A_760 : memref<1x512xf32, #tpu.memory_space<hbm>> -> memref<512xf32, #tpu.memory_space<hbm>>
    %dma_wait3A_762 = arith.constant 2048 : i32
    %dma_wait3A_763 = tpu.memref_slice %arg15[%dma_wait3A_762] : memref<3072xf32, #tpu.memory_space<vmem>> -> memref<512xf32, #tpu.memory_space<vmem>>
    tpu.wait_dma2 semaphore(%arg20 : memref<!tpu.dma_semaphore, #tpu.memory_space<semaphore_mem>>) src(%dma_wait3A_763 : memref<512xf32, #tpu.memory_space<vmem>>) dst(%dma_wait3A_761 : memref<512xf32, #tpu.memory_space<hbm>>)
    %dma_wait3A_764 = arith.constant 4 : i32
    %dma_wait3A_765 = arith.constant 2048 : i32
    %dma_wait3A_766 = tpu.memref_slice %arg17[%dma_wait3A_765] : memref<3072xf32, #tpu.memory_space<vmem>> -> memref<512xf32, #tpu.memory_space<vmem>>
    %dma_wait3A_767 = tpu.memref_slice %arg6[%dma_wait3A_764, %mul3A_2] : memref<6x16384xf32, #tpu.memory_space<hbm>> -> memref<1x512xf32, #tpu.memory_space<hbm>>
    %dma_wait3A_768 = tpu.memref_squeeze %dma_wait3A_767 : memref<1x512xf32, #tpu.memory_space<hbm>> -> memref<512xf32, #tpu.memory_space<hbm>>
    %dma_wait3A_769 = tpu.memref_slice %arg6[%dma_wait3A_764, %mul3A_2] : memref<6x16384xf32, #tpu.memory_space<hbm>> -> memref<1x512xf32, #tpu.memory_space<hbm>>
    %dma_wait3A_770 = tpu.memref_squeeze %dma_wait3A_769 : memref<1x512xf32, #tpu.memory_space<hbm>> -> memref<512xf32, #tpu.memory_space<hbm>>
    %dma_wait3A_771 = arith.constant 2048 : i32
    %dma_wait3A_772 = tpu.memref_slice %arg17[%dma_wait3A_771] : memref<3072xf32, #tpu.memory_space<vmem>> -> memref<512xf32, #tpu.memory_space<vmem>>
    tpu.wait_dma2 semaphore(%arg21 : memref<!tpu.dma_semaphore, #tpu.memory_space<semaphore_mem>>) src(%dma_wait3A_772 : memref<512xf32, #tpu.memory_space<vmem>>) dst(%dma_wait3A_770 : memref<512xf32, #tpu.memory_space<hbm>>)
    %dma_wait3A_773 = arith.constant 4 : i32
    %dma_wait3A_774 = arith.constant 2048 : i32
    %dma_wait3A_775 = tpu.memref_slice %arg18[%dma_wait3A_774] : memref<3072xf32, #tpu.memory_space<vmem>> -> memref<512xf32, #tpu.memory_space<vmem>>
    %dma_wait3A_776 = tpu.memref_slice %arg7[%dma_wait3A_773, %mul3A_2] : memref<6x16384xf32, #tpu.memory_space<hbm>> -> memref<1x512xf32, #tpu.memory_space<hbm>>
    %dma_wait3A_777 = tpu.memref_squeeze %dma_wait3A_776 : memref<1x512xf32, #tpu.memory_space<hbm>> -> memref<512xf32, #tpu.memory_space<hbm>>
    %dma_wait3A_778 = tpu.memref_slice %arg7[%dma_wait3A_773, %mul3A_2] : memref<6x16384xf32, #tpu.memory_space<hbm>> -> memref<1x512xf32, #tpu.memory_space<hbm>>
    %dma_wait3A_779 = tpu.memref_squeeze %dma_wait3A_778 : memref<1x512xf32, #tpu.memory_space<hbm>> -> memref<512xf32, #tpu.memory_space<hbm>>
    %dma_wait3A_780 = arith.constant 2048 : i32
    %dma_wait3A_781 = tpu.memref_slice %arg18[%dma_wait3A_780] : memref<3072xf32, #tpu.memory_space<vmem>> -> memref<512xf32, #tpu.memory_space<vmem>>
    tpu.wait_dma2 semaphore(%arg22 : memref<!tpu.dma_semaphore, #tpu.memory_space<semaphore_mem>>) src(%dma_wait3A_781 : memref<512xf32, #tpu.memory_space<vmem>>) dst(%dma_wait3A_779 : memref<512xf32, #tpu.memory_space<hbm>>)
    %dma_wait3A_782 = arith.constant 5 : i32
    %dma_wait3A_783 = arith.constant 2560 : i32
    %dma_wait3A_784 = tpu.memref_slice %arg15[%dma_wait3A_783] : memref<3072xf32, #tpu.memory_space<vmem>> -> memref<512xf32, #tpu.memory_space<vmem>>
    %dma_wait3A_785 = tpu.memref_slice %arg4[%dma_wait3A_782, %mul3A_2] : memref<6x16384xf32, #tpu.memory_space<hbm>> -> memref<1x512xf32, #tpu.memory_space<hbm>>
    %dma_wait3A_786 = tpu.memref_squeeze %dma_wait3A_785 : memref<1x512xf32, #tpu.memory_space<hbm>> -> memref<512xf32, #tpu.memory_space<hbm>>
    %dma_wait3A_787 = tpu.memref_slice %arg4[%dma_wait3A_782, %mul3A_2] : memref<6x16384xf32, #tpu.memory_space<hbm>> -> memref<1x512xf32, #tpu.memory_space<hbm>>
    %dma_wait3A_788 = tpu.memref_squeeze %dma_wait3A_787 : memref<1x512xf32, #tpu.memory_space<hbm>> -> memref<512xf32, #tpu.memory_space<hbm>>
    %dma_wait3A_789 = arith.constant 2560 : i32
    %dma_wait3A_790 = tpu.memref_slice %arg15[%dma_wait3A_789] : memref<3072xf32, #tpu.memory_space<vmem>> -> memref<512xf32, #tpu.memory_space<vmem>>
    tpu.wait_dma2 semaphore(%arg20 : memref<!tpu.dma_semaphore, #tpu.memory_space<semaphore_mem>>) src(%dma_wait3A_790 : memref<512xf32, #tpu.memory_space<vmem>>) dst(%dma_wait3A_788 : memref<512xf32, #tpu.memory_space<hbm>>)
    %dma_wait3A_791 = arith.constant 5 : i32
    %dma_wait3A_792 = arith.constant 2560 : i32
    %dma_wait3A_793 = tpu.memref_slice %arg17[%dma_wait3A_792] : memref<3072xf32, #tpu.memory_space<vmem>> -> memref<512xf32, #tpu.memory_space<vmem>>
    %dma_wait3A_794 = tpu.memref_slice %arg6[%dma_wait3A_791, %mul3A_2] : memref<6x16384xf32, #tpu.memory_space<hbm>> -> memref<1x512xf32, #tpu.memory_space<hbm>>
    %dma_wait3A_795 = tpu.memref_squeeze %dma_wait3A_794 : memref<1x512xf32, #tpu.memory_space<hbm>> -> memref<512xf32, #tpu.memory_space<hbm>>
    %dma_wait3A_796 = tpu.memref_slice %arg6[%dma_wait3A_791, %mul3A_2] : memref<6x16384xf32, #tpu.memory_space<hbm>> -> memref<1x512xf32, #tpu.memory_space<hbm>>
    %dma_wait3A_797 = tpu.memref_squeeze %dma_wait3A_796 : memref<1x512xf32, #tpu.memory_space<hbm>> -> memref<512xf32, #tpu.memory_space<hbm>>
    %dma_wait3A_798 = arith.constant 2560 : i32
    %dma_wait3A_799 = tpu.memref_slice %arg17[%dma_wait3A_798] : memref<3072xf32, #tpu.memory_space<vmem>> -> memref<512xf32, #tpu.memory_space<vmem>>
    tpu.wait_dma2 semaphore(%arg21 : memref<!tpu.dma_semaphore, #tpu.memory_space<semaphore_mem>>) src(%dma_wait3A_799 : memref<512xf32, #tpu.memory_space<vmem>>) dst(%dma_wait3A_797 : memref<512xf32, #tpu.memory_space<hbm>>)
    %dma_wait3A_800 = arith.constant 5 : i32
    %dma_wait3A_801 = arith.constant 2560 : i32
    %dma_wait3A_802 = tpu.memref_slice %arg18[%dma_wait3A_801] : memref<3072xf32, #tpu.memory_space<vmem>> -> memref<512xf32, #tpu.memory_space<vmem>>
    %dma_wait3A_803 = tpu.memref_slice %arg7[%dma_wait3A_800, %mul3A_2] : memref<6x16384xf32, #tpu.memory_space<hbm>> -> memref<1x512xf32, #tpu.memory_space<hbm>>
    %dma_wait3A_804 = tpu.memref_squeeze %dma_wait3A_803 : memref<1x512xf32, #tpu.memory_space<hbm>> -> memref<512xf32, #tpu.memory_space<hbm>>
    %dma_wait3A_805 = tpu.memref_slice %arg7[%dma_wait3A_800, %mul3A_2] : memref<6x16384xf32, #tpu.memory_space<hbm>> -> memref<1x512xf32, #tpu.memory_space<hbm>>
    %dma_wait3A_806 = tpu.memref_squeeze %dma_wait3A_805 : memref<1x512xf32, #tpu.memory_space<hbm>> -> memref<512xf32, #tpu.memory_space<hbm>>
    %dma_wait3A_807 = arith.constant 2560 : i32
    %dma_wait3A_808 = tpu.memref_slice %arg18[%dma_wait3A_807] : memref<3072xf32, #tpu.memory_space<vmem>> -> memref<512xf32, #tpu.memory_space<vmem>>
    tpu.wait_dma2 semaphore(%arg22 : memref<!tpu.dma_semaphore, #tpu.memory_space<semaphore_mem>>) src(%dma_wait3A_808 : memref<512xf32, #tpu.memory_space<vmem>>) dst(%dma_wait3A_806 : memref<512xf32, #tpu.memory_space<hbm>>)
    return
  }
}

module attributes {stable_mosaic.version = 14 : i64} {
  func.func @_tc_body(%arg0: memref<6x6xf32, #tpu.memory_space<vmem>>, %arg1: memref<16384xi32, #tpu.memory_space<vmem>>, %arg2: memref<1x1xf32, #tpu.memory_space<vmem>>, %arg3: memref<1x1xf32, #tpu.memory_space<vmem>>, %arg4: memref<6x1xf32, #tpu.memory_space<vmem>>) attributes {dimension_semantics = [], scalar_prefetch = 0 : i64, scratch_operands = 0 : i64, tpu.core_type = #tpu.core_type<tc>} {
    %get3A = arith.constant 0 : index
    %get3A_0 = arith.constant 0 : index
    %get3A_1 = vector.load %arg0[%get3A, %get3A_0] : memref<6x6xf32, #tpu.memory_space<vmem>>, vector<6x6xf32>
    %get3A_2 = arith.constant 0 : index
    %get3A_3 = vector.load %arg1[%get3A_2] : memref<16384xi32, #tpu.memory_space<vmem>>, vector<16384xi32>
    %reduce_max3A = arith.constant dense<0xFF800000> : vector<6xf32>
    %reduce_max3A_4 = vector.multi_reduction <maximumf>, %get3A_1, %reduce_max3A [1] : vector<6x6xf32> to vector<6xf32>
    %broadcast_in_dim3A = vector.shape_cast %reduce_max3A_4 : vector<6xf32> to vector<6x1xf32>
    %sub3A = vector.broadcast %broadcast_in_dim3A : vector<6x1xf32> to vector<6x6xf32>
    %sub3A_5 = arith.subf %get3A_1, %sub3A : vector<6x6xf32>
    %exp3A = math.exp %sub3A_5 : vector<6x6xf32>
    %reduce_sum3A = arith.constant dense<0.000000e+00> : vector<6xf32>
    %reduce_sum3A_6 = vector.multi_reduction <add>, %exp3A, %reduce_sum3A [1] : vector<6x6xf32> to vector<6xf32>
    %broadcast_in_dim3A_7 = vector.shape_cast %reduce_sum3A_6 : vector<6xf32> to vector<6x1xf32>
    %div3A = vector.broadcast %broadcast_in_dim3A_7 : vector<6x1xf32> to vector<6x6xf32>
    %div3A_8 = arith.divf %exp3A, %div3A : vector<6x6xf32>
    %iota3A = tpu.iota {dimensions = array<i32: 1>} : vector<6x6xi32>
    %broadcast_in_dim3A_9 = arith.constant 0.000000e+00 : f32
    %broadcast_in_dim3A_10 = vector.broadcast %broadcast_in_dim3A_9 : f32 to vector<6x6xf32>
    %eq3A = arith.constant 0 : i32
    %eq3A_11 = vector.broadcast %eq3A : i32 to vector<6x6xi32>
    %eq3A_12 = arith.cmpi eq, %iota3A, %eq3A_11 : vector<6x6xi32>
    %jit3A = arith.constant 6.400000e+01 : f32
    %broadcast_in_dim3A_13 = vector.broadcast %jit3A : f32 to vector<6x6xf32>
    %select_n3A = arith.select %eq3A_12, %broadcast_in_dim3A_13, %broadcast_in_dim3A_10 : vector<6x6xi1>, vector<6x6xf32>
    %eq3A_14 = arith.constant 1 : i32
    %eq3A_15 = vector.broadcast %eq3A_14 : i32 to vector<6x6xi32>
    %eq3A_16 = arith.cmpi eq, %iota3A, %eq3A_15 : vector<6x6xi32>
    %jit3A_17 = arith.constant 1.280000e+02 : f32
    %broadcast_in_dim3A_18 = vector.broadcast %jit3A_17 : f32 to vector<6x6xf32>
    %select_n3A_19 = arith.select %eq3A_16, %broadcast_in_dim3A_18, %select_n3A : vector<6x6xi1>, vector<6x6xf32>
    %eq3A_20 = arith.constant 2 : i32
    %eq3A_21 = vector.broadcast %eq3A_20 : i32 to vector<6x6xi32>
    %eq3A_22 = arith.cmpi eq, %iota3A, %eq3A_21 : vector<6x6xi32>
    %jit3A_23 = arith.constant 2.560000e+02 : f32
    %broadcast_in_dim3A_24 = vector.broadcast %jit3A_23 : f32 to vector<6x6xf32>
    %select_n3A_25 = arith.select %eq3A_22, %broadcast_in_dim3A_24, %select_n3A_19 : vector<6x6xi1>, vector<6x6xf32>
    %eq3A_26 = arith.constant 3 : i32
    %eq3A_27 = vector.broadcast %eq3A_26 : i32 to vector<6x6xi32>
    %eq3A_28 = arith.cmpi eq, %iota3A, %eq3A_27 : vector<6x6xi32>
    %jit3A_29 = arith.constant 3.840000e+02 : f32
    %broadcast_in_dim3A_30 = vector.broadcast %jit3A_29 : f32 to vector<6x6xf32>
    %select_n3A_31 = arith.select %eq3A_28, %broadcast_in_dim3A_30, %select_n3A_25 : vector<6x6xi1>, vector<6x6xf32>
    %eq3A_32 = arith.constant 4 : i32
    %eq3A_33 = vector.broadcast %eq3A_32 : i32 to vector<6x6xi32>
    %eq3A_34 = arith.cmpi eq, %iota3A, %eq3A_33 : vector<6x6xi32>
    %jit3A_35 = arith.constant 5.120000e+02 : f32
    %broadcast_in_dim3A_36 = vector.broadcast %jit3A_35 : f32 to vector<6x6xf32>
    %select_n3A_37 = arith.select %eq3A_34, %broadcast_in_dim3A_36, %select_n3A_31 : vector<6x6xi1>, vector<6x6xf32>
    %eq3A_38 = arith.constant 5 : i32
    %eq3A_39 = vector.broadcast %eq3A_38 : i32 to vector<6x6xi32>
    %eq3A_40 = arith.cmpi eq, %iota3A, %eq3A_39 : vector<6x6xi32>
    %jit3A_41 = arith.constant 7.680000e+02 : f32
    %broadcast_in_dim3A_42 = vector.broadcast %jit3A_41 : f32 to vector<6x6xf32>
    %select_n3A_43 = arith.select %eq3A_40, %broadcast_in_dim3A_42, %select_n3A_37 : vector<6x6xi1>, vector<6x6xf32>
    %mul3A = arith.mulf %div3A_8, %select_n3A_43 : vector<6x6xf32>
    %reduce_sum3A_44 = arith.constant dense<0.000000e+00> : vector<6xf32>
    %reduce_sum3A_45 = vector.multi_reduction <add>, %mul3A, %reduce_sum3A_44 [1] : vector<6x6xf32> to vector<6xf32>
    %broadcast_in_dim3A_46 = vector.shape_cast %reduce_sum3A_45 : vector<6xf32> to vector<6x1xf32>
    %swap3A = arith.constant 0 : index
    %swap3A_47 = arith.constant 0 : index
    %swap3A_48 = vector.load %arg4[%swap3A, %swap3A_47] : memref<6x1xf32, #tpu.memory_space<vmem>>, vector<6x1xf32>
    tpu.vector_store %arg4[%swap3A, %swap3A_47], %broadcast_in_dim3A_46 {strides = array<i32>} : memref<6x1xf32, #tpu.memory_space<vmem>>, vector<6x1xf32>,
    %add3A = arith.constant 1.000000e-10 : f32
    %add3A_49 = vector.broadcast %add3A : f32 to vector<6x6xf32>
    %add3A_50 = arith.addf %div3A_8, %add3A_49 : vector<6x6xf32>
    %log3A = math.log %add3A_50 : vector<6x6xf32>
    %mul3A_51 = arith.mulf %div3A_8, %log3A : vector<6x6xf32>
    %reduce_sum3A_52 = arith.constant dense<0.000000e+00> : vector<6xf32>
    %reduce_sum3A_53 = vector.multi_reduction <add>, %mul3A_51, %reduce_sum3A_52 [1] : vector<6x6xf32> to vector<6xf32>
    %broadcast_in_dim3A_54 = vector.shape_cast %reduce_sum3A_53 : vector<6xf32> to vector<6x1xf32>
    %neg3A = arith.constant 0.000000e+00 : f32
    %neg3A_55 = vector.broadcast %neg3A : f32 to vector<6x1xf32>
    %neg3A_56 = arith.subf %neg3A_55, %broadcast_in_dim3A_54 : vector<6x1xf32>
    %reduce_max3A_57 = arith.constant dense<0xFF800000> : vector<6xf32>
    %reduce_max3A_58 = vector.multi_reduction <maximumf>, %div3A_8, %reduce_max3A_57 [1] : vector<6x6xf32> to vector<6xf32>
    %broadcast_in_dim3A_59 = vector.shape_cast %reduce_max3A_58 : vector<6xf32> to vector<6x1xf32>
    %eq3A_60 = vector.broadcast %broadcast_in_dim3A_59 : vector<6x1xf32> to vector<6x6xf32>
    %eq3A_61 = arith.cmpf oeq, %div3A_8, %eq3A_60 : vector<6x6xf32>
    %jit3A_62 = arith.constant 6 : i32
    %broadcast_in_dim3A_63 = vector.broadcast %jit3A_62 : i32 to vector<6x6xi32>
    %select_n3A_64 = arith.select %eq3A_61, %iota3A, %broadcast_in_dim3A_63 : vector<6x6xi1>, vector<6x6xi32>
    %reduce_min3A = arith.constant dense<2147483647> : vector<6xi32>
    %reduce_min3A_65 = vector.multi_reduction <minsi>, %select_n3A_64, %reduce_min3A [1] : vector<6x6xi32> to vector<6xi32>
    %broadcast_in_dim3A_66 = vector.shape_cast %reduce_min3A_65 : vector<6xi32> to vector<6x1xi32>
    %eq3A_67 = vector.broadcast %broadcast_in_dim3A_66 : vector<6x1xi32> to vector<6x6xi32>
    %eq3A_68 = arith.cmpi eq, %iota3A, %eq3A_67 : vector<6x6xi32>
    %convert_element_type3A = arith.extui %eq3A_68 : vector<6x6xi1> to vector<6x6xi32>
    %convert_element_type3A_69 = arith.sitofp %convert_element_type3A : vector<6x6xi32> to vector<6x6xf32>
    %sub3A_70 = arith.subf %convert_element_type3A_69, %div3A_8 : vector<6x6xf32>
    %add3A_71 = arith.addf %sub3A_70, %div3A_8 : vector<6x6xf32>
    %mul3A_72 = arith.mulf %add3A_71, %select_n3A_43 : vector<6x6xf32>
    %reduce_sum3A_73 = arith.constant dense<0.000000e+00> : vector<6xf32>
    %reduce_sum3A_74 = vector.multi_reduction <add>, %mul3A_72, %reduce_sum3A_73 [1] : vector<6x6xf32> to vector<6xf32>
    %broadcast_in_dim3A_75 = vector.shape_cast %reduce_sum3A_74 : vector<6xf32> to vector<6x1xf32>
    %iota3A_76 = tpu.iota {dimensions = array<i32: 1>} : vector<1x6xi32>
    %broadcast_in_dim3A_77 = arith.constant 0.000000e+00 : f32
    %broadcast_in_dim3A_78 = vector.broadcast %broadcast_in_dim3A_77 : f32 to vector<1x6xf32>
    %eq3A_79 = arith.constant 0 : i32
    %eq3A_80 = vector.broadcast %eq3A_79 : i32 to vector<16384xi32>
    %eq3A_81 = arith.cmpi eq, %get3A_3, %eq3A_80 : vector<16384xi32>
    %convert_element_type3A_82 = arith.extui %eq3A_81 : vector<16384xi1> to vector<16384xi32>
    %convert_element_type3A_83 = arith.sitofp %convert_element_type3A_82 : vector<16384xi32> to vector<16384xf32>
    %reduce_sum3A_84 = vector.shape_cast %convert_element_type3A_83 : vector<16384xf32> to vector<1x16384xf32>
    %reduce_sum3A_85 = arith.constant dense<0.000000e+00> : vector<1xf32>
    %reduce_sum3A_86 = vector.multi_reduction <add>, %reduce_sum3A_84, %reduce_sum3A_85 [1] : vector<1x16384xf32> to vector<1xf32>
    %reduce_sum3A_87 = vector.shape_cast %reduce_sum3A_86 : vector<1xf32> to vector<1x1xf32>
    %reduce_sum3A_88 = vector.extract %reduce_sum3A_87[0, 0] : f32 from vector<1x1xf32>
    %eq3A_89 = arith.constant 0 : i32
    %eq3A_90 = vector.broadcast %eq3A_89 : i32 to vector<1x6xi32>
    %eq3A_91 = arith.cmpi eq, %iota3A_76, %eq3A_90 : vector<1x6xi32>
    %broadcast_in_dim3A_92 = vector.broadcast %reduce_sum3A_88 : f32 to vector<1x6xf32>
    %select_n3A_93 = arith.select %eq3A_91, %broadcast_in_dim3A_92, %broadcast_in_dim3A_78 : vector<1x6xi1>, vector<1x6xf32>
    %eq3A_94 = arith.constant 1 : i32
    %eq3A_95 = vector.broadcast %eq3A_94 : i32 to vector<16384xi32>
    %eq3A_96 = arith.cmpi eq, %get3A_3, %eq3A_95 : vector<16384xi32>
    %convert_element_type3A_97 = arith.extui %eq3A_96 : vector<16384xi1> to vector<16384xi32>
    %convert_element_type3A_98 = arith.sitofp %convert_element_type3A_97 : vector<16384xi32> to vector<16384xf32>
    %reduce_sum3A_99 = vector.shape_cast %convert_element_type3A_98 : vector<16384xf32> to vector<1x16384xf32>
    %reduce_sum3A_100 = arith.constant dense<0.000000e+00> : vector<1xf32>
    %reduce_sum3A_101 = vector.multi_reduction <add>, %reduce_sum3A_99, %reduce_sum3A_100 [1] : vector<1x16384xf32> to vector<1xf32>
    %reduce_sum3A_102 = vector.shape_cast %reduce_sum3A_101 : vector<1xf32> to vector<1x1xf32>
    %reduce_sum3A_103 = vector.extract %reduce_sum3A_102[0, 0] : f32 from vector<1x1xf32>
    %eq3A_104 = arith.constant 1 : i32
    %eq3A_105 = vector.broadcast %eq3A_104 : i32 to vector<1x6xi32>
    %eq3A_106 = arith.cmpi eq, %iota3A_76, %eq3A_105 : vector<1x6xi32>
    %broadcast_in_dim3A_107 = vector.broadcast %reduce_sum3A_103 : f32 to vector<1x6xf32>
    %select_n3A_108 = arith.select %eq3A_106, %broadcast_in_dim3A_107, %select_n3A_93 : vector<1x6xi1>, vector<1x6xf32>
    %eq3A_109 = arith.constant 2 : i32
    %eq3A_110 = vector.broadcast %eq3A_109 : i32 to vector<16384xi32>
    %eq3A_111 = arith.cmpi eq, %get3A_3, %eq3A_110 : vector<16384xi32>
    %convert_element_type3A_112 = arith.extui %eq3A_111 : vector<16384xi1> to vector<16384xi32>
    %convert_element_type3A_113 = arith.sitofp %convert_element_type3A_112 : vector<16384xi32> to vector<16384xf32>
    %reduce_sum3A_114 = vector.shape_cast %convert_element_type3A_113 : vector<16384xf32> to vector<1x16384xf32>
    %reduce_sum3A_115 = arith.constant dense<0.000000e+00> : vector<1xf32>
    %reduce_sum3A_116 = vector.multi_reduction <add>, %reduce_sum3A_114, %reduce_sum3A_115 [1] : vector<1x16384xf32> to vector<1xf32>
    %reduce_sum3A_117 = vector.shape_cast %reduce_sum3A_116 : vector<1xf32> to vector<1x1xf32>
    %reduce_sum3A_118 = vector.extract %reduce_sum3A_117[0, 0] : f32 from vector<1x1xf32>
    %eq3A_119 = arith.constant 2 : i32
    %eq3A_120 = vector.broadcast %eq3A_119 : i32 to vector<1x6xi32>
    %eq3A_121 = arith.cmpi eq, %iota3A_76, %eq3A_120 : vector<1x6xi32>
    %broadcast_in_dim3A_122 = vector.broadcast %reduce_sum3A_118 : f32 to vector<1x6xf32>
    %select_n3A_123 = arith.select %eq3A_121, %broadcast_in_dim3A_122, %select_n3A_108 : vector<1x6xi1>, vector<1x6xf32>
    %eq3A_124 = arith.constant 3 : i32
    %eq3A_125 = vector.broadcast %eq3A_124 : i32 to vector<16384xi32>
    %eq3A_126 = arith.cmpi eq, %get3A_3, %eq3A_125 : vector<16384xi32>
    %convert_element_type3A_127 = arith.extui %eq3A_126 : vector<16384xi1> to vector<16384xi32>
    %convert_element_type3A_128 = arith.sitofp %convert_element_type3A_127 : vector<16384xi32> to vector<16384xf32>
    %reduce_sum3A_129 = vector.shape_cast %convert_element_type3A_128 : vector<16384xf32> to vector<1x16384xf32>
    %reduce_sum3A_130 = arith.constant dense<0.000000e+00> : vector<1xf32>
    %reduce_sum3A_131 = vector.multi_reduction <add>, %reduce_sum3A_129, %reduce_sum3A_130 [1] : vector<1x16384xf32> to vector<1xf32>
    %reduce_sum3A_132 = vector.shape_cast %reduce_sum3A_131 : vector<1xf32> to vector<1x1xf32>
    %reduce_sum3A_133 = vector.extract %reduce_sum3A_132[0, 0] : f32 from vector<1x1xf32>
    %eq3A_134 = arith.constant 3 : i32
    %eq3A_135 = vector.broadcast %eq3A_134 : i32 to vector<1x6xi32>
    %eq3A_136 = arith.cmpi eq, %iota3A_76, %eq3A_135 : vector<1x6xi32>
    %broadcast_in_dim3A_137 = vector.broadcast %reduce_sum3A_133 : f32 to vector<1x6xf32>
    %select_n3A_138 = arith.select %eq3A_136, %broadcast_in_dim3A_137, %select_n3A_123 : vector<1x6xi1>, vector<1x6xf32>
    %eq3A_139 = arith.constant 4 : i32
    %eq3A_140 = vector.broadcast %eq3A_139 : i32 to vector<16384xi32>
    %eq3A_141 = arith.cmpi eq, %get3A_3, %eq3A_140 : vector<16384xi32>
    %convert_element_type3A_142 = arith.extui %eq3A_141 : vector<16384xi1> to vector<16384xi32>
    %convert_element_type3A_143 = arith.sitofp %convert_element_type3A_142 : vector<16384xi32> to vector<16384xf32>
    %reduce_sum3A_144 = vector.shape_cast %convert_element_type3A_143 : vector<16384xf32> to vector<1x16384xf32>
    %reduce_sum3A_145 = arith.constant dense<0.000000e+00> : vector<1xf32>
    %reduce_sum3A_146 = vector.multi_reduction <add>, %reduce_sum3A_144, %reduce_sum3A_145 [1] : vector<1x16384xf32> to vector<1xf32>
    %reduce_sum3A_147 = vector.shape_cast %reduce_sum3A_146 : vector<1xf32> to vector<1x1xf32>
    %reduce_sum3A_148 = vector.extract %reduce_sum3A_147[0, 0] : f32 from vector<1x1xf32>
    %eq3A_149 = arith.constant 4 : i32
    %eq3A_150 = vector.broadcast %eq3A_149 : i32 to vector<1x6xi32>
    %eq3A_151 = arith.cmpi eq, %iota3A_76, %eq3A_150 : vector<1x6xi32>
    %broadcast_in_dim3A_152 = vector.broadcast %reduce_sum3A_148 : f32 to vector<1x6xf32>
    %select_n3A_153 = arith.select %eq3A_151, %broadcast_in_dim3A_152, %select_n3A_138 : vector<1x6xi1>, vector<1x6xf32>
    %eq3A_154 = arith.constant 5 : i32
    %eq3A_155 = vector.broadcast %eq3A_154 : i32 to vector<16384xi32>
    %eq3A_156 = arith.cmpi eq, %get3A_3, %eq3A_155 : vector<16384xi32>
    %convert_element_type3A_157 = arith.extui %eq3A_156 : vector<16384xi1> to vector<16384xi32>
    %convert_element_type3A_158 = arith.sitofp %convert_element_type3A_157 : vector<16384xi32> to vector<16384xf32>
    %reduce_sum3A_159 = vector.shape_cast %convert_element_type3A_158 : vector<16384xf32> to vector<1x16384xf32>
    %reduce_sum3A_160 = arith.constant dense<0.000000e+00> : vector<1xf32>
    %reduce_sum3A_161 = vector.multi_reduction <add>, %reduce_sum3A_159, %reduce_sum3A_160 [1] : vector<1x16384xf32> to vector<1xf32>
    %reduce_sum3A_162 = vector.shape_cast %reduce_sum3A_161 : vector<1xf32> to vector<1x1xf32>
    %reduce_sum3A_163 = vector.extract %reduce_sum3A_162[0, 0] : f32 from vector<1x1xf32>
    %eq3A_164 = arith.constant 5 : i32
    %eq3A_165 = vector.broadcast %eq3A_164 : i32 to vector<1x6xi32>
    %eq3A_166 = arith.cmpi eq, %iota3A_76, %eq3A_165 : vector<1x6xi32>
    %broadcast_in_dim3A_167 = vector.broadcast %reduce_sum3A_163 : f32 to vector<1x6xf32>
    %select_n3A_168 = arith.select %eq3A_166, %broadcast_in_dim3A_167, %select_n3A_153 : vector<1x6xi1>, vector<1x6xf32>
    %dot_general3A = arith.constant dense<0.000000e+00> : vector<1x1xf32>
    %dot_general3A_169 = tpu.matmul %select_n3A_168, %broadcast_in_dim3A_75, %dot_general3A {dimension_numbers = #tpu.dot_dimension_numbers<[1], [0], [0], [1], [0, 0, 1, 1], [], []>, transpose_lhs_hint = false} : vector<1x6xf32>, vector<6x1xf32>, vector<1x1xf32> -> vector<1x1xf32>
    %mul3A_170 = arith.constant 6.10351563E-5 : f32
    %mul3A_171 = vector.broadcast %mul3A_170 : f32 to vector<1x1xf32>
    %mul3A_172 = arith.mulf %dot_general3A_169, %mul3A_171 : vector<1x1xf32>
    %swap3A_173 = arith.constant 0 : index
    %swap3A_174 = arith.constant 0 : index
    %swap3A_175 = vector.load %arg2[%swap3A_173, %swap3A_174] : memref<1x1xf32, #tpu.memory_space<vmem>>, vector<1x1xf32>
    tpu.vector_store %arg2[%swap3A_173, %swap3A_174], %mul3A_172 {strides = array<i32>} : memref<1x1xf32, #tpu.memory_space<vmem>>, vector<1x1xf32>,
    %dot_general3A_176 = arith.constant dense<0.000000e+00> : vector<1x1xf32>
    %dot_general3A_177 = tpu.matmul %select_n3A_168, %neg3A_56, %dot_general3A_176 {dimension_numbers = #tpu.dot_dimension_numbers<[1], [0], [0], [1], [0, 0, 1, 1], [], []>, transpose_lhs_hint = false} : vector<1x6xf32>, vector<6x1xf32>, vector<1x1xf32> -> vector<1x1xf32>
    %mul3A_178 = arith.constant 6.10351563E-5 : f32
    %mul3A_179 = vector.broadcast %mul3A_178 : f32 to vector<1x1xf32>
    %mul3A_180 = arith.mulf %dot_general3A_177, %mul3A_179 : vector<1x1xf32>
    %swap3A_181 = arith.constant 0 : index
    %swap3A_182 = arith.constant 0 : index
    %swap3A_183 = vector.load %arg3[%swap3A_181, %swap3A_182] : memref<1x1xf32, #tpu.memory_space<vmem>>, vector<1x1xf32>
    tpu.vector_store %arg3[%swap3A_181, %swap3A_182], %mul3A_180 {strides = array<i32>} : memref<1x1xf32, #tpu.memory_space<vmem>>, vector<1x1xf32>,
    return
  }
}

</mosaic_0001>

<sc_bundles>
// kernel: kernel.4.cloned.1.call-start
scs
__scs_entry_jumppad:
0x0: {  	(pc) =	sbr.rel $0x88, $3  }
0x1: {  	(tag) =	ssettag $0x0;
	lr =	simm.s32 $0x1  }
0x2: {  	[smem:$0x3F9F] =	sst lr;
	_ =	strace $0xD0000000  }
0x3: {  	_ = 	snop  }
0x4: {  	_ = 	snop  }
0x5: {  	_ = 	snop  }
0x6: {  	_ = 	snop  }
0x7: {  	_ = 	snop  }
__scs_overlays_trampoline_lowered:
0x8: {  	[smem:$0x3FAE] =	sst s0  }
0x9: {  	[smem:$0x3FAF] =	sst s1  }
0xa: {  	[smem:$0x3FB0] =	sst s2  }
0xb: {  	[smem:$0x3FB1] =	sst s3  }
0xc: {  	[smem:$0x3FB2] =	sst s4  }
0xd: {  	[smem:$0x3FB3] =	sst s5  }
0xe: {  	[smem:$0x3FB4] =	sst s6  }
0xf: {  	[smem:$0x3FB5] =	sst s7  }
0x10: {  	[smem:$0x3FB6] =	sst s8  }
0x11: {  	[smem:$0x3FB7] =	sst s9;
	s0 =	simm.s32 @!p0 $0x0  }
0x12: {  	s1 =	sld [smem:$0x3F9D];
	s0 =	simm.s32 @p0 $0x1  }
0x13: {  	[smem:$0x3FB8] =	sst s0;
	s0 =	simm.s32 @!p1 $0x0  }
0x14: {  	s2 =	sld [smem:$0x3F9C];
	s0 =	simm.s32 @p1 $0x1  }
0x15: {  	[smem:$0x3FB9] =	sst s0;
	s0 =	simm.s32 @!p2 $0x0  }
0x16: {  	s3 =	sld [smem:$0x3FDB];
	s0 =	simm.s32 @p2 $0x1  }
0x17: {  	s4 =	simm.s32 $0x1BF5;
	[smem:$0x3FBB] =	sst s0  }
0x18: {  	s0 =	sld [smem:$0x3F9E];
	_ =	swait.ge [sflag:s4], $0x0  }
0x19: {  	s7 =	sld [smem:$0x3F9F]  }
0x1a: {  	s8 =	sadd.s32 $0xFFFFE003, lr  }
0x1b: {  	s9 =	sadd.s32 $0xFFFFFEF7, lr;
	s5 =	simm.s32 $0xFFFFFFFF;
	p2 =	slt.u32 s8, $0xFFFFF086  }
0x1c: {  	p1 =	slt.u32 s9, $0xF7A;
	s5 =	simm.s32 @!p2 $0x0  }
0x1d: {  	s5 =	simm.s32 @p1 $0x1;
	p0 =	seq.s32 s7, s2  }
0x1e: {  	s7 =	smul.u32 @!p0 $0xF7A, s2;
	p2 =	seq.s32 @!p0 s5, $0x0  }
0x1f: {  	s9 =	smul.u32 $0xF7A, s1;
	s8 =	simm.s32 @!p0 $0x1BF5;
	p2 =	por !p2, p0  }
0x20: {  	[sflag:s8] =	ssyncset.s32 @!p0 $0xFFFFF086;
	s6 =	sadd.s32 @!p0 s3, s7;
	s7 =	simm.s32 @!p0 $0x108  }
0x21: {  	s3 =	sadd.s32 s3, s9;
	s6 =	sadd.s32 @!p0 $0x88, s6;
	s7 =	simm.s32 @p2 $0x1082  }
0x22: {  	[simem:s7], [sflag:s8] =	dma.local @!p0 [hbm:s6], $0xF7A  }
0x23: {  	s9 =	sor.u32 $0xD0000000, s2;
	s6 =	simm.s32 $0x108;
	_ =	swait.ge @!p0 [sflag:s8], $0x0  }
0x24: {  	s3 =	sadd.s32 $0x88, s3;
	s6 =	simm.s32 @!p1 $0x1082;
	[sflag:s4] =	ssyncset.s32 $0xFFFFF086  }
0x25: {  	[simem:s6], [sflag:s4] =	dma.local [hbm:s3], $0xF7A  }
0x26: {  	[smem:$0x3F9F] =	sst s1;
	(tag) =	ssettag s2;
	_ =	strace s9  }
0x27: {  	s1 =	sld [smem:$0x3FAF]  }
0x28: {  	s2 =	sld [smem:$0x3FB0]  }
0x29: {  	s4 =	sld [smem:$0x3FB2]  }
0x2a: {  	p0 =	seq.s32 s5, $0x0;
	s5 =	sld [smem:$0x3FB3]  }
0x2b: {  	s6 =	sld [smem:$0x3FB4]  }
0x2c: {  	s7 =	sld [smem:$0x3FB5]  }
0x2d: {  	s3 =	simm.s32 $0x108;
	s8 =	sld [smem:$0x3FB6]  }
0x2e: {  	s3 =	simm.s32 @!p0 $0x1082;
	s9 =	sld [smem:$0x3FB7]  }
0x2f: {  	lr =	sadd.s32 s0, s3;
	s0 =	sld [smem:$0x3FAE]  }
0x30: {  	s3 =	sld [smem:$0x3FB1]  }
0x31: {  	[smem:$0x3FBA] =	sst s10  }
0x32: {  	s10 =	sld [smem:$0x3FB8];
	_ =	sdelay $0x3  }
0x33: {  	p0 =	seq.s32 s10, $0x1;
	s10 =	sld [smem:$0x3FBA];
	_ =	sdelay $0x3  }
0x34: {  	[smem:$0x3FBA] =	sst s10  }
0x35: {  	s10 =	sld [smem:$0x3FB9];
	_ =	sdelay $0x3  }
0x36: {  	p1 =	seq.s32 s10, $0x1;
	s10 =	sld [smem:$0x3FBA];
	_ =	sdelay $0x3  }
0x37: {  	[smem:$0x3FBA] =	sst s10  }
0x38: {  	s10 =	sld [smem:$0x3FBB]  }
0x39: {  	_ = 	snop;
	(pc) =	sbr.ind lr, $3  }
0x3a: {  	_ = 	snop  }
0x3b: {  	_ = 	snop  }
0x3c: {  	p2 =	seq.s32 s10, $0x1;
	s10 =	sld [smem:$0x3FBA]  }
0x3d: {  	_ =	shalt  }
0x3e: {  	_ =	shalt  }
0x3f: {  	_ =	shalt  }
0x40: {  	_ =	shalt  }
0x41: {  	_ =	shalt  }
0x42: {  	_ =	shalt  }
0x43: {  	_ =	shalt  }
0x44: {  	_ =	shalt  }
0x45: {  	_ =	shalt  }
0x46: {  	_ =	shalt  }
0x47: {  	_ =	shalt  }
0x48: {  	_ =	shalt  }
0x49: {  	_ =	shalt  }
0x4a: {  	_ =	shalt  }
0x4b: {  	_ =	shalt  }
0x4c: {  	_ =	shalt  }
0x4d: {  	_ =	shalt  }
0x4e: {  	_ =	shalt  }
0x4f: {  	_ =	shalt  }
0x50: {  	_ =	shalt  }
0x51: {  	_ =	shalt  }
0x52: {  	_ =	shalt  }
0x53: {  	_ =	shalt  }
0x54: {  	_ =	shalt  }
0x55: {  	_ =	shalt  }
0x56: {  	_ =	shalt  }
0x57: {  	_ =	shalt  }
0x58: {  	_ =	shalt  }
0x59: {  	_ =	shalt  }
0x5a: {  	_ =	shalt  }
0x5b: {  	_ =	shalt  }
0x5c: {  	_ =	shalt  }
0x5d: {  	_ =	shalt  }
0x5e: {  	_ =	shalt  }
0x5f: {  	_ =	shalt  }
0x60: {  	_ =	shalt  }
0x61: {  	_ =	shalt  }
0x62: {  	_ =	shalt  }
0x63: {  	_ =	shalt  }
0x64: {  	_ =	shalt  }
0x65: {  	_ =	shalt  }
0x66: {  	_ =	shalt  }
0x67: {  	_ =	shalt  }
0x68: {  	_ =	shalt  }
0x69: {  	_ =	shalt  }
0x6a: {  	_ =	shalt  }
0x6b: {  	_ =	shalt  }
0x6c: {  	_ =	shalt  }
0x6d: {  	_ =	shalt  }
0x6e: {  	_ =	shalt  }
0x6f: {  	_ =	shalt  }
0x70: {  	_ =	shalt  }
0x71: {  	_ =	shalt  }
0x72: {  	_ =	shalt  }
0x73: {  	_ =	shalt  }
0x74: {  	_ =	shalt  }
0x75: {  	_ =	shalt  }
0x76: {  	_ =	shalt  }
0x77: {  	_ =	shalt  }
0x78: {  	_ =	shalt  }
0x79: {  	_ =	shalt  }
0x7a: {  	_ =	shalt  }
0x7b: {  	_ =	shalt  }
0x7c: {  	_ =	shalt  }
0x7d: {  	_ =	shalt  }
0x7e: {  	_ =	shalt  }
0x7f: {  	_ =	shalt  }
0x80: {  	_ =	shalt  }
0x81: {  	_ =	shalt  }
0x82: {  	_ =	shalt  }
0x83: {  	_ =	shalt  }
0x84: {  	_ =	shalt  }
0x85: {  	_ =	shalt  }
0x86: {  	_ =	shalt  }
0x87: {  	_ =	shalt  }
.Lfunc_end0:
.L_simem_size_0:
called_computation_lowered:
.L_overlay_start_0:
0x88: {  	s2 =	sld [smem:$0x3FD9]  }
0x89: {  	s3 =	sld [smem:$0x3FFE];
	_ =	sdelay $0x1  }
0x8a: {  	s1 =	srdreg.scid  }
0x8b: {  	s0 =	sand.u32 $0x1, s1  }
0x8c: {  	s14 =	sshll.u32 s0, $0xA;
	s2 =	sadd.s32 s3, s2  }
0x8d: {  	s2 =	sadd.s32 s2, s14  }
0x8e: {  	[smem:$0x3FC6] =	sst s2  }
0x8f: {  	_ = 	snop  }
0x90: {  	s2 =	sld [smem:$0x3FD0];
	_ =	sdelay $0x2  }
0x91: {  	s4 =	simm.s32 $0xA;
	s5 =	simm.s32 $0x10;
	s15 =	sld [smem:$0x3FC9]  }
0x92: {  	[smem:s5], [sflag:s4] =	dma.local [hbm:s2], $0x1  }
0x93: {  	_ =	swait.eq [sflag:s4], $0x1  }
0x94: {  	s16 =	sld [smem:$0x10]  }
0x95: {  	s17 =	sld [smem:$0x11]  }
0x96: {  	s6 =	sld [smem:$0x15];
	[sflag:s4] =	ssyncset.done $0x0  }
0x97: {  	s7 =	sld [smem:$0x16];
	[sflag:s4] =	ssyncadd.s32 $0xFFFFFFFF  }
0x98: {  	s18 =	sld [smem:$0x17];
	(tm) =	ssettm $0x1  }
0x99: {  	s8 =	sld [smem:$0x3FFB];
	_ =	sdelay $0x3  }
0x9a: {  	_ =	strace s8  }
0x9b: {  	s8 =	sld [smem:$0x3FFC];
	_ =	sdelay $0x3  }
0x9c: {  	_ =	strace s8  }
0x9d: {  	s8 =	sld [smem:$0x3FFD];
	_ =	sdelay $0x3  }
0x9e: {  	_ =	strace s8  }
0x9f: {  	_ =	strace $0x8FFFFFFF  }
0xa0: {  	s19 =	sld [smem:$0x3FDB];
	_ =	sdelay $0x1  }
0xa1: {  	s9 =	simm.s32 $_scs_section_size  }
0xa2: {  	s10 =	simm.s32 $_size__tile_overlayer_lowered;
	s11 =	simm.s32 $_tile_overlayer_lowered  }
0xa3: {  	s22 =	simm.s32 $0x1BFF;
	s21 =	sshll.u32 s11, $0x1;
	s8 =	sadd.s32 s9, s19  }
0xa4: {  	s12 =	simm.s32 $0x0;
	s20 =	sshll.u32 s10, $0x1;
	s10 =	sadd.s32 s21, s8  }
0xa5: {  	[timem:s12], [sflag:s22] =	dma.local [hbm:s10], s20  }
0xa6: {  	_ =	swait.ge [sflag:s22], s20  }
0xa7: {  	s9 =	ssub.s32 $0x0, s20;
	[sflag:s22] =	ssyncset.done $0x0  }
0xa8: {  	[sflag:s22] =	ssyncadd.s32 s9;
	_ =	sdelay $0x1  }
0xa9: {  	s23 =	simm.s32 $0x1B8B  }
0xaa: {  	_ =	swait.ge [sflag:s23], $0x1  }
0xab: {  	[sflag:s23] =	ssyncset.done $0x0  }
0xac: {  	s25 =	simm.s32 $0x1B8E;
	s24 =	sld [smem:$0x3FFE];
	[sflag:s23] =	ssyncadd.s32 $0xFFFFFFFF  }
0xad: {  	s26 =	simm.s32 $execute0_lowered;
	[smem:$0x3FD2] =	sst s25  }
0xae: {  	s10 =	sshll.u32 s26, $0x1;
	_ =	strace $0x80000046;
	[dreg:$0x1] =	wrdreg $0xFFFFFFFF  }
0xaf: {  	s28 =	simm.s32 $_size_execute0_lowered;
	s8 =	sadd.s32 s8, s10;
	[dreg:$0x0] =	wrdreg $0x0  }
0xb0: {  	s10 =	sshll.u32 s28, $0x1;
	[dreg:$0x2] =	wrdreg s8  }
0xb1: {  	[dreg:$0x3] =	wrdreg s10  }
0xb2: {  	[dreg:$0x4] =	wrdreg $0xC0  }
0xb3: {  	_ =	task [dreg:s12], $0x5FFFF  }
0xb4: {  	[dreg:$0x1] =	wrdreg $0xFFFFFFFF  }
0xb5: {  	[dreg:$0x0] =	wrdreg $0x60  }
0xb6: {  	[dreg:$0x2] =	wrdreg s15  }
0xb7: {  	[dreg:$0x3] =	wrdreg s24  }
0xb8: {  	[dreg:$0x4] =	wrdreg s16  }
0xb9: {  	[dreg:$0x5] =	wrdreg s17  }
0xba: {  	[dreg:$0x6] =	wrdreg s6  }
0xbb: {  	[dreg:$0x7] =	wrdreg s7  }
0xbc: {  	[dreg:$0x8] =	wrdreg s18  }
0xbd: {  	[dreg:$0x9] =	wrdreg $0x9  }
0xbe: {  	_ =	task.clear_ibuf [dreg:s12], $0xAFFFF;
	_ =	strace $0x90000046  }
0xbf: {  	s29 =	simm.s32 $0x9;
	_ =	strace $0x80000048  }
0xc0: {  	_ =	swait.ge [sflag:s29], $0x1  }
0xc1: {  	[sflag:s29] =	ssyncadd.s32 $0xFFFFFFFF  }
0xc2: {  	_ =	strace $0x90000048  }
0xc3: {  	_ =	sfence  }
0xc4: {  	s30 =	sld [smem:$0x0];
	_ =	sdelay $0x2  }
0xc5: {  	s31 =	sshll.u32 s1, $0xD;
	s1 =	sshrl.u32 s1, $0x2  }
0xc6: {  	s3 =	sand.u32 $0x4000, s31;
	s1 =	sadd.s32 s1, s30  }
0xc7: {  	s0 =	sor.u32 s3, s0;
	s1 =	sshll.u32 s1, $0x11  }
0xc8: {  	s0 =	sor.u32 s1, s0  }
0xc9: {  	s0 =	sadd.s32 $0x8F2B, s0  }
0xca: {  	[sflag:s0] =	ssyncadd.remote.s32 $0x1  }
0xcb: {  	_ =	sfence.sel $0xFFFF  }
0xcc: {  	[dreg:$0x0] =	wrdreg $0xFFFFFFFF;
	(pc) =	sbr.abs _section_cstart, $3  }
0xcd: {  	[dreg:$0x1] =	wrdreg $0xFFFFFFFF  }
0xce: {  	_ =	task.clear_ibuf [dreg:s12], $0x2FFFF;
	_ =	strace $0x9FFFFFFF  }
0xcf: {  	(tm) =	ssettm $0x7FFFFFFF  }
tec
execute0_lowered:
.L_overlay_start_1:
0x0: {  	(tag) =	ssettag $0x1  }
0x1: {  	s1 =	rddreg [dreg:$0x0]  }
0x2: {  	s0 =	rddreg [dreg:$0x1]  }
0x3: {  	s2 =	rddreg [dreg:$0x2]  }
0x4: {  	s3 =	rddreg [dreg:$0x3]  }
0x5: {  	s4 =	srdreg.scid;
	s5 =	rddreg [dreg:$0x4]  }
0x6: {  	s7 =	stileid.u32;
	s6 =	rddreg [dreg:$0x5]  }
0x7: {  	s9 =	rddreg [dreg:$0x6];
	s11 =	simm.s32 $0x0;
	s28 =	simm.s32 $0x1  }
0x8: {  	v0 =	vimm.s32 $0x55543210;
	vm2 =	vcmask $0x1F00;
	s29 =	simm.s32 $0x2;
	s30 =	simm.s32 $0x280;
	s4 =	sand.u32 $0x1, s4  }
0x9: {  	vm0 =	vmmov $0x3f;
	v1 =	vimm.f32 $0.0e+00;
	vm1 =	vcmask $0x300;
	s7 =	sshll.u32 s7, $0xA;
	s8 =	sshll.u32 s4, $0x9;
	s4 =	ssub.s32 $0x2, s4  }
0xa: {  	v3 =	vimm.s32 $0xBBBA9876;
	vm6 =	vcmask $0x1310;
	vm7 =	vcmask $0xF00;
	s31 =	simm.s32 $0x300;
	s7 =	sor.u32 s8, s7;
	s16 =	sshrl.u32 s4, $0x1  }
0xb: {  	v7 =	vimm.s32 $0x1B1A1918;
	vm3 =	vcmask $0x718;
	v10 =	vimm.s32 $0x21201F1E;
	[smem:$0x7FF] =	sst s11;
	s10 =	sshrl.u32 s7, $0x3;
	s4 =	ssub.s32 s4, s16  }
0xc: {  	vm4 =	vcmask $0xB18;
	vm5 =	vcmask $0xF18;
	v0 =	vunpack.c.l.s4.s8 v0;
	s19 =	sadd.s32 s2, s7;
	s20 =	sadd.s32 s5, s7;
	s21 =	sadd.s32 s6, s7  }
0xd: {  	v2 =	vsel vm1, $0x42800000, v1;
	vm1 =	vcmask $0x704;
	v3 =	vunpack.c.l.s4.s8 v3;
	s22 =	sor.u32 $0x10, s7;
	s23 =	sor.u32 $0x20, s7;
	s24 =	sor.u32 $0x30, s7  }
0xe: {  	v9 =	vunpack.c.0.s8.s32 v7;
	v12 =	vunpack.c.0.s8.s32 v10;
	v4 =	vsel vm1, $0x43000000, v2;
	s25 =	sor.u32 $0x40, s7;
	s26 =	sor.u32 $0x50, s7;
	[dreg:$0xb] =	wrdreg s19  }
0xf: {  	vm1 =	vcmask $0xB08;
	v2 =	vlaneseq.u32;
	v0 =	vunpack.c.0.s8.s32 v0;
	s1 =	sadd.s32 s1, s10;
	s17 =	sadd.s32 s3, s10;
	[dreg:$0xc] =	wrdreg s20  }
0x10: {  	v4 =	vsel vm1, $0x43800000, v4;
	vm1 =	vcmask $0xF0C;
	v5 =	vunpack.c.0.s8.s32 v3;
	s18 =	sadd.s32 s9, s10;
	[dreg:$0xd] =	wrdreg s21;
	s8 =	sadd.s32 s2, s22  }
0x11: {  	v7 =	vadd.s32 $0x6, v2;
	v11 =	vnsel vm7, $0x1D, v9;
	v4 =	vsel vm1, $0x43C00000, v4;
	s9 =	sadd.s32 s5, s22;
	s10 =	sadd.s32 s6, s22;
	s11 =	sadd.s32 s2, s23  }
0x12: {  	v9 =	vadd.s32 $0x12, v2;
	s12 =	sadd.s32 s5, s23;
	s13 =	sadd.s32 s6, s23;
	s14 =	sadd.s32 s2, s24;
	v3 =	vsel vm6, $0x44000000, v4;
	v4 =	vimm.s32 $0xF0E0D0C  }
0x13: {  	v12 =	vnsel vm7, $0x23, v12;
	v13 =	vadd.s32 $0x1E, v2;
	s15 =	sadd.s32 s5, s24;
	s16 =	sadd.s32 s6, s24;
	s20 =	sadd.s32 s6, s25;
	v6 =	vunpack.c.0.s8.s32 v4  }
0x14: {  	vm1 =	vcmask $0x1714;
	v10 =	vsel vm6, $0x1C, v11;
	s21 =	sadd.s32 s2, s26;
	s22 =	sadd.s32 s5, s26;
	s23 =	sadd.s32 s6, s26;
	v5 =	vand.u32 $0xF, v5  }
0x15: {  	s24 =	sadd.s32 $0xA00, s0;
	s26 =	simm.s32 $0x200;
	[dreg:$0x8] =	wrdreg s1;
	v4 =	vnsel vm2, $0xB, v5;
	v5 =	vnsel vm7, $0x11, v6;
	v6 =	vimm.s32 $0x15141312  }
0x16: {  	v11 =	vadd.s32 $0x18, v2;
	v12 =	vsel vm6, $0x22, v12;
	s19 =	simm.s32 $0x380;
	s0 =	simm.s32 $0x400;
	[dreg:$0x9] =	wrdreg s17;
	v8 =	vunpack.c.0.s8.s32 v6  }
0x17: {  	v0 =	vnsel vm2, $0x5, v0;
	s3 =	simm.s32 $0x3;
	[dreg:$0xa] =	wrdreg s18;
	s17 =	sadd.s32 s2, s25;
	v3 =	vsel vm1, $0x44400000, v3;
	vm1 =	vmmov $0x1  }
0x18: {  	s18 =	sadd.s32 s5, s25;
	s25 =	smax.u32 s4, $0x1;
	vm2 =	vcmask $0x318;
	s1 =	simm.s32 $0x80;
	v5 =	vsel vm6, $0x10, v5;
	v8 =	vnsel vm7, $0x17, v8  }
0x19: {  	s2 =	simm.s32 $0x4;
	s4 =	simm.s32 $0x0;
	_ =	strace $0x80000047;
	v6 =	vadd.s32 $0xC, v2;
	v8 =	vsel vm6, $0x16, v8;
	vm6 =	vcmask $0x1318  }
.LBB2_1:
0x1a: {  	s5 =	simm.s32 $0x0;
	s6 =	rddreg [dreg:$0x8]  }
0x1b: {  	[tilespmem:s5], [sflag:$0x1] =	stream.linear.gather [hbm4b:s6+s5], $0x200, $0x38;
	[tilespmem:$0x2C80] =	vst v63  }
0x1c: {  	_ = 	snop  }
0x1d: {  	[tilespmem:s26], [sflag:$0x2] =	stream.linear.gather [hbm4b:s24+s5], $0x24, $0x38;
	[tilespmem:$0x2C80] =	vst v63  }
0x1e: {  	_ =	swait.ge [sflag:s28], $0x200  }
0x1f: {  	[sflag:s28] =	ssyncset.done $0x0  }
0x20: {  	[sflag:s28] =	ssyncadd.s32 $0xFFFFFE00  }
0x21: {  	_ =	swait.ge [sflag:s29], $0x24  }
0x22: {  	[sflag:s29] =	ssyncset.done $0x0  }
0x23: {  	[sflag:s29] =	ssyncadd.s32 $0xFFFFFFDC  }
0x24: {  	v14 =	vld.idx.msk [tilespmem:v0+s26+$0x0], $0xffff;
	_ =	sdelay $0x4  }
0x25: {  	v15 =	vnsel vm0, $0xFF61B1E6, v14  }
0x26: {  	(xrf0) =	vmax.scan.msk.f32 $0xffff, v15;
	_ =	sdelay $0x5  }
0x27: {  	v15, _, _ =	vpop (xrf0)  }
0x28: {  	v15 =	vbroadcast v15, $0xF;
	_ =	sdelay $0x1  }
0x29: {  	v14 =	vsub.f32 v14, v15;
	_ =	sdelay $0x1  }
0x2a: {  	v14 =	vmul.f32 $1.442695020e+00, v14;
	_ =	sdelay $0x1  }
0x2b: {  	(erf) = vpow2.f32 v14;
	_ =	sdelay $0x8  }
0x2c: {  	v14 =	vpop (erf)  }
0x2d: {  	v14 =	vnsel vm0, $0x0, v14  }
0x2e: {  	(xrf2) =	vadd.scan.msk.f32 $0xffff, v14;
	_ =	sdelay $0x9  }
0x2f: {  	v15, _, _ =	vpop (xrf2)  }
0x30: {  	v15 =	vbroadcast v15, $0xF;
	_ =	sdelay $0x1  }
0x31: {  	(erf) = vrcp.f32 v15;
	_ =	sdelay $0x8  }
0x32: {  	v15 =	vpop (erf)  }
0x33: {  	v15 =	vmul.f32 v15, v14;
	_ =	sdelay $0x1  }
0x34: {  	v14 =	vnsel vm0, $0xBF800000, v15  }
0x35: {  	(xrf0) =	vmax.scan.msk.f32 $0xffff, v14;
	_ =	sdelay $0x5  }
0x36: {  	v14, _, _ =	vpop (xrf0)  }
0x37: {  	v14 =	vbroadcast v14, $0xF;
	_ =	sdelay $0x1  }
0x38: {  	vm7 =	veq.f32 v15, v14  }
0x39: {  	vm7 =	vmand vm7, vm0  }
0x3a: {  	v14 =	vmctz.xlane vm7;
	_ =	sdelay $0x1  }
0x3b: {  	vm7 =	veq.s32 v14, v2  }
0x3c: {  	v16 =	vsel vm7, $0x3F800000, v1  }
0x3d: {  	v16 =	vsub.f32 v16, v15;
	_ =	sdelay $0x1  }
0x3e: {  	v16 =	vadd.f32 v16, v15  }
0x3f: {  	[tilespmem:v2+s30+$0x0] =	vst.idx.msk $0x3f, v15  }
0x40: {  	[tilespmem:v2+s31+$0x0] =	vst.idx.msk $0x3f, v16  }
0x41: {  	v15 =	vld.idx.msk [tilespmem:v4+s26+$0x0], $0xffff;
	_ =	sdelay $0x4  }
0x42: {  	v17 =	vnsel vm0, $0xFF61B1E6, v15  }
0x43: {  	(xrf0) =	vmax.scan.msk.f32 $0xffff, v17;
	_ =	sdelay $0x5  }
0x44: {  	v17, _, _ =	vpop (xrf0)  }
0x45: {  	v17 =	vbroadcast v17, $0xF;
	_ =	sdelay $0x1  }
0x46: {  	v15 =	vsub.f32 v15, v17;
	_ =	sdelay $0x1  }
0x47: {  	v15 =	vmul.f32 $1.442695020e+00, v15;
	_ =	sdelay $0x1  }
0x48: {  	(erf) = vpow2.f32 v15;
	_ =	sdelay $0x7  }
0x49: {  	v15 =	vmul.f32 v3, v16  }
0x4a: {  	v16 =	vpop (erf)  }
0x4b: {  	(xrf2) =	vadd.scan.msk.f32 $0xffff, v15;
	v16 =	vnsel vm0, $0x0, v16  }
0x4c: {  	(xrf2) =	vadd.scan.msk.f32 $0xffff, v16;
	_ =	sdelay $0x8  }
0x4d: {  	v15, _, _ =	vpop (xrf2)  }
0x4e: {  	v17, _, _ =	vpop (xrf2)  }
0x4f: {  	v17 =	vbroadcast v17, $0xF;
	_ =	sdelay $0x1  }
0x50: {  	(erf) = vrcp.f32 v17;
	_ =	sdelay $0x8  }
0x51: {  	v17 =	vpop (erf)  }
0x52: {  	v17 =	vmul.f32 v17, v16;
	_ =	sdelay $0x1  }
0x53: {  	v16 =	vnsel vm0, $0xBF800000, v17  }
0x54: {  	(xrf0) =	vmax.scan.msk.f32 $0xffff, v16;
	_ =	sdelay $0x5  }
0x55: {  	v16, _, _ =	vpop (xrf0)  }
0x56: {  	v16 =	vbroadcast v16, $0xF;
	_ =	sdelay $0x1  }
0x57: {  	vm7 =	veq.f32 v17, v16  }
0x58: {  	vm7 =	vmand vm7, vm0  }
0x59: {  	v16 =	vmctz.xlane vm7;
	_ =	sdelay $0x1  }
0x5a: {  	vm7 =	veq.s32 v16, v2  }
0x5b: {  	v18 =	vsel vm7, $0x3F800000, v1  }
0x5c: {  	v18 =	vsub.f32 v18, v17;
	_ =	sdelay $0x1  }
0x5d: {  	v18 =	vadd.f32 v18, v17  }
0x5e: {  	[tilespmem:v7+s30+$0x0] =	vst.idx.msk $0x3f, v17  }
0x5f: {  	[tilespmem:v7+s31+$0x0] =	vst.idx.msk $0x3f, v18  }
0x60: {  	v17 =	vld.idx.msk [tilespmem:v5+s26+$0x0], $0xffff;
	_ =	sdelay $0x4  }
0x61: {  	v19 =	vnsel vm0, $0xFF61B1E6, v17  }
0x62: {  	(xrf0) =	vmax.scan.msk.f32 $0xffff, v19;
	_ =	sdelay $0x5  }
0x63: {  	v19, _, _ =	vpop (xrf0)  }
0x64: {  	v19 =	vbroadcast v19, $0xF;
	_ =	sdelay $0x1  }
0x65: {  	v17 =	vsub.f32 v17, v19;
	_ =	sdelay $0x1  }
0x66: {  	v17 =	vmul.f32 $1.442695020e+00, v17;
	_ =	sdelay $0x1  }
0x67: {  	(erf) = vpow2.f32 v17;
	_ =	sdelay $0x7  }
0x68: {  	v17 =	vmul.f32 v3, v18  }
0x69: {  	v45 =	vpop (erf)  }
0x6a: {  	(xrf2) =	vadd.scan.msk.f32 $0xffff, v17;
	v17 =	vnsel vm0, $0x0, v45  }
0x6b: {  	(xrf2) =	vadd.scan.msk.f32 $0xffff, v17;
	_ =	sdelay $0x8  }
0x6c: {  	v46, _, _ =	vpop (xrf2)  }
0x6d: {  	v47, _, _ =	vpop (xrf2)  }
0x6e: {  	v19 =	vbroadcast v47, $0xF;
	_ =	sdelay $0x1  }
0x6f: {  	(erf) = vrcp.f32 v19;
	_ =	sdelay $0x8  }
0x70: {  	v19 =	vpop (erf)  }
0x71: {  	v17 =	vmul.f32 v19, v17;
	_ =	sdelay $0x1  }
0x72: {  	v19 =	vnsel vm0, $0xBF800000, v17  }
0x73: {  	(xrf0) =	vmax.scan.msk.f32 $0xffff, v19;
	_ =	sdelay $0x5  }
0x74: {  	v19, _, _ =	vpop (xrf0)  }
0x75: {  	v19 =	vbroadcast v19, $0xF;
	_ =	sdelay $0x1  }
0x76: {  	vm7 =	veq.f32 v17, v19  }
0x77: {  	vm7 =	vmand vm7, vm0  }
0x78: {  	v48 =	vmctz.xlane vm7;
	_ =	sdelay $0x1  }
0x79: {  	vm7 =	veq.s32 v48, v2  }
0x7a: {  	v20 =	vsel vm7, $0x3F800000, v1  }
0x7b: {  	v20 =	vsub.f32 v20, v17;
	_ =	sdelay $0x1  }
0x7c: {  	v20 =	vadd.f32 v20, v17  }
0x7d: {  	[tilespmem:v6+s30+$0x0] =	vst.idx.msk $0x3f, v17  }
0x7e: {  	[tilespmem:v6+s31+$0x0] =	vst.idx.msk $0x3f, v20  }
0x7f: {  	v17 =	vld.idx.msk [tilespmem:v8+s26+$0x0], $0xffff;
	_ =	sdelay $0x4  }
0x80: {  	v21 =	vnsel vm0, $0xFF61B1E6, v17  }
0x81: {  	(xrf0) =	vmax.scan.msk.f32 $0xffff, v21;
	_ =	sdelay $0x5  }
0x82: {  	v21, _, _ =	vpop (xrf0)  }
0x83: {  	v21 =	vbroadcast v21, $0xF;
	_ =	sdelay $0x1  }
0x84: {  	v17 =	vsub.f32 v17, v21;
	_ =	sdelay $0x1  }
0x85: {  	v17 =	vmul.f32 $1.442695020e+00, v17;
	_ =	sdelay $0x1  }
0x86: {  	(erf) = vpow2.f32 v17;
	_ =	sdelay $0x7  }
0x87: {  	v17 =	vmul.f32 v3, v20  }
0x88: {  	v49 =	vpop (erf)  }
0x89: {  	(xrf2) =	vadd.scan.msk.f32 $0xffff, v17;
	v17 =	vnsel vm0, $0x0, v49  }
0x8a: {  	(xrf2) =	vadd.scan.msk.f32 $0xffff, v17;
	_ =	sdelay $0x8  }
0x8b: {  	v50, _, _ =	vpop (xrf2)  }
0x8c: {  	v51, _, _ =	vpop (xrf2)  }
0x8d: {  	v21 =	vbroadcast v51, $0xF;
	_ =	sdelay $0x1  }
0x8e: {  	(erf) = vrcp.f32 v21;
	_ =	sdelay $0x8  }
0x8f: {  	v21 =	vpop (erf)  }
0x90: {  	v17 =	vmul.f32 v21, v17;
	_ =	sdelay $0x1  }
0x91: {  	v21 =	vnsel vm0, $0xBF800000, v17  }
0x92: {  	(xrf0) =	vmax.scan.msk.f32 $0xffff, v21;
	_ =	sdelay $0x5  }
0x93: {  	v21, _, _ =	vpop (xrf0)  }
0x94: {  	v21 =	vbroadcast v21, $0xF;
	_ =	sdelay $0x1  }
0x95: {  	vm7 =	veq.f32 v17, v21  }
0x96: {  	vm7 =	vmand vm7, vm0  }
0x97: {  	v52 =	vmctz.xlane vm7;
	_ =	sdelay $0x1  }
0x98: {  	vm7 =	veq.s32 v52, v2  }
0x99: {  	v22 =	vsel vm7, $0x3F800000, v1  }
0x9a: {  	v22 =	vsub.f32 v22, v17;
	_ =	sdelay $0x1  }
0x9b: {  	v22 =	vadd.f32 v22, v17  }
0x9c: {  	[tilespmem:v9+s30+$0x0] =	vst.idx.msk $0x3f, v17  }
0x9d: {  	[tilespmem:v9+s31+$0x0] =	vst.idx.msk $0x3f, v22  }
0x9e: {  	v17 =	vld.idx.msk [tilespmem:v10+s26+$0x0], $0xffff;
	_ =	sdelay $0x4  }
0x9f: {  	v23 =	vnsel vm0, $0xFF61B1E6, v17  }
0xa0: {  	(xrf0) =	vmax.scan.msk.f32 $0xffff, v23;
	_ =	sdelay $0x5  }
0xa1: {  	v23, _, _ =	vpop (xrf0)  }
0xa2: {  	v23 =	vbroadcast v23, $0xF;
	_ =	sdelay $0x1  }
0xa3: {  	v17 =	vsub.f32 v17, v23;
	_ =	sdelay $0x1  }
0xa4: {  	v17 =	vmul.f32 $1.442695020e+00, v17;
	_ =	sdelay $0x1  }
0xa5: {  	(erf) = vpow2.f32 v17;
	_ =	sdelay $0x7  }
0xa6: {  	v17 =	vmul.f32 v3, v22  }
0xa7: {  	v53 =	vpop (erf)  }
0xa8: {  	(xrf2) =	vadd.scan.msk.f32 $0xffff, v17;
	v17 =	vnsel vm0, $0x0, v53  }
0xa9: {  	(xrf2) =	vadd.scan.msk.f32 $0xffff, v17;
	_ =	sdelay $0x8  }
0xaa: {  	v54, _, _ =	vpop (xrf2)  }
0xab: {  	v55, _, _ =	vpop (xrf2)  }
0xac: {  	v23 =	vbroadcast v55, $0xF;
	_ =	sdelay $0x1  }
0xad: {  	(erf) = vrcp.f32 v23;
	_ =	sdelay $0x8  }
0xae: {  	v23 =	vpop (erf)  }
0xaf: {  	v17 =	vmul.f32 v23, v17;
	_ =	sdelay $0x1  }
0xb0: {  	v23 =	vnsel vm0, $0xBF800000, v17  }
0xb1: {  	(xrf0) =	vmax.scan.msk.f32 $0xffff, v23;
	_ =	sdelay $0x5  }
0xb2: {  	v23, _, _ =	vpop (xrf0)  }
0xb3: {  	v23 =	vbroadcast v23, $0xF;
	_ =	sdelay $0x1  }
0xb4: {  	vm7 =	veq.f32 v17, v23  }
0xb5: {  	vm7 =	vmand vm7, vm0  }
0xb6: {  	v56 =	vmctz.xlane vm7;
	_ =	sdelay $0x1  }
0xb7: {  	vm7 =	veq.s32 v56, v2  }
0xb8: {  	v24 =	vsel vm7, $0x3F800000, v1  }
0xb9: {  	v24 =	vsub.f32 v24, v17;
	_ =	sdelay $0x1  }
0xba: {  	v24 =	vadd.f32 v24, v17  }
0xbb: {  	[tilespmem:v11+s30+$0x0] =	vst.idx.msk $0x3f, v17  }
0xbc: {  	[tilespmem:v11+s31+$0x0] =	vst.idx.msk $0x3f, v24  }
0xbd: {  	v17 =	vld.idx.msk [tilespmem:v12+s26+$0x0], $0xffff;
	_ =	sdelay $0x4  }
0xbe: {  	v25 =	vnsel vm0, $0xFF61B1E6, v17  }
0xbf: {  	(xrf0) =	vmax.scan.msk.f32 $0xffff, v25;
	_ =	sdelay $0x5  }
0xc0: {  	v25, _, _ =	vpop (xrf0)  }
0xc1: {  	v25 =	vbroadcast v25, $0xF;
	_ =	sdelay $0x1  }
0xc2: {  	v17 =	vsub.f32 v17, v25;
	_ =	sdelay $0x1  }
0xc3: {  	v17 =	vmul.f32 $1.442695020e+00, v17;
	_ =	sdelay $0x1  }
0xc4: {  	(erf) = vpow2.f32 v17;
	_ =	sdelay $0x7  }
0xc5: {  	v17 =	vmul.f32 v3, v24  }
0xc6: {  	v57 =	vpop (erf)  }
0xc7: {  	(xrf2) =	vadd.scan.msk.f32 $0xffff, v17;
	v17 =	vnsel vm0, $0x0, v57  }
0xc8: {  	(xrf2) =	vadd.scan.msk.f32 $0xffff, v17;
	_ =	sdelay $0x8  }
0xc9: {  	v58, _, _ =	vpop (xrf2)  }
0xca: {  	v59, _, _ =	vpop (xrf2)  }
0xcb: {  	v25 =	vbroadcast v59, $0xF;
	_ =	sdelay $0x1  }
0xcc: {  	(erf) = vrcp.f32 v25;
	_ =	sdelay $0x8  }
0xcd: {  	v25 =	vpop (erf)  }
0xce: {  	v17 =	vmul.f32 v25, v17;
	_ =	sdelay $0x1  }
0xcf: {  	v25 =	vnsel vm0, $0xBF800000, v17  }
0xd0: {  	(xrf0) =	vmax.scan.msk.f32 $0xffff, v25;
	_ =	sdelay $0x5  }
0xd1: {  	v25, _, _ =	vpop (xrf0)  }
0xd2: {  	v25 =	vbroadcast v25, $0xF;
	_ =	sdelay $0x1  }
0xd3: {  	vm7 =	veq.f32 v17, v25  }
0xd4: {  	vm7 =	vmand vm7, vm0  }
0xd5: {  	v60 =	vmctz.xlane vm7;
	_ =	sdelay $0x1  }
0xd6: {  	vm7 =	veq.s32 v60, v2  }
0xd7: {  	v26 =	vsel vm7, $0x3F800000, v1  }
0xd8: {  	v26 =	vsub.f32 v26, v17;
	_ =	sdelay $0x1  }
0xd9: {  	v26 =	vadd.f32 v26, v17;
	_ =	sdelay $0x1  }
0xda: {  	v27 =	vmul.f32 v3, v26;
	_ =	sdelay $0x1  }
0xdb: {  	(xrf2) =	vadd.scan.msk.f32 $0xffff, v27;
	_ =	sdelay $0x5  }
0xdc: {  	v15 =	vbroadcast v15, $0xF  }
0xdd: {  	v14 =	vnsel vm1, $0x0, v14;
	v18 =	vbroadcast v46, $0xF  }
0xde: {  	v15 =	vnsel vm1, $0x0, v15;
	v14 =	vsel vm2, v14, v16;
	v20 =	vbroadcast v50, $0xF  }
0xdf: {  	v15 =	vsel vm2, v15, v18;
	v14 =	vsel vm3, v14, v48;
	v61 =	vbroadcast v54, $0xF  }
0xe0: {  	v15 =	vsel vm3, v15, v20;
	v14 =	vsel vm4, v14, v52;
	v16 =	vbroadcast v58, $0xF;
	v62, _, _ =	vpop (xrf2)  }
0xe1: {  	v15 =	vsel vm4, v15, v61;
	v14 =	vsel vm5, v14, v56;
	[tilespmem:v13+s30+$0x0] =	vst.idx.msk $0x3f, v17;
	v63 =	vbroadcast v62, $0xF  }
0xe2: {  	v15 =	vsel vm5, v15, v16;
	v14 =	vsel vm6, v14, v60;
	[tilespmem:v13+s31+$0x0] =	vst.idx.msk $0x3f, v26  }
0xe3: {  	[tilespmem:$0x400] =	vst v14;
	v15 =	vsel vm6, v15, v63  }
0xe4: {  	s5 =	simm.s32 $0x0;
	[tilespmem:$0x380] =	vst v15  }
0xe5: {  	v15 =	vld [tilespmem:s5+$0x0];
	_ =	sdelay $0x7  }
0xe6: {  	v14 =	vld.idx.msk [tilespmem:v15+s19+$0x0], $0xffff;
	_ =	sdelay $0x4  }
0xe7: {  	[tilespmem:s5+$0x1080] =	vst v14;
	v14 =	vld [tilespmem:s5+$0x10];
	_ =	sdelay $0x1  }
0xe8: {  	v15 =	vld.idx.msk [tilespmem:v15+s0+$0x0], $0xffff;
	_ =	sdelay $0x4  }
0xe9: {  	[tilespmem:s5+$0x2A80] =	vst v15  }
0xea: {  	v15 =	vld.idx.msk [tilespmem:v14+s19+$0x0], $0xffff;
	_ =	sdelay $0x3  }
0xeb: {  	s7 =	simm.s32 $0x20;
	s6 =	simm.s32 $0x100  }
.LBB2_2:
0xec: {  	p0 =	sne.s32 s6, $0x780;
	v16 =	vld [tilespmem:s7+$0x0];
	[tilespmem:s5+$0x1090] =	vst v15  }
0xed: {  	v14 =	vld.idx.msk [tilespmem:v14+s0+$0x0], $0xffff;
	_ =	sdelay $0x5  }
0xee: {  	[tilespmem:s5+$0x2A90] =	vst v14;
	s5 =	smov.u32 s7  }
0xef: {  	v14 =	vld.idx.msk [tilespmem:v16+s19+$0x0], $0xffff;
	_ =	sdelay $0x5  }
0xf0: {  	[tilespmem:s5+$0x1080] =	vst v14;
	v14 =	vld [tilespmem:s5+$0x10]  }
0xf1: {  	v15 =	vld.idx.msk [tilespmem:v16+s0+$0x0], $0xffff;
	_ =	sdelay $0x5  }
0xf2: {  	[tilespmem:s5+$0x2A80] =	vst v15  }
0xf3: {  	v15 =	vld.idx.msk [tilespmem:v14+s19+$0x0], $0xffff  }
.Ltmp0:
0xf4: {  	(pc) =	sbr.rel @p0 .LBB2_2-.Ltmp0, $2  }
0xf5: {  	_ =	sdelay $0x2  }
0xf6: {  	s7 =	sshra.s32 s6, $0x2;
	s6 =	sadd.s32 $0x80, s6  }
0xf7: {  	_ =	sdelay $0x1  }
0xf8: {  	v16 =	vld [tilespmem:s7+$0x0]  }
0xf9: {  	[tilespmem:s5+$0x1090] =	vst v15  }
0xfa: {  	v14 =	vld.idx.msk [tilespmem:v14+s0+$0x0], $0xffff;
	_ =	sdelay $0x4  }
0xfb: {  	[tilespmem:s5+$0x2A90] =	vst v14  }
0xfc: {  	v14 =	vld.idx.msk [tilespmem:v16+s19+$0x0], $0xffff;
	_ =	sdelay $0x4  }
0xfd: {  	[tilespmem:s7+$0x1080] =	vst v14;
	v14 =	vld [tilespmem:s7+$0x10];
	_ =	sdelay $0x1  }
0xfe: {  	v15 =	vld.idx.msk [tilespmem:v16+s0+$0x0], $0xffff;
	_ =	sdelay $0x4  }
0xff: {  	[tilespmem:s7+$0x2A80] =	vst v15  }
0x100: {  	v15 =	vld.idx.msk [tilespmem:v14+s19+$0x0], $0xffff;
	_ =	sdelay $0x4  }
0x101: {  	[tilespmem:s7+$0x1090] =	vst v15  }
0x102: {  	v14 =	vld.idx.msk [tilespmem:v14+s0+$0x0], $0xffff;
	_ =	sdelay $0x4  }
0x103: {  	s6 =	rddreg [dreg:$0x9];
	s5 =	simm.s32 $0x0;
	[tilespmem:s7+$0x2A90] =	vst v14;
	s7 =	simm.s32 $0x1080  }
0x104: {  	[hbm4b:s6+s5] =	stream.linear.scatter [tilespmem:s7], [sflag:$0x4], $0x200, $0x38;
	[tilespmem:$0x2C80] =	vst v63  }
0x105: {  	s6 =	rddreg [dreg:$0xa];
	s7 =	simm.s32 $0x2A80  }
0x106: {  	[hbm4b:s6+s5] =	stream.linear.scatter [tilespmem:s7], [sflag:$0x4], $0x200, $0x38;
	[tilespmem:$0x2C80] =	vst v63  }
0x107: {  	s5 =	simm.s32 $0x0  }
0x108: {  	v14 =	vld [tilespmem:s5+$0x0];
	_ =	sdelay $0x4  }
0x109: {  	v14 =	vmul.u32 $0x6, v14;
	_ =	sdelay $0x5  }
0x10a: {  	v15 =	vld.idx.msk [tilespmem:v14+s26+$0x0], $0xffff;
	_ =	sdelay $0x4  }
0x10b: {  	[tilespmem:s5+$0x1280] =	vst v15  }
0x10c: {  	v15 =	vld.idx.msk [tilespmem:v14+s30+$0x0], $0xffff  }
0x10d: {  	v16 =	vld [tilespmem:s5+$0x10];
	_ =	sdelay $0x3  }
0x10e: {  	[tilespmem:s5+$0x1E80] =	vst v15  }
0x10f: {  	v15 =	vld.idx.msk [tilespmem:v14+s31+$0x0], $0xffff;
	v14 =	vmul.u32 $0x6, v16;
	_ =	sdelay $0x4  }
0x110: {  	[tilespmem:s5+$0x480] =	vst v15  }
0x111: {  	v15 =	vld.idx.msk [tilespmem:v14+s26+$0x0], $0xffff;
	_ =	sdelay $0x4  }
0x112: {  	[tilespmem:s5+$0x1290] =	vst v15  }
0x113: {  	v15 =	vld.idx.msk [tilespmem:v14+s30+$0x0], $0xffff  }
0x114: {  	s7 =	simm.s32 $0x20;
	s6 =	simm.s32 $0x100  }
.LBB2_4:
0x115: {  	p0 =	sne.s32 s6, $0x780;
	v16 =	vld [tilespmem:s7+$0x0];
	_ =	sdelay $0x2  }
0x116: {  	[tilespmem:s5+$0x1E90] =	vst v15  }
0x117: {  	v14 =	vld.idx.msk [tilespmem:v14+s31+$0x0], $0xffff  }
0x118: {  	v15 =	vmul.u32 $0x6, v16;
	_ =	sdelay $0x4  }
0x119: {  	[tilespmem:s5+$0x490] =	vst v14;
	s5 =	smov.u32 s7  }
0x11a: {  	v14 =	vld.idx.msk [tilespmem:v15+s26+$0x0], $0xffff;
	_ =	sdelay $0x5  }
0x11b: {  	[tilespmem:s5+$0x1280] =	vst v14  }
0x11c: {  	v14 =	vld.idx.msk [tilespmem:v15+s30+$0x0], $0xffff;
	_ =	sdelay $0x2  }
0x11d: {  	v16 =	vld [tilespmem:s5+$0x10];
	_ =	sdelay $0x2  }
0x11e: {  	[tilespmem:s5+$0x1E80] =	vst v14  }
0x11f: {  	v15 =	vld.idx.msk [tilespmem:v15+s31+$0x0], $0xffff  }
0x120: {  	v14 =	vmul.u32 $0x6, v16;
	_ =	sdelay $0x4  }
0x121: {  	[tilespmem:s5+$0x480] =	vst v15  }
0x122: {  	v15 =	vld.idx.msk [tilespmem:v14+s26+$0x0], $0xffff;
	_ =	sdelay $0x4  }
.Ltmp1:
0x123: {  	(pc) =	sbr.rel @p0 .LBB2_4-.Ltmp1, $3  }
0x124: {  	[tilespmem:s5+$0x1290] =	vst v15  }
0x125: {  	v15 =	vld.idx.msk [tilespmem:v14+s30+$0x0], $0xffff;
	_ =	sdelay $0x1  }
0x126: {  	s7 =	sshra.s32 s6, $0x2;
	s6 =	sadd.s32 $0x80, s6  }
0x127: {  	v16 =	vld [tilespmem:s7+$0x0];
	_ =	sdelay $0x3  }
0x128: {  	[tilespmem:s5+$0x1E90] =	vst v15  }
0x129: {  	v14 =	vld.idx.msk [tilespmem:v14+s31+$0x0], $0xffff;
	v15 =	vmul.u32 $0x6, v16;
	_ =	sdelay $0x4  }
0x12a: {  	[tilespmem:s5+$0x490] =	vst v14  }
0x12b: {  	v14 =	vld.idx.msk [tilespmem:v15+s26+$0x0], $0xffff;
	_ =	sdelay $0x4  }
0x12c: {  	[tilespmem:s7+$0x1280] =	vst v14  }
0x12d: {  	v14 =	vld.idx.msk [tilespmem:v15+s30+$0x0], $0xffff  }
0x12e: {  	v16 =	vld [tilespmem:s7+$0x10];
	_ =	sdelay $0x3  }
0x12f: {  	[tilespmem:s7+$0x1E80] =	vst v14  }
0x130: {  	v14 =	vld.idx.msk [tilespmem:v15+s31+$0x0], $0xffff;
	v15 =	vmul.u32 $0x6, v16;
	_ =	sdelay $0x4  }
0x131: {  	[tilespmem:s7+$0x480] =	vst v14  }
0x132: {  	v14 =	vld.idx.msk [tilespmem:v15+s26+$0x0], $0xffff;
	_ =	sdelay $0x4  }
0x133: {  	[tilespmem:s7+$0x1290] =	vst v14  }
0x134: {  	v14 =	vld.idx.msk [tilespmem:v15+s30+$0x0], $0xffff;
	_ =	sdelay $0x4  }
0x135: {  	[tilespmem:s7+$0x1E90] =	vst v14  }
0x136: {  	v14 =	vld.idx.msk [tilespmem:v15+s31+$0x0], $0xffff;
	_ =	sdelay $0x4  }
0x137: {  	s6 =	simm.s32 $0x480;
	[tilespmem:s7+$0x490] =	vst v14;
	s7 =	rddreg [dreg:$0xb]  }
0x138: {  	[hbm4b:s7+s1] =	stream.strided.scatter [tilespmem:s6], [sflag:$0x1], $0x200, s0, s1, $0x38;
	[tilespmem:$0x2C80] =	vst v63  }
0x139: {  	s6 =	rddreg [dreg:$0xc];
	s7 =	simm.s32 $0x1280  }
0x13a: {  	[hbm4b:s6+s1] =	stream.strided.scatter [tilespmem:s7], [sflag:$0x2], $0x200, s0, s1, $0x38;
	[tilespmem:$0x2C80] =	vst v63  }
0x13b: {  	s5 =	simm.s32 $0x0;
	s6 =	rddreg [dreg:$0xd];
	s7 =	simm.s32 $0x1E80  }
0x13c: {  	[hbm4b:s6+s1] =	stream.strided.scatter [tilespmem:s7], [sflag:$0x3], $0x200, s0, s1, $0x38;
	[tilespmem:$0x2C80] =	vst v63  }
0x13d: {  	v14 =	vld [tilespmem:s5+$0x0];
	_ =	sdelay $0x4  }
0x13e: {  	v14 =	vmul.u32 $0x6, v14;
	_ =	sdelay $0x1  }
0x13f: {  	v14 =	vor.u32 $0x1, v14;
	_ =	sdelay $0x4  }
0x140: {  	v15 =	vld.idx.msk [tilespmem:v14+s26+$0x0], $0xffff;
	_ =	sdelay $0x4  }
0x141: {  	v16 =	vld [tilespmem:s5+$0x10];
	[tilespmem:s5+$0x1480] =	vst v15  }
0x142: {  	v15 =	vld.idx.msk [tilespmem:v14+s30+$0x0], $0xffff;
	_ =	sdelay $0x4  }
0x143: {  	[tilespmem:s5+$0x2080] =	vst v15;
	v15 =	vmul.u32 $0x6, v16  }
0x144: {  	v16 =	vld.idx.msk [tilespmem:v14+s31+$0x0], $0xffff  }
0x145: {  	v14 =	vor.u32 $0x1, v15;
	_ =	sdelay $0x3  }
0x146: {  	[tilespmem:s5+$0x680] =	vst v16  }
0x147: {  	v15 =	vld.idx.msk [tilespmem:v14+s26+$0x0], $0xffff;
	_ =	sdelay $0x4  }
0x148: {  	[tilespmem:s5+$0x1490] =	vst v15  }
0x149: {  	s7 =	simm.s32 $0x20;
	s6 =	simm.s32 $0x100;
	v15 =	vld.idx.msk [tilespmem:v14+s30+$0x0], $0xffff  }
.LBB2_6:
0x14a: {  	p0 =	sne.s32 s6, $0x780;
	v16 =	vld [tilespmem:s7+$0x0];
	_ =	sdelay $0x3  }
0x14b: {  	[tilespmem:s5+$0x2090] =	vst v15  }
0x14c: {  	v15 =	vmul.u32 $0x6, v16;
	v14 =	vld.idx.msk [tilespmem:v14+s31+$0x0], $0xffff;
	_ =	sdelay $0x1  }
0x14d: {  	v15 =	vor.u32 $0x1, v15;
	_ =	sdelay $0x3  }
0x14e: {  	[tilespmem:s5+$0x690] =	vst v14;
	s5 =	smov.u32 s7  }
0x14f: {  	v14 =	vld.idx.msk [tilespmem:v15+s26+$0x0], $0xffff;
	_ =	sdelay $0x5  }
0x150: {  	[tilespmem:s5+$0x1480] =	vst v14  }
0x151: {  	v14 =	vld.idx.msk [tilespmem:v15+s30+$0x0], $0xffff;
	_ =	sdelay $0x1  }
0x152: {  	v16 =	vld [tilespmem:s5+$0x10];
	_ =	sdelay $0x3  }
0x153: {  	[tilespmem:s5+$0x2080] =	vst v14  }
0x154: {  	v15 =	vld.idx.msk [tilespmem:v15+s31+$0x0], $0xffff;
	v14 =	vmul.u32 $0x6, v16;
	_ =	sdelay $0x1  }
0x155: {  	v14 =	vor.u32 $0x1, v14;
	_ =	sdelay $0x3  }
0x156: {  	[tilespmem:s5+$0x680] =	vst v15  }
0x157: {  	v15 =	vld.idx.msk [tilespmem:v14+s26+$0x0], $0xffff;
	_ =	sdelay $0x3  }
.Ltmp2:
0x158: {  	(pc) =	sbr.rel @p0 .LBB2_6-.Ltmp2, $4  }
0x159: {  	_ = 	snop  }
0x15a: {  	[tilespmem:s5+$0x1490] =	vst v15  }
0x15b: {  	v15 =	vld.idx.msk [tilespmem:v14+s30+$0x0], $0xffff  }
0x15c: {  	s7 =	sshra.s32 s6, $0x2;
	s6 =	sadd.s32 $0x80, s6  }
0x15d: {  	v16 =	vld [tilespmem:s7+$0x0];
	_ =	sdelay $0x4  }
0x15e: {  	[tilespmem:s5+$0x2090] =	vst v15;
	v15 =	vmul.u32 $0x6, v16  }
0x15f: {  	v14 =	vld.idx.msk [tilespmem:v14+s31+$0x0], $0xffff  }
0x160: {  	v15 =	vor.u32 $0x1, v15;
	_ =	sdelay $0x3  }
0x161: {  	[tilespmem:s5+$0x690] =	vst v14  }
0x162: {  	v14 =	vld.idx.msk [tilespmem:v15+s26+$0x0], $0xffff;
	_ =	sdelay $0x4  }
0x163: {  	v16 =	vld [tilespmem:s7+$0x10];
	[tilespmem:s7+$0x1480] =	vst v14  }
0x164: {  	v14 =	vld.idx.msk [tilespmem:v15+s30+$0x0], $0xffff;
	_ =	sdelay $0x4  }
0x165: {  	[tilespmem:s7+$0x2080] =	vst v14;
	v14 =	vmul.u32 $0x6, v16  }
0x166: {  	v15 =	vld.idx.msk [tilespmem:v15+s31+$0x0], $0xffff  }
0x167: {  	v14 =	vor.u32 $0x1, v14;
	_ =	sdelay $0x3  }
0x168: {  	[tilespmem:s7+$0x680] =	vst v15  }
0x169: {  	v15 =	vld.idx.msk [tilespmem:v14+s26+$0x0], $0xffff;
	_ =	sdelay $0x4  }
0x16a: {  	[tilespmem:s7+$0x1490] =	vst v15  }
0x16b: {  	v15 =	vld.idx.msk [tilespmem:v14+s30+$0x0], $0xffff;
	_ =	sdelay $0x4  }
0x16c: {  	[tilespmem:s7+$0x2090] =	vst v15  }
0x16d: {  	v14 =	vld.idx.msk [tilespmem:v14+s31+$0x0], $0xffff;
	_ =	sdelay $0x4  }
0x16e: {  	[tilespmem:s7+$0x690] =	vst v14;
	s7 =	simm.s32 $0x680  }
0x16f: {  	[hbm4b:s8+s1] =	stream.strided.scatter [tilespmem:s7], [sflag:$0x1], $0x200, s0, s1, $0x38;
	[tilespmem:$0x2C80] =	vst v63  }
0x170: {  	s6 =	simm.s32 $0x1480  }
0x171: {  	[hbm4b:s9+s1] =	stream.strided.scatter [tilespmem:s6], [sflag:$0x2], $0x200, s0, s1, $0x38;
	[tilespmem:$0x2C80] =	vst v63  }
0x172: {  	s5 =	simm.s32 $0x0;
	s7 =	simm.s32 $0x2080  }
0x173: {  	[hbm4b:s10+s1] =	stream.strided.scatter [tilespmem:s7], [sflag:$0x3], $0x200, s0, s1, $0x38;
	[tilespmem:$0x2C80] =	vst v63  }
0x174: {  	v14 =	vld [tilespmem:s5+$0x0];
	_ =	sdelay $0x4  }
0x175: {  	v14 =	vmul.u32 $0x6, v14;
	_ =	sdelay $0x1  }
0x176: {  	v14 =	vadd.s32 $0x2, v14;
	_ =	sdelay $0x4  }
0x177: {  	v15 =	vld.idx.msk [tilespmem:v14+s26+$0x0], $0xffff;
	_ =	sdelay $0x4  }
0x178: {  	v16 =	vld [tilespmem:s5+$0x10];
	[tilespmem:s5+$0x1680] =	vst v15  }
0x179: {  	v15 =	vld.idx.msk [tilespmem:v14+s30+$0x0], $0xffff;
	_ =	sdelay $0x4  }
0x17a: {  	[tilespmem:s5+$0x2280] =	vst v15;
	v15 =	vmul.u32 $0x6, v16  }
0x17b: {  	v16 =	vld.idx.msk [tilespmem:v14+s31+$0x0], $0xffff  }
0x17c: {  	v14 =	vadd.s32 $0x2, v15;
	_ =	sdelay $0x3  }
0x17d: {  	[tilespmem:s5+$0x880] =	vst v16  }
0x17e: {  	v15 =	vld.idx.msk [tilespmem:v14+s26+$0x0], $0xffff;
	_ =	sdelay $0x4  }
0x17f: {  	[tilespmem:s5+$0x1690] =	vst v15  }
0x180: {  	s6 =	simm.s32 $0x100;
	s7 =	simm.s32 $0x20;
	v15 =	vld.idx.msk [tilespmem:v14+s30+$0x0], $0xffff  }
.LBB2_8:
0x181: {  	p0 =	sne.s32 s6, $0x780;
	v16 =	vld [tilespmem:s7+$0x0];
	_ =	sdelay $0x3  }
0x182: {  	[tilespmem:s5+$0x2290] =	vst v15  }
0x183: {  	v15 =	vmul.u32 $0x6, v16;
	v14 =	vld.idx.msk [tilespmem:v14+s31+$0x0], $0xffff;
	_ =	sdelay $0x1  }
0x184: {  	v15 =	vadd.s32 $0x2, v15;
	_ =	sdelay $0x3  }
0x185: {  	[tilespmem:s5+$0x890] =	vst v14;
	s5 =	smov.u32 s7  }
0x186: {  	v14 =	vld.idx.msk [tilespmem:v15+s26+$0x0], $0xffff;
	_ =	sdelay $0x5  }
0x187: {  	[tilespmem:s5+$0x1680] =	vst v14  }
0x188: {  	v14 =	vld.idx.msk [tilespmem:v15+s30+$0x0], $0xffff;
	_ =	sdelay $0x1  }
0x189: {  	v16 =	vld [tilespmem:s5+$0x10];
	_ =	sdelay $0x3  }
0x18a: {  	[tilespmem:s5+$0x2280] =	vst v14  }
0x18b: {  	v15 =	vld.idx.msk [tilespmem:v15+s31+$0x0], $0xffff;
	v14 =	vmul.u32 $0x6, v16;
	_ =	sdelay $0x1  }
0x18c: {  	v14 =	vadd.s32 $0x2, v14;
	_ =	sdelay $0x3  }
0x18d: {  	[tilespmem:s5+$0x880] =	vst v15  }
0x18e: {  	v15 =	vld.idx.msk [tilespmem:v14+s26+$0x0], $0xffff;
	_ =	sdelay $0x3  }
.Ltmp3:
0x18f: {  	(pc) =	sbr.rel @p0 .LBB2_8-.Ltmp3, $4  }
0x190: {  	_ = 	snop  }
0x191: {  	[tilespmem:s5+$0x1690] =	vst v15  }
0x192: {  	v15 =	vld.idx.msk [tilespmem:v14+s30+$0x0], $0xffff  }
0x193: {  	s7 =	sshra.s32 s6, $0x2;
	s6 =	sadd.s32 $0x80, s6  }
0x194: {  	v16 =	vld [tilespmem:s7+$0x0];
	_ =	sdelay $0x4  }
0x195: {  	[tilespmem:s5+$0x2290] =	vst v15;
	v15 =	vmul.u32 $0x6, v16  }
0x196: {  	v14 =	vld.idx.msk [tilespmem:v14+s31+$0x0], $0xffff  }
0x197: {  	v15 =	vadd.s32 $0x2, v15;
	_ =	sdelay $0x3  }
0x198: {  	[tilespmem:s5+$0x890] =	vst v14  }
0x199: {  	v14 =	vld.idx.msk [tilespmem:v15+s26+$0x0], $0xffff;
	_ =	sdelay $0x4  }
0x19a: {  	v16 =	vld [tilespmem:s7+$0x10];
	[tilespmem:s7+$0x1680] =	vst v14  }
0x19b: {  	v14 =	vld.idx.msk [tilespmem:v15+s30+$0x0], $0xffff;
	_ =	sdelay $0x4  }
0x19c: {  	[tilespmem:s7+$0x2280] =	vst v14;
	v14 =	vmul.u32 $0x6, v16  }
0x19d: {  	v15 =	vld.idx.msk [tilespmem:v15+s31+$0x0], $0xffff  }
0x19e: {  	v14 =	vadd.s32 $0x2, v14;
	_ =	sdelay $0x3  }
0x19f: {  	[tilespmem:s7+$0x880] =	vst v15  }
0x1a0: {  	v15 =	vld.idx.msk [tilespmem:v14+s26+$0x0], $0xffff;
	_ =	sdelay $0x4  }
0x1a1: {  	[tilespmem:s7+$0x1690] =	vst v15  }
0x1a2: {  	v15 =	vld.idx.msk [tilespmem:v14+s30+$0x0], $0xffff;
	_ =	sdelay $0x4  }
0x1a3: {  	[tilespmem:s7+$0x2290] =	vst v15  }
0x1a4: {  	v14 =	vld.idx.msk [tilespmem:v14+s31+$0x0], $0xffff;
	_ =	sdelay $0x4  }
0x1a5: {  	[tilespmem:s7+$0x890] =	vst v14;
	s7 =	simm.s32 $0x880  }
0x1a6: {  	[hbm4b:s11+s1] =	stream.strided.scatter [tilespmem:s7], [sflag:$0x1], $0x200, s0, s1, $0x38;
	[tilespmem:$0x2C80] =	vst v63  }
0x1a7: {  	s6 =	simm.s32 $0x1680  }
0x1a8: {  	[hbm4b:s12+s1] =	stream.strided.scatter [tilespmem:s6], [sflag:$0x2], $0x200, s0, s1, $0x38;
	[tilespmem:$0x2C80] =	vst v63  }
0x1a9: {  	s5 =	simm.s32 $0x0;
	s7 =	simm.s32 $0x2280  }
0x1aa: {  	[hbm4b:s13+s1] =	stream.strided.scatter [tilespmem:s7], [sflag:$0x3], $0x200, s0, s1, $0x38;
	[tilespmem:$0x2C80] =	vst v63  }
0x1ab: {  	v14 =	vld [tilespmem:s5+$0x0];
	_ =	sdelay $0x4  }
0x1ac: {  	v14 =	vmul.u32 $0x6, v14;
	_ =	sdelay $0x1  }
0x1ad: {  	v14 =	vadd.s32 $0x3, v14;
	_ =	sdelay $0x4  }
0x1ae: {  	v15 =	vld.idx.msk [tilespmem:v14+s26+$0x0], $0xffff;
	_ =	sdelay $0x4  }
0x1af: {  	v16 =	vld [tilespmem:s5+$0x10];
	[tilespmem:s5+$0x1880] =	vst v15  }
0x1b0: {  	v15 =	vld.idx.msk [tilespmem:v14+s30+$0x0], $0xffff;
	_ =	sdelay $0x4  }
0x1b1: {  	[tilespmem:s5+$0x2480] =	vst v15;
	v15 =	vmul.u32 $0x6, v16  }
0x1b2: {  	v16 =	vld.idx.msk [tilespmem:v14+s31+$0x0], $0xffff  }
0x1b3: {  	v14 =	vadd.s32 $0x3, v15;
	_ =	sdelay $0x3  }
0x1b4: {  	[tilespmem:s5+$0xA80] =	vst v16  }
0x1b5: {  	v15 =	vld.idx.msk [tilespmem:v14+s26+$0x0], $0xffff;
	_ =	sdelay $0x4  }
0x1b6: {  	[tilespmem:s5+$0x1890] =	vst v15  }
0x1b7: {  	s6 =	simm.s32 $0x100;
	s7 =	simm.s32 $0x20;
	v15 =	vld.idx.msk [tilespmem:v14+s30+$0x0], $0xffff  }
.LBB2_10:
0x1b8: {  	p0 =	sne.s32 s6, $0x780;
	v16 =	vld [tilespmem:s7+$0x0];
	_ =	sdelay $0x3  }
0x1b9: {  	[tilespmem:s5+$0x2490] =	vst v15  }
0x1ba: {  	v15 =	vmul.u32 $0x6, v16;
	v14 =	vld.idx.msk [tilespmem:v14+s31+$0x0], $0xffff;
	_ =	sdelay $0x1  }
0x1bb: {  	v15 =	vadd.s32 $0x3, v15;
	_ =	sdelay $0x3  }
0x1bc: {  	[tilespmem:s5+$0xA90] =	vst v14;
	s5 =	smov.u32 s7  }
0x1bd: {  	v14 =	vld.idx.msk [tilespmem:v15+s26+$0x0], $0xffff;
	_ =	sdelay $0x5  }
0x1be: {  	[tilespmem:s5+$0x1880] =	vst v14  }
0x1bf: {  	v14 =	vld.idx.msk [tilespmem:v15+s30+$0x0], $0xffff;
	_ =	sdelay $0x1  }
0x1c0: {  	v16 =	vld [tilespmem:s5+$0x10];
	_ =	sdelay $0x3  }
0x1c1: {  	[tilespmem:s5+$0x2480] =	vst v14  }
0x1c2: {  	v15 =	vld.idx.msk [tilespmem:v15+s31+$0x0], $0xffff;
	v14 =	vmul.u32 $0x6, v16;
	_ =	sdelay $0x1  }
0x1c3: {  	v14 =	vadd.s32 $0x3, v14;
	_ =	sdelay $0x3  }
0x1c4: {  	[tilespmem:s5+$0xA80] =	vst v15  }
0x1c5: {  	v15 =	vld.idx.msk [tilespmem:v14+s26+$0x0], $0xffff;
	_ =	sdelay $0x3  }
.Ltmp4:
0x1c6: {  	(pc) =	sbr.rel @p0 .LBB2_10-.Ltmp4, $4  }
0x1c7: {  	_ = 	snop  }
0x1c8: {  	[tilespmem:s5+$0x1890] =	vst v15  }
0x1c9: {  	v15 =	vld.idx.msk [tilespmem:v14+s30+$0x0], $0xffff  }
0x1ca: {  	s7 =	sshra.s32 s6, $0x2;
	s6 =	sadd.s32 $0x80, s6  }
0x1cb: {  	v16 =	vld [tilespmem:s7+$0x0];
	_ =	sdelay $0x4  }
0x1cc: {  	[tilespmem:s5+$0x2490] =	vst v15;
	v15 =	vmul.u32 $0x6, v16  }
0x1cd: {  	v14 =	vld.idx.msk [tilespmem:v14+s31+$0x0], $0xffff  }
0x1ce: {  	v15 =	vadd.s32 $0x3, v15;
	_ =	sdelay $0x3  }
0x1cf: {  	[tilespmem:s5+$0xA90] =	vst v14  }
0x1d0: {  	v14 =	vld.idx.msk [tilespmem:v15+s26+$0x0], $0xffff;
	_ =	sdelay $0x4  }
0x1d1: {  	v16 =	vld [tilespmem:s7+$0x10];
	[tilespmem:s7+$0x1880] =	vst v14  }
0x1d2: {  	v14 =	vld.idx.msk [tilespmem:v15+s30+$0x0], $0xffff;
	_ =	sdelay $0x4  }
0x1d3: {  	[tilespmem:s7+$0x2480] =	vst v14;
	v14 =	vmul.u32 $0x6, v16  }
0x1d4: {  	v15 =	vld.idx.msk [tilespmem:v15+s31+$0x0], $0xffff  }
0x1d5: {  	v14 =	vadd.s32 $0x3, v14;
	_ =	sdelay $0x3  }
0x1d6: {  	[tilespmem:s7+$0xA80] =	vst v15  }
0x1d7: {  	v15 =	vld.idx.msk [tilespmem:v14+s26+$0x0], $0xffff;
	_ =	sdelay $0x4  }
0x1d8: {  	[tilespmem:s7+$0x1890] =	vst v15  }
0x1d9: {  	v15 =	vld.idx.msk [tilespmem:v14+s30+$0x0], $0xffff;
	_ =	sdelay $0x4  }
0x1da: {  	[tilespmem:s7+$0x2490] =	vst v15  }
0x1db: {  	v14 =	vld.idx.msk [tilespmem:v14+s31+$0x0], $0xffff;
	_ =	sdelay $0x4  }
0x1dc: {  	[tilespmem:s7+$0xA90] =	vst v14;
	s7 =	simm.s32 $0xA80  }
0x1dd: {  	[hbm4b:s14+s1] =	stream.strided.scatter [tilespmem:s7], [sflag:$0x1], $0x200, s0, s1, $0x38;
	[tilespmem:$0x2C80] =	vst v63  }
0x1de: {  	s6 =	simm.s32 $0x1880  }
0x1df: {  	[hbm4b:s15+s1] =	stream.strided.scatter [tilespmem:s6], [sflag:$0x2], $0x200, s0, s1, $0x38;
	[tilespmem:$0x2C80] =	vst v63  }
0x1e0: {  	s5 =	simm.s32 $0x0;
	s7 =	simm.s32 $0x2480  }
0x1e1: {  	[hbm4b:s16+s1] =	stream.strided.scatter [tilespmem:s7], [sflag:$0x3], $0x200, s0, s1, $0x38;
	[tilespmem:$0x2C80] =	vst v63  }
0x1e2: {  	v14 =	vld [tilespmem:s5+$0x0];
	_ =	sdelay $0x4  }
0x1e3: {  	v14 =	vmul.u32 $0x6, v14;
	_ =	sdelay $0x1  }
0x1e4: {  	v14 =	vadd.s32 $0x4, v14;
	_ =	sdelay $0x4  }
0x1e5: {  	v15 =	vld.idx.msk [tilespmem:v14+s26+$0x0], $0xffff;
	_ =	sdelay $0x4  }
0x1e6: {  	v16 =	vld [tilespmem:s5+$0x10];
	[tilespmem:s5+$0x1A80] =	vst v15  }
0x1e7: {  	v15 =	vld.idx.msk [tilespmem:v14+s30+$0x0], $0xffff;
	_ =	sdelay $0x4  }
0x1e8: {  	[tilespmem:s5+$0x2680] =	vst v15;
	v15 =	vmul.u32 $0x6, v16  }
0x1e9: {  	v16 =	vld.idx.msk [tilespmem:v14+s31+$0x0], $0xffff  }
0x1ea: {  	v14 =	vadd.s32 $0x4, v15;
	_ =	sdelay $0x3  }
0x1eb: {  	[tilespmem:s5+$0xC80] =	vst v16  }
0x1ec: {  	v15 =	vld.idx.msk [tilespmem:v14+s26+$0x0], $0xffff;
	_ =	sdelay $0x4  }
0x1ed: {  	[tilespmem:s5+$0x1A90] =	vst v15  }
0x1ee: {  	s6 =	simm.s32 $0x100;
	s7 =	simm.s32 $0x20;
	v15 =	vld.idx.msk [tilespmem:v14+s30+$0x0], $0xffff  }
.LBB2_12:
0x1ef: {  	p0 =	sne.s32 s6, $0x780;
	v16 =	vld [tilespmem:s7+$0x0];
	_ =	sdelay $0x3  }
0x1f0: {  	[tilespmem:s5+$0x2690] =	vst v15  }
0x1f1: {  	v15 =	vmul.u32 $0x6, v16;
	v14 =	vld.idx.msk [tilespmem:v14+s31+$0x0], $0xffff;
	_ =	sdelay $0x1  }
0x1f2: {  	v15 =	vadd.s32 $0x4, v15;
	_ =	sdelay $0x3  }
0x1f3: {  	[tilespmem:s5+$0xC90] =	vst v14;
	s5 =	smov.u32 s7  }
0x1f4: {  	v14 =	vld.idx.msk [tilespmem:v15+s26+$0x0], $0xffff;
	_ =	sdelay $0x5  }
0x1f5: {  	[tilespmem:s5+$0x1A80] =	vst v14  }
0x1f6: {  	v14 =	vld.idx.msk [tilespmem:v15+s30+$0x0], $0xffff;
	_ =	sdelay $0x1  }
0x1f7: {  	v16 =	vld [tilespmem:s5+$0x10];
	_ =	sdelay $0x3  }
0x1f8: {  	[tilespmem:s5+$0x2680] =	vst v14  }
0x1f9: {  	v15 =	vld.idx.msk [tilespmem:v15+s31+$0x0], $0xffff;
	v14 =	vmul.u32 $0x6, v16;
	_ =	sdelay $0x1  }
0x1fa: {  	v14 =	vadd.s32 $0x4, v14;
	_ =	sdelay $0x3  }
0x1fb: {  	[tilespmem:s5+$0xC80] =	vst v15  }
0x1fc: {  	v15 =	vld.idx.msk [tilespmem:v14+s26+$0x0], $0xffff;
	_ =	sdelay $0x3  }
.Ltmp5:
0x1fd: {  	(pc) =	sbr.rel @p0 .LBB2_12-.Ltmp5, $4  }
0x1fe: {  	_ = 	snop  }
0x1ff: {  	[tilespmem:s5+$0x1A90] =	vst v15  }
0x200: {  	v15 =	vld.idx.msk [tilespmem:v14+s30+$0x0], $0xffff  }
0x201: {  	s7 =	sshra.s32 s6, $0x2;
	s6 =	sadd.s32 $0x80, s6  }
0x202: {  	v16 =	vld [tilespmem:s7+$0x0];
	_ =	sdelay $0x4  }
0x203: {  	[tilespmem:s5+$0x2690] =	vst v15;
	v15 =	vmul.u32 $0x6, v16  }
0x204: {  	v14 =	vld.idx.msk [tilespmem:v14+s31+$0x0], $0xffff  }
0x205: {  	v15 =	vadd.s32 $0x4, v15;
	_ =	sdelay $0x3  }
0x206: {  	[tilespmem:s5+$0xC90] =	vst v14  }
0x207: {  	v14 =	vld.idx.msk [tilespmem:v15+s26+$0x0], $0xffff;
	_ =	sdelay $0x4  }
0x208: {  	v16 =	vld [tilespmem:s7+$0x10];
	[tilespmem:s7+$0x1A80] =	vst v14  }
0x209: {  	v14 =	vld.idx.msk [tilespmem:v15+s30+$0x0], $0xffff;
	_ =	sdelay $0x4  }
0x20a: {  	[tilespmem:s7+$0x2680] =	vst v14;
	v14 =	vmul.u32 $0x6, v16  }
0x20b: {  	v15 =	vld.idx.msk [tilespmem:v15+s31+$0x0], $0xffff  }
0x20c: {  	v14 =	vadd.s32 $0x4, v14;
	_ =	sdelay $0x3  }
0x20d: {  	[tilespmem:s7+$0xC80] =	vst v15  }
0x20e: {  	v15 =	vld.idx.msk [tilespmem:v14+s26+$0x0], $0xffff;
	_ =	sdelay $0x4  }
0x20f: {  	[tilespmem:s7+$0x1A90] =	vst v15  }
0x210: {  	v15 =	vld.idx.msk [tilespmem:v14+s30+$0x0], $0xffff;
	_ =	sdelay $0x4  }
0x211: {  	[tilespmem:s7+$0x2690] =	vst v15  }
0x212: {  	v14 =	vld.idx.msk [tilespmem:v14+s31+$0x0], $0xffff;
	_ =	sdelay $0x4  }
0x213: {  	[tilespmem:s7+$0xC90] =	vst v14;
	s7 =	simm.s32 $0xC80  }
0x214: {  	[hbm4b:s17+s1] =	stream.strided.scatter [tilespmem:s7], [sflag:$0x1], $0x200, s0, s1, $0x38;
	[tilespmem:$0x2C80] =	vst v63  }
0x215: {  	s6 =	simm.s32 $0x1A80  }
0x216: {  	[hbm4b:s18+s1] =	stream.strided.scatter [tilespmem:s6], [sflag:$0x2], $0x200, s0, s1, $0x38;
	[tilespmem:$0x2C80] =	vst v63  }
0x217: {  	s5 =	simm.s32 $0x0;
	s7 =	simm.s32 $0x2680  }
0x218: {  	[hbm4b:s20+s1] =	stream.strided.scatter [tilespmem:s7], [sflag:$0x3], $0x200, s0, s1, $0x38;
	[tilespmem:$0x2C80] =	vst v63  }
0x219: {  	v14 =	vld [tilespmem:s5+$0x0];
	_ =	sdelay $0x4  }
0x21a: {  	v14 =	vmul.u32 $0x6, v14;
	_ =	sdelay $0x1  }
0x21b: {  	v14 =	vadd.s32 $0x5, v14;
	_ =	sdelay $0x4  }
0x21c: {  	v15 =	vld.idx.msk [tilespmem:v14+s26+$0x0], $0xffff;
	_ =	sdelay $0x4  }
0x21d: {  	v16 =	vld [tilespmem:s5+$0x10];
	[tilespmem:s5+$0x1C80] =	vst v15  }
0x21e: {  	v15 =	vld.idx.msk [tilespmem:v14+s30+$0x0], $0xffff;
	_ =	sdelay $0x4  }
0x21f: {  	[tilespmem:s5+$0x2880] =	vst v15;
	v15 =	vmul.u32 $0x6, v16  }
0x220: {  	v16 =	vld.idx.msk [tilespmem:v14+s31+$0x0], $0xffff  }
0x221: {  	v14 =	vadd.s32 $0x5, v15;
	_ =	sdelay $0x3  }
0x222: {  	[tilespmem:s5+$0xE80] =	vst v16  }
0x223: {  	v15 =	vld.idx.msk [tilespmem:v14+s26+$0x0], $0xffff;
	_ =	sdelay $0x4  }
0x224: {  	[tilespmem:s5+$0x1C90] =	vst v15  }
0x225: {  	s6 =	simm.s32 $0x100;
	s7 =	simm.s32 $0x20;
	v15 =	vld.idx.msk [tilespmem:v14+s30+$0x0], $0xffff  }
.LBB2_14:
0x226: {  	p0 =	sne.s32 s6, $0x780;
	v16 =	vld [tilespmem:s7+$0x0];
	_ =	sdelay $0x3  }
0x227: {  	[tilespmem:s5+$0x2890] =	vst v15  }
0x228: {  	v15 =	vmul.u32 $0x6, v16;
	v14 =	vld.idx.msk [tilespmem:v14+s31+$0x0], $0xffff;
	_ =	sdelay $0x1  }
0x229: {  	v15 =	vadd.s32 $0x5, v15;
	_ =	sdelay $0x3  }
0x22a: {  	[tilespmem:s5+$0xE90] =	vst v14;
	s5 =	smov.u32 s7  }
0x22b: {  	v14 =	vld.idx.msk [tilespmem:v15+s26+$0x0], $0xffff;
	_ =	sdelay $0x5  }
0x22c: {  	[tilespmem:s5+$0x1C80] =	vst v14  }
0x22d: {  	v14 =	vld.idx.msk [tilespmem:v15+s30+$0x0], $0xffff;
	_ =	sdelay $0x1  }
0x22e: {  	v16 =	vld [tilespmem:s5+$0x10];
	_ =	sdelay $0x3  }
0x22f: {  	[tilespmem:s5+$0x2880] =	vst v14  }
0x230: {  	v15 =	vld.idx.msk [tilespmem:v15+s31+$0x0], $0xffff;
	v14 =	vmul.u32 $0x6, v16;
	_ =	sdelay $0x1  }
0x231: {  	v14 =	vadd.s32 $0x5, v14;
	_ =	sdelay $0x3  }
0x232: {  	[tilespmem:s5+$0xE80] =	vst v15  }
0x233: {  	v15 =	vld.idx.msk [tilespmem:v14+s26+$0x0], $0xffff;
	_ =	sdelay $0x3  }
.Ltmp6:
0x234: {  	(pc) =	sbr.rel @p0 .LBB2_14-.Ltmp6, $4  }
0x235: {  	_ = 	snop  }
0x236: {  	[tilespmem:s5+$0x1C90] =	vst v15  }
0x237: {  	v15 =	vld.idx.msk [tilespmem:v14+s30+$0x0], $0xffff  }
0x238: {  	s7 =	sshra.s32 s6, $0x2;
	s6 =	sadd.s32 $0x80, s6  }
0x239: {  	v16 =	vld [tilespmem:s7+$0x0];
	_ =	sdelay $0x4  }
0x23a: {  	[tilespmem:s5+$0x2890] =	vst v15;
	v15 =	vmul.u32 $0x6, v16  }
0x23b: {  	v14 =	vld.idx.msk [tilespmem:v14+s31+$0x0], $0xffff  }
0x23c: {  	v15 =	vadd.s32 $0x5, v15;
	_ =	sdelay $0x3  }
0x23d: {  	[tilespmem:s5+$0xE90] =	vst v14  }
0x23e: {  	v14 =	vld.idx.msk [tilespmem:v15+s26+$0x0], $0xffff;
	_ =	sdelay $0x4  }
0x23f: {  	v63 =	vld [tilespmem:s7+$0x10];
	[tilespmem:s7+$0x1C80] =	vst v14  }
0x240: {  	v14 =	vld.idx.msk [tilespmem:v15+s30+$0x0], $0xffff;
	_ =	sdelay $0x4  }
0x241: {  	[tilespmem:s7+$0x2880] =	vst v14;
	v14 =	vmul.u32 $0x6, v63  }
0x242: {  	v15 =	vld.idx.msk [tilespmem:v15+s31+$0x0], $0xffff  }
0x243: {  	v14 =	vadd.s32 $0x5, v14;
	_ =	sdelay $0x3  }
0x244: {  	[tilespmem:s7+$0xE80] =	vst v15  }
0x245: {  	v15 =	vld.idx.msk [tilespmem:v14+s26+$0x0], $0xffff;
	_ =	sdelay $0x4  }
0x246: {  	[tilespmem:s7+$0x1C90] =	vst v15  }
0x247: {  	v15 =	vld.idx.msk [tilespmem:v14+s30+$0x0], $0xffff;
	_ =	sdelay $0x4  }
0x248: {  	[tilespmem:s7+$0x2890] =	vst v15  }
0x249: {  	v14 =	vld.idx.msk [tilespmem:v14+s31+$0x0], $0xffff;
	_ =	sdelay $0x4  }
0x24a: {  	[tilespmem:s7+$0xE90] =	vst v14;
	s7 =	simm.s32 $0xE80  }
0x24b: {  	[hbm4b:s21+s1] =	stream.strided.scatter [tilespmem:s7], [sflag:$0x1], $0x200, s0, s1, $0x38;
	[tilespmem:$0x2C80] =	vst v63  }
0x24c: {  	s6 =	simm.s32 $0x1C80  }
0x24d: {  	[hbm4b:s22+s1] =	stream.strided.scatter [tilespmem:s6], [sflag:$0x2], $0x200, s0, s1, $0x38;
	[tilespmem:$0x2C80] =	vst v63  }
0x24e: {  	s7 =	simm.s32 $0x2880  }
0x24f: {  	[hbm4b:s23+s1] =	stream.strided.scatter [tilespmem:s7], [sflag:$0x3], $0x200, s0, s1, $0x38;
	[tilespmem:$0x2C80] =	vst v63  }
0x250: {  	_ =	swait.ge [sflag:s2], $0x200  }
0x251: {  	[sflag:s2] =	ssyncset.done $0x0  }
0x252: {  	[sflag:s2] =	ssyncadd.s32 $0xFFFFFE00  }
0x253: {  	_ =	swait.ge [sflag:s2], $0x200  }
0x254: {  	[sflag:s2] =	ssyncset.done $0x0  }
0x255: {  	[sflag:s2] =	ssyncadd.s32 $0xFFFFFE00  }
0x256: {  	_ =	swait.ge [sflag:s28], $0x200  }
0x257: {  	[sflag:s28] =	ssyncset.done $0x0  }
0x258: {  	[sflag:s28] =	ssyncadd.s32 $0xFFFFFE00  }
0x259: {  	_ =	swait.ge [sflag:s29], $0x200  }
0x25a: {  	[sflag:s29] =	ssyncset.done $0x0  }
0x25b: {  	[sflag:s29] =	ssyncadd.s32 $0xFFFFFE00  }
0x25c: {  	_ =	swait.ge [sflag:s3], $0x200  }
0x25d: {  	[sflag:s3] =	ssyncset.done $0x0  }
0x25e: {  	[sflag:s3] =	ssyncadd.s32 $0xFFFFFE00  }
0x25f: {  	_ =	swait.ge [sflag:s28], $0x200  }
0x260: {  	[sflag:s28] =	ssyncset.done $0x0  }
0x261: {  	[sflag:s28] =	ssyncadd.s32 $0xFFFFFE00  }
0x262: {  	_ =	swait.ge [sflag:s29], $0x200  }
0x263: {  	[sflag:s29] =	ssyncset.done $0x0  }
0x264: {  	[sflag:s29] =	ssyncadd.s32 $0xFFFFFE00  }
0x265: {  	_ =	swait.ge [sflag:s3], $0x200  }
0x266: {  	[sflag:s3] =	ssyncset.done $0x0  }
0x267: {  	[sflag:s3] =	ssyncadd.s32 $0xFFFFFE00  }
0x268: {  	_ =	swait.ge [sflag:s28], $0x200  }
0x269: {  	[sflag:s28] =	ssyncset.done $0x0  }
0x26a: {  	[sflag:s28] =	ssyncadd.s32 $0xFFFFFE00  }
0x26b: {  	_ =	swait.ge [sflag:s29], $0x200  }
0x26c: {  	[sflag:s29] =	ssyncset.done $0x0  }
0x26d: {  	[sflag:s29] =	ssyncadd.s32 $0xFFFFFE00  }
0x26e: {  	_ =	swait.ge [sflag:s3], $0x200  }
0x26f: {  	[sflag:s3] =	ssyncset.done $0x0  }
0x270: {  	[sflag:s3] =	ssyncadd.s32 $0xFFFFFE00  }
0x271: {  	_ =	swait.ge [sflag:s28], $0x200  }
0x272: {  	[sflag:s28] =	ssyncset.done $0x0  }
0x273: {  	[sflag:s28] =	ssyncadd.s32 $0xFFFFFE00  }
0x274: {  	_ =	swait.ge [sflag:s29], $0x200  }
0x275: {  	[sflag:s29] =	ssyncset.done $0x0  }
0x276: {  	[sflag:s29] =	ssyncadd.s32 $0xFFFFFE00  }
0x277: {  	_ =	swait.ge [sflag:s3], $0x200  }
0x278: {  	[sflag:s3] =	ssyncset.done $0x0  }
0x279: {  	[sflag:s3] =	ssyncadd.s32 $0xFFFFFE00  }
0x27a: {  	_ =	swait.ge [sflag:s28], $0x200  }
0x27b: {  	[sflag:s28] =	ssyncset.done $0x0  }
0x27c: {  	[sflag:s28] =	ssyncadd.s32 $0xFFFFFE00  }
0x27d: {  	_ =	swait.ge [sflag:s29], $0x200  }
0x27e: {  	[sflag:s29] =	ssyncset.done $0x0  }
0x27f: {  	[sflag:s29] =	ssyncadd.s32 $0xFFFFFE00  }
0x280: {  	_ =	swait.ge [sflag:s3], $0x200  }
0x281: {  	[sflag:s3] =	ssyncset.done $0x0  }
0x282: {  	[sflag:s3] =	ssyncadd.s32 $0xFFFFFE00  }
0x283: {  	_ =	swait.ge [sflag:s28], $0x200  }
0x284: {  	[sflag:s28] =	ssyncset.done $0x0  }
0x285: {  	s4 =	sadd.s32 $0x1, s4;
	[sflag:s28] =	ssyncadd.s32 $0xFFFFFE00  }
0x286: {  	p0 =	sne.s32 s4, s25;
	_ =	swait.ge [sflag:s29], $0x200  }
.Ltmp7:
0x287: {  	[sflag:s29] =	ssyncset.done $0x0;
	(pc) =	sbr.rel @p0 .LBB2_1-.Ltmp7, $4  }
0x288: {  	[sflag:s29] =	ssyncadd.s32 $0xFFFFFE00  }
0x289: {  	_ =	swait.ge [sflag:s3], $0x200  }
0x28a: {  	[sflag:s3] =	ssyncset.done $0x0  }
0x28b: {  	[sflag:s3] =	ssyncadd.s32 $0xFFFFFE00  }
0x28c: {  	_ =	sfence.sel $0x180000  }
0x28d: {  	[bflag:$0x0] =	sbarrier.arrive $0xFFFF  }
0x28e: {  	_ =	strace $0x90000047  }
0x28f: {  	s0 =	stileid.u32;
	[bflag:$0x2] =	sbarrier.arrive $0xFFFF  }
0x290: {  	p0 =	sne.s32 s0, $0x0;
	s0 =	rddreg [dreg:$0x7]  }
0x291: {  	s0 =	sadd.s32 @!p0 $0x100000, s0  }
0x292: {  	[sflag:s0] =	ssyncadd.tile.s32 @!p0 $0x1;
	_ =	shalt  }
.Lfunc_end2:
_tile_overlayer_lowered:
.L_overlay_start_2:
0x293: {  	(tag) =	ssettag $0x2  }
0x294: {  	s0 =	rddreg [dreg:$0x0];
	s2 =	stileid.u32  }
0x295: {  	s1 =	rddreg [dreg:$0x1];
	p0 =	sne.s32 s2, $0x0  }
0x296: {  	s3 =	rddreg [dreg:$0x2];
	[bflag:$0x3] =	sbarrier.arrive $0xFFFF;
	s2 =	simm.s32 @!p0 $0x1C05  }
0x297: {  	[timem:s3], [sflag:s2] =	dma.local @!p0 [hbm:s0], s1  }
0x298: {  	s0 =	simm.s32 @!p0 $0x5  }
0x299: {  	_ =	swait.ge @!p0 [sflag:s0], s1  }
0x29a: {  	s1 =	ssub.s32 @!p0 $0x0, s1;
	[sflag:s0] =	ssyncset.done @!p0 $0x0  }
0x29b: {  	[sflag:s0] =	ssyncadd.s32 @!p0 s1  }
0x29c: {  	[bflag:$0x3] =	sbarrier.arrive $0xFFFF  }
0x29d: {  	_ =	shalt  }

</sc_bundles>
